<compile_context>
chip_gen: v7x
topology: tpu7x:2x2x1
jax: 0.10.2.dev20260603
libtpu: 0.0.44.dev20260713+nightly
codegen_flags: <defaults>
</compile_context>

<pallas_src>
import functools

import jax
import jax.numpy as jnp
from jax import lax
from jax.experimental import pallas as pl
from jax.experimental.pallas import tpu as pltpu
from jax.experimental.pallas import tpu_sc as plsc

_N = 10000
_E = 320000
_DIN = 128
_H = 32
_DOUT = 10
_G = 64

_NC = 2
_NS = 16
_NW = _NC * _NS
_C = 128
_K = 80
_NBUF = 4
_PW = _K * _C
_EP = _NW * _PW
_NPAD = 10112
_NPS = _NPAD // _NS

_mesh = plsc.VectorSubcoreMesh(
    core_axis_name="c", subcore_axis_name="s", num_cores=_NC, num_subcores=_NS)



def _deg_body(col_hbm, out_hbm, colv, hist):
  cid = lax.axis_index("c")
  sid = lax.axis_index("s")
  wid = sid * _NC + cid
  pltpu.sync_copy(col_hbm.at[wid], colv)
  zeros16 = jnp.zeros((16,), jnp.float32)
  ones16 = jnp.ones((16,), jnp.float32)

  def zero_body(i, _):
    hist[pl.ds(i * 16, 16)] = zeros16
    return 0
  lax.fori_loop(0, _NPAD // 16, zero_body, 0)

  def acc_body(t, _):
    j = t // (_C // 16)
    k = t % (_C // 16)
    idx = colv[j, pl.ds(k * 16, 16)]
    plsc.addupdate_scatter(hist, [idx], ones16)
    return 0
  lax.fori_loop(0, _K * (_C // 16), acc_body, 0)

  pltpu.sync_copy(hist, out_hbm.at[wid])


_deg_call = functools.partial(
    pl.kernel,
    out_type=jax.ShapeDtypeStruct((_NW, _NPAD), jnp.float32),
    mesh=_mesh,
    scratch_types=[
        pltpu.VMEM((_K, _C), jnp.int32),
        pltpu.VMEM((_NPAD,), jnp.float32),
    ],
    compiler_params=pltpu.CompilerParams(needs_layout_passes=False),
)(_deg_body)


def _edge_body(z_hbm, row_hbm, col_hbm, out_hbm,
               rowv, colv, g0, g1, g2, g3, zstage, acc, s0, s1, s2, s3):
  gbufs = (g0, g1, g2, g3)
  gsems = (s0, s1, s2, s3)
  cid = lax.axis_index("c")
  sid = lax.axis_index("s")
  wid = sid * _NC + cid
  zeros16 = jnp.zeros((16,), jnp.float32)

  idx_cp = pltpu.make_async_copy(row_hbm.at[wid], rowv, gsems[0])
  idx_cp.start()
  idx_cp2 = pltpu.make_async_copy(col_hbm.at[wid], colv, gsems[1])
  idx_cp2.start()

  def zero_body(i, _):
    zstage[i, pl.ds(0, 16)] = zeros16
    zstage[i, pl.ds(16, 16)] = zeros16
    return 0
  lax.fori_loop(0, _NPS, zero_body, 0)
  pltpu.sync_copy(zstage, acc.at[pl.ds(sid * _NPS, _NPS)])
  idx_cp.wait()
  idx_cp2.wait()
  plsc.subcore_barrier()

  for b in range(_NBUF):
    pltpu.async_copy(z_hbm.at[rowv.at[b]], gbufs[b], gsems[b])

  def ring_body(g, _):
    for b in range(_NBUF):
      j = g * _NBUF + b
      pltpu.make_async_copy(
          z_hbm.at[rowv.at[j]], gbufs[b], gsems[b]).wait()
      pltpu.sync_copy(gbufs[b], acc.at[colv.at[j]], add=True)
      pltpu.async_copy(z_hbm.at[rowv.at[j + _NBUF]], gbufs[b], gsems[b])
    return 0
  lax.fori_loop(0, _K // _NBUF - 1, ring_body, 0)

  for b in range(_NBUF):
    j = _K - _NBUF + b
    pltpu.make_async_copy(
        z_hbm.at[rowv.at[j]], gbufs[b], gsems[b]).wait()
    pltpu.sync_copy(gbufs[b], acc.at[colv.at[j]], add=True)

  plsc.subcore_barrier()
  pltpu.sync_copy(acc.at[pl.ds(sid * _NPS, _NPS)],
                  out_hbm.at[cid, pl.ds(sid * _NPS, _NPS)])


_edge_call = functools.partial(
    pl.kernel,
    out_type=jax.ShapeDtypeStruct((_NC, _NPAD, _H), jnp.float32),
    mesh=_mesh,
    scratch_types=[
        pltpu.VMEM((_K, _C), jnp.int32),
        pltpu.VMEM((_K, _C), jnp.int32),
        pltpu.VMEM((_C, _H), jnp.float32),
        pltpu.VMEM((_C, _H), jnp.float32),
        pltpu.VMEM((_C, _H), jnp.float32),
        pltpu.VMEM((_C, _H), jnp.float32),
        pltpu.VMEM((_NPS, _H), jnp.float32),
        pltpu.VMEM_SHARED((_NPAD, _H), jnp.float32),
        pltpu.SemaphoreType.DMA,
        pltpu.SemaphoreType.DMA,
        pltpu.SemaphoreType.DMA,
        pltpu.SemaphoreType.DMA,
    ],
    compiler_params=pltpu.CompilerParams(use_tc_tiling_on_sc=False),
)(_edge_body)



def _tc1_body(degp_ref, x_ref, w1_ref, dis_ref, z1_ref):
  ones = jnp.ones((_NW, _H), jnp.float32)
  deg = lax.dot_general(degp_ref[...], ones, (((0,), (0,)), ((), ())),
                        preferred_element_type=jnp.float32) + 1.0
  dis = lax.rsqrt(deg)
  dis_ref[...] = dis
  z1_ref[...] = dis * jnp.dot(x_ref[...], w1_ref[...],
                              preferred_element_type=jnp.float32)


def _tc_mid_body(accp_ref, z_ref, dis_ref, b_ref, w_ref, zo_ref):
  dis = dis_ref[...]
  s = accp_ref[0] + accp_ref[1] + z_ref[...]
  h = jnp.maximum(dis * s + b_ref[...], 0.0)
  zo_ref[...] = dis * jnp.dot(h, w_ref[...], preferred_element_type=jnp.float32)


def _tc_fin_body(accp_ref, z_ref, dis_ref, b3_ref, batch_ref, wl_ref, bl_ref,
                 out_ref):
  o3 = dis_ref[...] * (accp_ref[0] + accp_ref[1] + z_ref[...]) + b3_ref[...]
  gid = lax.broadcasted_iota(jnp.int32, (_G, _NPAD), 0)
  m = (gid == batch_ref[...]).astype(jnp.float32)
  sums = jnp.dot(m, o3, preferred_element_type=jnp.float32)
  counts = jnp.sum(m, axis=1, keepdims=True)
  pooled = sums / jnp.maximum(counts, 1.0)
  out_ref[...] = jnp.dot(pooled, wl_ref[...],
                         preferred_element_type=jnp.float32) + bl_ref[...]


def kernel(x, edge_index, batch, W1, b1, W2, b2, W3, b3, Wl, bl):
  row = edge_index[0]
  col = edge_index[1]
  pad = _EP - _E
  rowp = jnp.concatenate(
      [row, jnp.zeros((pad,), jnp.int32)]).reshape(_NW, _K, _C)
  colp = jnp.concatenate(
      [col, jnp.full((pad,), _N, jnp.int32)]).reshape(_NW, _K, _C)
  xp = jnp.pad(x.astype(jnp.float32), ((0, _NPAD - _N), (0, 0)))
  batchp = jnp.pad(batch, (0, _NPAD - _N),
                   constant_values=_G).reshape(1, _NPAD)
  b1r = b1.reshape(1, _H)
  b2r = b2.reshape(1, _H)
  b3r = b3.reshape(1, _H)
  blr = bl.reshape(1, _DOUT)

  degp = _deg_call(colp)

  dis, z1 = pl.pallas_call(
      _tc1_body,
      out_shape=(jax.ShapeDtypeStruct((_NPAD, _H), jnp.float32),
                 jax.ShapeDtypeStruct((_NPAD, _H), jnp.float32)),
  )(degp, xp, W1)

  acc1 = _edge_call(z1, rowp, colp)

  z2 = pl.pallas_call(
      _tc_mid_body,
      out_shape=jax.ShapeDtypeStruct((_NPAD, _H), jnp.float32),
  )(acc1, z1, dis, b1r, W2)

  acc2 = _edge_call(z2, rowp, colp)

  z3 = pl.pallas_call(
      _tc_mid_body,
      out_shape=jax.ShapeDtypeStruct((_NPAD, _H), jnp.float32),
  )(acc2, z2, dis, b2r, W3)

  acc3 = _edge_call(z3, rowp, colp)

  out = pl.pallas_call(
      _tc_fin_body,
      out_shape=jax.ShapeDtypeStruct((_G, _DOUT), jnp.float32),
  )(acc3, z3, dis, b3r, batchp, Wl, blr)

  return out

# --- scband reference (transcript-rebuilt; emitter-appended) ---
"""Pipeline reference for scband-gcn-27771258536143 (READ-ONLY COPY).

The authoritative reference and input builder live on the scoring server;
editing this copy changes nothing except your own understanding.
"""

import jax, jax.numpy as jnp
import numpy as np

N = 10000
E = 320000
DIN = 128
H = 32
DOUT = 10
G = 64


def setup_inputs(seed: int = 0) -> dict:
    key = jax.random.key(seed)
    ks = jax.random.split(key, 12)
    x = jax.random.normal(ks[0], (N, DIN), dtype=jnp.float32)
    edge_index = jax.random.randint(ks[1], (2, E), 0, N, dtype=jnp.int32)
    batch = jnp.sort(jax.random.randint(ks[2], (N,), 0, G, dtype=jnp.int32))
    W1 = jax.random.normal(ks[3], (DIN, H), dtype=jnp.float32) * (1.0 / np.sqrt(DIN))
    b1 = jnp.zeros((H,), dtype=jnp.float32)
    W2 = jax.random.normal(ks[4], (H, H), dtype=jnp.float32) * (1.0 / np.sqrt(H))
    b2 = jnp.zeros((H,), dtype=jnp.float32)
    W3 = jax.random.normal(ks[5], (H, H), dtype=jnp.float32) * (1.0 / np.sqrt(H))
    b3 = jnp.zeros((H,), dtype=jnp.float32)
    Wl = jax.random.normal(ks[6], (H, DOUT), dtype=jnp.float32) * (1.0 / np.sqrt(H))
    bl = jnp.zeros((DOUT,), dtype=jnp.float32)
    return {"x": x, "edge_index": edge_index, "batch": batch,
            "W1": W1, "b1": b1, "W2": W2, "b2": b2, "W3": W3, "b3": b3,
            "Wl": Wl, "bl": bl}


def _gcn_conv(x, edge_index, W, b):
    # GCNConv: add self-loops, symmetric normalization D^-1/2 (A+I) D^-1/2 x W + b
    loop = jnp.arange(N, dtype=edge_index.dtype)
    row = jnp.concatenate([edge_index[0], loop])
    col = jnp.concatenate([edge_index[1], loop])
    deg = jnp.zeros((N,), dtype=x.dtype).at[col].add(1.0)
    dis = jnp.where(deg > 0, 1.0 / jnp.sqrt(deg), 0.0)
    norm = dis[row] * dis[col]
    xw = x @ W
    msg = xw[row] * norm[:, None]
    out = jnp.zeros((N, xw.shape[1]), dtype=x.dtype).at[col].add(msg)
    return out + b


def reference(x, edge_index, batch, W1, b1, W2, b2, W3, b3, Wl, bl):
    h = x.astype(jnp.float32)
    h = _gcn_conv(h, edge_index, W1, b1)
    h = jax.nn.relu(h)
    h = _gcn_conv(h, edge_index, W2, b2)
    h = jax.nn.relu(h)
    h = _gcn_conv(h, edge_index, W3, b3)
    # global_mean_pool over batch segment ids
    sums = jax.ops.segment_sum(h, batch, num_segments=G)
    counts = jax.ops.segment_sum(jnp.ones((N,), dtype=h.dtype), batch, num_segments=G)
    pooled = sums / jnp.maximum(counts, 1.0)[:, None]
    # dropout p=0.5 is identity in eval mode
    out = pooled @ Wl + bl
    return out

if __name__ == "__main__":
    import jax
    _d = setup_inputs()
    print(jax.jit(kernel)(*tuple(_d.values())))

</pallas_src>

<mosaic_0001>
#map = affine_map<(d0, d1) -> (0, 0, 0)>
#map1 = affine_map<(d0, d1) -> (0, 0)>
module attributes {stable_mosaic.version = 14 : i64} {
  func.func @_deg_body(%arg0: i32, %arg1: i32, %arg2: memref<32x80x128xi32, #tpu.memory_space<hbm>>, %arg3: memref<32x10112xf32, #tpu.memory_space<hbm>>, %arg4: memref<80x128xi32, #tpu.memory_space<vmem>>, %arg5: memref<10112xf32, #tpu.memory_space<vmem>>) attributes {dimension_semantics = [#tpu.dimension_semantics<core_parallel>, #tpu.dimension_semantics<subcore_parallel>], iteration_bounds = array<i64: 2, 16>, scalar_prefetch = 0 : i64, scratch_operands = 2 : i64, tpu.core_type = #tpu.core_type<sc_vector_subcore>, window_params = [{transform_indices = #map}, {transform_indices = #map1}]} {
    %mul3A = arith.constant 2 : i32
    %mul3A_0 = arith.muli %arg1, %mul3A : i32
    %add3A = arith.addi %mul3A_0, %arg0 : i32
    "tpu.region"() ({
      %run_scoped3A = tpu.sem_alloc : memref<!tpu.dma_semaphore, #tpu.memory_space<semaphore_mem>>
      %dma_start3A = arith.constant 0 : i32
      %dma_start3A_17 = arith.constant 0 : i32
      %dma_start3A_18 = tpu.memref_slice %arg2[%add3A, %dma_start3A, %dma_start3A_17] : memref<32x80x128xi32, #tpu.memory_space<hbm>> -> memref<1x80x128xi32, #tpu.memory_space<hbm>>
      %dma_start3A_19 = tpu.memref_squeeze %dma_start3A_18 : memref<1x80x128xi32, #tpu.memory_space<hbm>> -> memref<80x128xi32, #tpu.memory_space<hbm>>
      %dma_start3A_20 = arith.constant 0 : i32
      %dma_start3A_21 = arith.constant 0 : i32
      %dma_start3A_22 = tpu.memref_slice %arg2[%add3A, %dma_start3A_20, %dma_start3A_21] : memref<32x80x128xi32, #tpu.memory_space<hbm>> -> memref<1x80x128xi32, #tpu.memory_space<hbm>>
      %dma_start3A_23 = tpu.memref_squeeze %dma_start3A_22 : memref<1x80x128xi32, #tpu.memory_space<hbm>> -> memref<80x128xi32, #tpu.memory_space<hbm>>
      tpu.enqueue_dma source(%dma_start3A_23 : memref<80x128xi32, #tpu.memory_space<hbm>>) target(%arg4 : memref<80x128xi32, #tpu.memory_space<vmem>>) target_semaphore(%run_scoped3A : memref<!tpu.dma_semaphore, #tpu.memory_space<semaphore_mem>>)
      %dma_wait3A = arith.constant 0 : i32
      %dma_wait3A_24 = arith.constant 0 : i32
      %dma_wait3A_25 = tpu.memref_slice %arg2[%add3A, %dma_wait3A, %dma_wait3A_24] : memref<32x80x128xi32, #tpu.memory_space<hbm>> -> memref<1x80x128xi32, #tpu.memory_space<hbm>>
      %dma_wait3A_26 = tpu.memref_squeeze %dma_wait3A_25 : memref<1x80x128xi32, #tpu.memory_space<hbm>> -> memref<80x128xi32, #tpu.memory_space<hbm>>
      %dma_wait3A_27 = arith.constant 0 : i32
      %dma_wait3A_28 = arith.constant 0 : i32
      %dma_wait3A_29 = tpu.memref_slice %arg2[%add3A, %dma_wait3A_27, %dma_wait3A_28] : memref<32x80x128xi32, #tpu.memory_space<hbm>> -> memref<1x80x128xi32, #tpu.memory_space<hbm>>
      %dma_wait3A_30 = tpu.memref_squeeze %dma_wait3A_29 : memref<1x80x128xi32, #tpu.memory_space<hbm>> -> memref<80x128xi32, #tpu.memory_space<hbm>>
      tpu.wait_dma2 semaphore(%run_scoped3A : memref<!tpu.dma_semaphore, #tpu.memory_space<semaphore_mem>>) src(%dma_wait3A_30 : memref<80x128xi32, #tpu.memory_space<hbm>>) dst(%arg4 : memref<80x128xi32, #tpu.memory_space<vmem>>)
      tpu.yield
    }) : () -> ()
    %broadcast_in_dim3A = arith.constant 0.000000e+00 : f32
    %broadcast_in_dim3A_1 = vector.broadcast %broadcast_in_dim3A : f32 to vector<16xf32>
    %broadcast_in_dim3A_2 = arith.constant 1.000000e+00 : f32
    %broadcast_in_dim3A_3 = vector.broadcast %broadcast_in_dim3A_2 : f32 to vector<16xf32>
    %scan3A = arith.constant 0 : i32
    %scan3A_4 = arith.constant 0 : i32
    %scan3A_5 = arith.constant 632 : i32
    %scan3A_6 = arith.addi %scan3A_4, %scan3A_5 : i32
    %scan3A_7 = arith.constant 1 : i32
    %scan3A_8 = scf.for %scan3A_17 = %scan3A_4 to %scan3A_6 step %scan3A_7 iter_args(%scan3A_18 = %scan3A) -> (i32)  : i32 {
      %mul3A_19 = arith.constant 16 : i32
      %mul3A_20 = arith.muli %scan3A_17, %mul3A_19 : i32
      %swap3A = arith.index_cast %mul3A_20 : i32 to index
      %swap3A_21 = tpu.vector_load %arg5[%swap3A] {strides = array<i32>} : memref<10112xf32, #tpu.memory_space<vmem>>, vector<16xf32>,
      tpu.vector_store %arg5[%swap3A], %broadcast_in_dim3A_1 {strides = array<i32>} : memref<10112xf32, #tpu.memory_space<vmem>>, vector<16xf32>,
      %scan3A_22 = arith.constant 0 : i32
      scf.yield %scan3A_22 : i32
    }
    %scan3A_9 = arith.constant 632 : i32
    %scan3A_10 = arith.constant 0 : i32
    %scan3A_11 = arith.constant 0 : i32
    %scan3A_12 = arith.constant 640 : i32
    %scan3A_13 = arith.addi %scan3A_11, %scan3A_12 : i32
    %scan3A_14 = arith.constant 1 : i32
    %scan3A_15 = scf.for %scan3A_17 = %scan3A_11 to %scan3A_13 step %scan3A_14 iter_args(%scan3A_18 = %scan3A_10) -> (i32)  : i32 {
      %jit3A = arith.constant 8 : i32
      %div3A = arith.divsi %scan3A_17, %jit3A : i32
      %sign3A = arith.constant 0 : i32
      %sign3A_19 = arith.cmpi sgt, %scan3A_17, %sign3A : i32
      %sign3A_20 = arith.extui %sign3A_19 : i1 to i32
      %sign3A_21 = arith.constant 0 : i32
      %sign3A_22 = arith.cmpi slt, %scan3A_17, %sign3A_21 : i32
      %sign3A_23 = arith.extui %sign3A_22 : i1 to i32
      %sign3A_24 = arith.subi %sign3A_20, %sign3A_23 : i32
      %sign3A_25 = arith.constant 0 : i32
      %sign3A_26 = arith.cmpi sgt, %jit3A, %sign3A_25 : i32
      %sign3A_27 = arith.extui %sign3A_26 : i1 to i32
      %sign3A_28 = arith.constant 0 : i32
      %sign3A_29 = arith.cmpi slt, %jit3A, %sign3A_28 : i32
      %sign3A_30 = arith.extui %sign3A_29 : i1 to i32
      %sign3A_31 = arith.subi %sign3A_27, %sign3A_30 : i32
      %ne3A = arith.cmpi ne, %sign3A_24, %sign3A_31 : i32
      %rem3A = arith.remsi %scan3A_17, %jit3A : i32
      %ne3A_32 = arith.constant 0 : i32
      %ne3A_33 = arith.cmpi ne, %rem3A, %ne3A_32 : i32
      %and3A = arith.andi %ne3A, %ne3A_33 : i1
      %sub3A = arith.constant 1 : i32
      %sub3A_34 = arith.subi %div3A, %sub3A : i32
      %select_n3A = arith.select %and3A, %sub3A_34, %div3A : i32
      %jit3A_35 = arith.constant 8 : i32
      %eq3A = arith.constant 0 : i32
      %eq3A_36 = arith.cmpi eq, %jit3A_35, %eq3A : i32
      %jit3A_37 = arith.constant 1 : i32
      %select_n3A_38 = arith.select %eq3A_36, %jit3A_37, %jit3A_35 : i32
      %rem3A_39 = arith.remsi %scan3A_17, %select_n3A_38 : i32
      %ne3A_40 = arith.constant 0 : i32
      %ne3A_41 = arith.cmpi ne, %rem3A_39, %ne3A_40 : i32
      %lt3A = arith.constant 0 : i32
      %lt3A_42 = arith.cmpi slt, %rem3A_39, %lt3A : i32
      %lt3A_43 = arith.constant 0 : i32
      %lt3A_44 = arith.cmpi slt, %select_n3A_38, %lt3A_43 : i32
      %ne3A_45 = arith.xori %lt3A_42, %lt3A_44 : i1
      %and3A_46 = arith.andi %ne3A_45, %ne3A_41 : i1
      %add3A_47 = arith.addi %rem3A_39, %select_n3A_38 : i32
      %select_n3A_48 = arith.select %and3A_46, %add3A_47, %rem3A_39 : i32
      %mul3A_49 = arith.constant 16 : i32
      %mul3A_50 = arith.muli %select_n3A_48, %mul3A_49 : i32
      %get3A = arith.index_cast %select_n3A : i32 to index
      %get3A_51 = arith.index_cast %mul3A_50 : i32 to index
      %get3A_52 = tpu.vector_load %arg4[%get3A, %get3A_51] {strides = array<i32>} : memref<80x128xi32, #tpu.memory_space<vmem>>, vector<16xi32>,
      tpu.vector_store_idx %arg5[%get3A_52], %broadcast_in_dim3A_3 {add = true} : memref<10112xf32, #tpu.memory_space<vmem>>[vector<16xi32>], vector<16xf32>,
      %scan3A_53 = arith.constant 0 : i32
      scf.yield %scan3A_53 : i32
    }
    %scan3A_16 = arith.constant 640 : i32
    "tpu.region"() ({
      %run_scoped3A = tpu.sem_alloc : memref<!tpu.dma_semaphore, #tpu.memory_space<semaphore_mem>>
      %dma_start3A = arith.constant 0 : i32
      %dma_start3A_17 = tpu.memref_slice %arg3[%add3A, %dma_start3A] : memref<32x10112xf32, #tpu.memory_space<hbm>> -> memref<1x10112xf32, #tpu.memory_space<hbm>>
      %dma_start3A_18 = tpu.memref_squeeze %dma_start3A_17 : memref<1x10112xf32, #tpu.memory_space<hbm>> -> memref<10112xf32, #tpu.memory_space<hbm>>
      %dma_start3A_19 = arith.constant 0 : i32
      %dma_start3A_20 = tpu.memref_slice %arg3[%add3A, %dma_start3A_19] : memref<32x10112xf32, #tpu.memory_space<hbm>> -> memref<1x10112xf32, #tpu.memory_space<hbm>>
      %dma_start3A_21 = tpu.memref_squeeze %dma_start3A_20 : memref<1x10112xf32, #tpu.memory_space<hbm>> -> memref<10112xf32, #tpu.memory_space<hbm>>
      tpu.enqueue_dma source(%arg5 : memref<10112xf32, #tpu.memory_space<vmem>>) target(%dma_start3A_21 : memref<10112xf32, #tpu.memory_space<hbm>>) target_semaphore(%run_scoped3A : memref<!tpu.dma_semaphore, #tpu.memory_space<semaphore_mem>>)
      %dma_wait3A = arith.constant 0 : i32
      %dma_wait3A_22 = tpu.memref_slice %arg3[%add3A, %dma_wait3A] : memref<32x10112xf32, #tpu.memory_space<hbm>> -> memref<1x10112xf32, #tpu.memory_space<hbm>>
      %dma_wait3A_23 = tpu.memref_squeeze %dma_wait3A_22 : memref<1x10112xf32, #tpu.memory_space<hbm>> -> memref<10112xf32, #tpu.memory_space<hbm>>
      %dma_wait3A_24 = arith.constant 0 : i32
      %dma_wait3A_25 = tpu.memref_slice %arg3[%add3A, %dma_wait3A_24] : memref<32x10112xf32, #tpu.memory_space<hbm>> -> memref<1x10112xf32, #tpu.memory_space<hbm>>
      %dma_wait3A_26 = tpu.memref_squeeze %dma_wait3A_25 : memref<1x10112xf32, #tpu.memory_space<hbm>> -> memref<10112xf32, #tpu.memory_space<hbm>>
      tpu.wait_dma2 semaphore(%run_scoped3A : memref<!tpu.dma_semaphore, #tpu.memory_space<semaphore_mem>>) src(%arg5 : memref<10112xf32, #tpu.memory_space<vmem>>) dst(%dma_wait3A_26 : memref<10112xf32, #tpu.memory_space<hbm>>)
      tpu.yield
    }) : () -> ()
    return
  }
}

#map = affine_map<(d0, d1) -> (0, 0)>
#map1 = affine_map<(d0, d1) -> (0, 0, 0)>
module attributes {stable_mosaic.version = 14 : i64} {
  func.func @_edge_body(%arg0: i32, %arg1: i32, %arg2: memref<10112x32xf32, #tpu.memory_space<hbm>>, %arg3: memref<32x80x128xi32, #tpu.memory_space<hbm>>, %arg4: memref<32x80x128xi32, #tpu.memory_space<hbm>>, %arg5: memref<2x10112x32xf32, #tpu.memory_space<hbm>>, %arg6: memref<80x128xi32, #tpu.memory_space<vmem>>, %arg7: memref<80x128xi32, #tpu.memory_space<vmem>>, %arg8: memref<128x32xf32, #tpu.memory_space<vmem>>, %arg9: memref<128x32xf32, #tpu.memory_space<vmem>>, %arg10: memref<128x32xf32, #tpu.memory_space<vmem>>, %arg11: memref<128x32xf32, #tpu.memory_space<vmem>>, %arg12: memref<632x32xf32, #tpu.memory_space<vmem>>, %arg13: memref<10112x32xf32, #tpu.memory_space<vmem_shared>>, %arg14: memref<!tpu.dma_semaphore, #tpu.memory_space<semaphore_mem>>, %arg15: memref<!tpu.dma_semaphore, #tpu.memory_space<semaphore_mem>>, %arg16: memref<!tpu.dma_semaphore, #tpu.memory_space<semaphore_mem>>, %arg17: memref<!tpu.dma_semaphore, #tpu.memory_space<semaphore_mem>>) attributes {dimension_semantics = [#tpu.dimension_semantics<core_parallel>, #tpu.dimension_semantics<subcore_parallel>], iteration_bounds = array<i64: 2, 16>, scalar_prefetch = 0 : i64, scratch_operands = 12 : i64, tpu.core_type = #tpu.core_type<sc_vector_subcore>, window_params = [{transform_indices = #map}, {transform_indices = #map1}, {transform_indices = #map1}, {transform_indices = #map1}]} {
    %mul3A = arith.constant 2 : i32
    %mul3A_0 = arith.muli %arg1, %mul3A : i32
    %add3A = arith.addi %mul3A_0, %arg0 : i32
    %broadcast_in_dim3A = arith.constant 0.000000e+00 : f32
    %broadcast_in_dim3A_1 = vector.broadcast %broadcast_in_dim3A : f32 to vector<16xf32>
    %dma_start3A = arith.constant 0 : i32
    %dma_start3A_2 = arith.constant 0 : i32
    %dma_start3A_3 = tpu.memref_slice %arg3[%add3A, %dma_start3A, %dma_start3A_2] : memref<32x80x128xi32, #tpu.memory_space<hbm>> -> memref<1x80x128xi32, #tpu.memory_space<hbm>>
    %dma_start3A_4 = tpu.memref_squeeze %dma_start3A_3 : memref<1x80x128xi32, #tpu.memory_space<hbm>> -> memref<80x128xi32, #tpu.memory_space<hbm>>
    %dma_start3A_5 = arith.constant 0 : i32
    %dma_start3A_6 = arith.constant 0 : i32
    %dma_start3A_7 = tpu.memref_slice %arg3[%add3A, %dma_start3A_5, %dma_start3A_6] : memref<32x80x128xi32, #tpu.memory_space<hbm>> -> memref<1x80x128xi32, #tpu.memory_space<hbm>>
    %dma_start3A_8 = tpu.memref_squeeze %dma_start3A_7 : memref<1x80x128xi32, #tpu.memory_space<hbm>> -> memref<80x128xi32, #tpu.memory_space<hbm>>
    tpu.enqueue_dma source(%dma_start3A_8 : memref<80x128xi32, #tpu.memory_space<hbm>>) target(%arg6 : memref<80x128xi32, #tpu.memory_space<vmem>>) target_semaphore(%arg14 : memref<!tpu.dma_semaphore, #tpu.memory_space<semaphore_mem>>)
    %dma_start3A_9 = arith.constant 0 : i32
    %dma_start3A_10 = arith.constant 0 : i32
    %dma_start3A_11 = tpu.memref_slice %arg4[%add3A, %dma_start3A_9, %dma_start3A_10] : memref<32x80x128xi32, #tpu.memory_space<hbm>> -> memref<1x80x128xi32, #tpu.memory_space<hbm>>
    %dma_start3A_12 = tpu.memref_squeeze %dma_start3A_11 : memref<1x80x128xi32, #tpu.memory_space<hbm>> -> memref<80x128xi32, #tpu.memory_space<hbm>>
    %dma_start3A_13 = arith.constant 0 : i32
    %dma_start3A_14 = arith.constant 0 : i32
    %dma_start3A_15 = tpu.memref_slice %arg4[%add3A, %dma_start3A_13, %dma_start3A_14] : memref<32x80x128xi32, #tpu.memory_space<hbm>> -> memref<1x80x128xi32, #tpu.memory_space<hbm>>
    %dma_start3A_16 = tpu.memref_squeeze %dma_start3A_15 : memref<1x80x128xi32, #tpu.memory_space<hbm>> -> memref<80x128xi32, #tpu.memory_space<hbm>>
    tpu.enqueue_dma source(%dma_start3A_16 : memref<80x128xi32, #tpu.memory_space<hbm>>) target(%arg7 : memref<80x128xi32, #tpu.memory_space<vmem>>) target_semaphore(%arg15 : memref<!tpu.dma_semaphore, #tpu.memory_space<semaphore_mem>>)
    %scan3A = arith.constant 0 : i32
    %scan3A_17 = arith.constant 0 : i32
    %scan3A_18 = arith.constant 632 : i32
    %scan3A_19 = arith.addi %scan3A_17, %scan3A_18 : i32
    %scan3A_20 = arith.constant 1 : i32
    %scan3A_21 = scf.for %scan3A_111 = %scan3A_17 to %scan3A_19 step %scan3A_20 iter_args(%scan3A_112 = %scan3A) -> (i32)  : i32 {
      %swap3A = arith.index_cast %scan3A_111 : i32 to index
      %swap3A_113 = arith.constant 0 : index
      %swap3A_114 = tpu.vector_load %arg12[%swap3A, %swap3A_113] {strides = array<i32>} : memref<632x32xf32, #tpu.memory_space<vmem>>, vector<1x16xf32>,
      %swap3A_115 = vector.shape_cast %swap3A_114 : vector<1x16xf32> to vector<16xf32>
      %swap3A_116 = vector.shape_cast %broadcast_in_dim3A_1 : vector<16xf32> to vector<1x16xf32>
      tpu.vector_store %arg12[%swap3A, %swap3A_113], %swap3A_116 {strides = array<i32>} : memref<632x32xf32, #tpu.memory_space<vmem>>, vector<1x16xf32>,
      %swap3A_117 = arith.index_cast %scan3A_111 : i32 to index
      %swap3A_118 = arith.constant 16 : index
      %swap3A_119 = tpu.vector_load %arg12[%swap3A_117, %swap3A_118] {strides = array<i32>} : memref<632x32xf32, #tpu.memory_space<vmem>>, vector<1x16xf32>,
      %swap3A_120 = vector.shape_cast %swap3A_119 : vector<1x16xf32> to vector<16xf32>
      %swap3A_121 = vector.shape_cast %broadcast_in_dim3A_1 : vector<16xf32> to vector<1x16xf32>
      tpu.vector_store %arg12[%swap3A_117, %swap3A_118], %swap3A_121 {strides = array<i32>} : memref<632x32xf32, #tpu.memory_space<vmem>>, vector<1x16xf32>,
      %scan3A_122 = arith.constant 0 : i32
      scf.yield %scan3A_122 : i32
    }
    %scan3A_22 = arith.constant 632 : i32
    %mul3A_23 = arith.constant 632 : i32
    %mul3A_24 = arith.muli %arg1, %mul3A_23 : i32
    "tpu.region"() ({
      %run_scoped3A_111 = tpu.sem_alloc : memref<!tpu.dma_semaphore, #tpu.memory_space<semaphore_mem>>
      %dma_start3A_112 = arith.constant 0 : i32
      %dma_start3A_113 = tpu.memref_slice %arg13[%mul3A_24, %dma_start3A_112] : memref<10112x32xf32, #tpu.memory_space<vmem_shared>> -> memref<632x32xf32, #tpu.memory_space<vmem_shared>>
      %dma_start3A_114 = arith.constant 0 : i32
      %dma_start3A_115 = tpu.memref_slice %arg13[%mul3A_24, %dma_start3A_114] : memref<10112x32xf32, #tpu.memory_space<vmem_shared>> -> memref<632x32xf32, #tpu.memory_space<vmem_shared>>
      tpu.enqueue_dma source(%arg12 : memref<632x32xf32, #tpu.memory_space<vmem>>) target(%dma_start3A_115 : memref<632x32xf32, #tpu.memory_space<vmem_shared>>) target_semaphore(%run_scoped3A_111 : memref<!tpu.dma_semaphore, #tpu.memory_space<semaphore_mem>>)
      %dma_wait3A_116 = arith.constant 0 : i32
      %dma_wait3A_117 = tpu.memref_slice %arg13[%mul3A_24, %dma_wait3A_116] : memref<10112x32xf32, #tpu.memory_space<vmem_shared>> -> memref<632x32xf32, #tpu.memory_space<vmem_shared>>
      %dma_wait3A_118 = arith.constant 0 : i32
      %dma_wait3A_119 = tpu.memref_slice %arg13[%mul3A_24, %dma_wait3A_118] : memref<10112x32xf32, #tpu.memory_space<vmem_shared>> -> memref<632x32xf32, #tpu.memory_space<vmem_shared>>
      tpu.wait_dma2 semaphore(%run_scoped3A_111 : memref<!tpu.dma_semaphore, #tpu.memory_space<semaphore_mem>>) src(%arg12 : memref<632x32xf32, #tpu.memory_space<vmem>>) dst(%dma_wait3A_119 : memref<632x32xf32, #tpu.memory_space<vmem_shared>>)
      tpu.yield
    }) : () -> ()
    %dma_wait3A = arith.constant 0 : i32
    %dma_wait3A_25 = arith.constant 0 : i32
    %dma_wait3A_26 = tpu.memref_slice %arg3[%add3A, %dma_wait3A, %dma_wait3A_25] : memref<32x80x128xi32, #tpu.memory_space<hbm>> -> memref<1x80x128xi32, #tpu.memory_space<hbm>>
    %dma_wait3A_27 = tpu.memref_squeeze %dma_wait3A_26 : memref<1x80x128xi32, #tpu.memory_space<hbm>> -> memref<80x128xi32, #tpu.memory_space<hbm>>
    %dma_wait3A_28 = arith.constant 0 : i32
    %dma_wait3A_29 = arith.constant 0 : i32
    %dma_wait3A_30 = tpu.memref_slice %arg3[%add3A, %dma_wait3A_28, %dma_wait3A_29] : memref<32x80x128xi32, #tpu.memory_space<hbm>> -> memref<1x80x128xi32, #tpu.memory_space<hbm>>
    %dma_wait3A_31 = tpu.memref_squeeze %dma_wait3A_30 : memref<1x80x128xi32, #tpu.memory_space<hbm>> -> memref<80x128xi32, #tpu.memory_space<hbm>>
    tpu.wait_dma2 semaphore(%arg14 : memref<!tpu.dma_semaphore, #tpu.memory_space<semaphore_mem>>) src(%dma_wait3A_31 : memref<80x128xi32, #tpu.memory_space<hbm>>) dst(%arg6 : memref<80x128xi32, #tpu.memory_space<vmem>>)
    %dma_wait3A_32 = arith.constant 0 : i32
    %dma_wait3A_33 = arith.constant 0 : i32
    %dma_wait3A_34 = tpu.memref_slice %arg4[%add3A, %dma_wait3A_32, %dma_wait3A_33] : memref<32x80x128xi32, #tpu.memory_space<hbm>> -> memref<1x80x128xi32, #tpu.memory_space<hbm>>
    %dma_wait3A_35 = tpu.memref_squeeze %dma_wait3A_34 : memref<1x80x128xi32, #tpu.memory_space<hbm>> -> memref<80x128xi32, #tpu.memory_space<hbm>>
    %dma_wait3A_36 = arith.constant 0 : i32
    %dma_wait3A_37 = arith.constant 0 : i32
    %dma_wait3A_38 = tpu.memref_slice %arg4[%add3A, %dma_wait3A_36, %dma_wait3A_37] : memref<32x80x128xi32, #tpu.memory_space<hbm>> -> memref<1x80x128xi32, #tpu.memory_space<hbm>>
    %dma_wait3A_39 = tpu.memref_squeeze %dma_wait3A_38 : memref<1x80x128xi32, #tpu.memory_space<hbm>> -> memref<80x128xi32, #tpu.memory_space<hbm>>
    tpu.wait_dma2 semaphore(%arg15 : memref<!tpu.dma_semaphore, #tpu.memory_space<semaphore_mem>>) src(%dma_wait3A_39 : memref<80x128xi32, #tpu.memory_space<hbm>>) dst(%arg7 : memref<80x128xi32, #tpu.memory_space<vmem>>)
    %barrier3A = arith.constant 0 : index
    tpu.barrier barrier_id(%barrier3A)
    %dma_start3A_40 = arith.constant 0 : i32
    %dma_start3A_41 = arith.constant 0 : i32
    %dma_start3A_42 = tpu.memref_slice %arg6[%dma_start3A_40, %dma_start3A_41] : memref<80x128xi32, #tpu.memory_space<vmem>> -> memref<1x128xi32, #tpu.memory_space<vmem>>
    %dma_start3A_43 = tpu.memref_squeeze %dma_start3A_42 : memref<1x128xi32, #tpu.memory_space<vmem>> -> memref<128xi32, #tpu.memory_space<vmem>>
    %dma_start3A_44 = arith.constant 0 : i32
    %dma_start3A_45 = arith.constant 0 : i32
    %dma_start3A_46 = tpu.memref_slice %arg2[%dma_start3A_44, %dma_start3A_45] : memref<10112x32xf32, #tpu.memory_space<hbm>> -> memref<10112x32xf32, #tpu.memory_space<hbm>>
    tpu.enqueue_indirect_dma source(%dma_start3A_46 : memref<10112x32xf32, #tpu.memory_space<hbm>>) target(%arg8 : memref<128x32xf32, #tpu.memory_space<vmem>>) offsets(%dma_start3A_43 : memref<128xi32, #tpu.memory_space<vmem>>) semaphore(%arg14 : memref<!tpu.dma_semaphore, #tpu.memory_space<semaphore_mem>>)
    %dma_start3A_47 = arith.constant 1 : i32
    %dma_start3A_48 = arith.constant 0 : i32
    %dma_start3A_49 = tpu.memref_slice %arg6[%dma_start3A_47, %dma_start3A_48] : memref<80x128xi32, #tpu.memory_space<vmem>> -> memref<1x128xi32, #tpu.memory_space<vmem>>
    %dma_start3A_50 = tpu.memref_squeeze %dma_start3A_49 : memref<1x128xi32, #tpu.memory_space<vmem>> -> memref<128xi32, #tpu.memory_space<vmem>>
    %dma_start3A_51 = arith.constant 0 : i32
    %dma_start3A_52 = arith.constant 0 : i32
    %dma_start3A_53 = tpu.memref_slice %arg2[%dma_start3A_51, %dma_start3A_52] : memref<10112x32xf32, #tpu.memory_space<hbm>> -> memref<10112x32xf32, #tpu.memory_space<hbm>>
    tpu.enqueue_indirect_dma source(%dma_start3A_53 : memref<10112x32xf32, #tpu.memory_space<hbm>>) target(%arg9 : memref<128x32xf32, #tpu.memory_space<vmem>>) offsets(%dma_start3A_50 : memref<128xi32, #tpu.memory_space<vmem>>) semaphore(%arg15 : memref<!tpu.dma_semaphore, #tpu.memory_space<semaphore_mem>>)
    %dma_start3A_54 = arith.constant 2 : i32
    %dma_start3A_55 = arith.constant 0 : i32
    %dma_start3A_56 = tpu.memref_slice %arg6[%dma_start3A_54, %dma_start3A_55] : memref<80x128xi32, #tpu.memory_space<vmem>> -> memref<1x128xi32, #tpu.memory_space<vmem>>
    %dma_start3A_57 = tpu.memref_squeeze %dma_start3A_56 : memref<1x128xi32, #tpu.memory_space<vmem>> -> memref<128xi32, #tpu.memory_space<vmem>>
    %dma_start3A_58 = arith.constant 0 : i32
    %dma_start3A_59 = arith.constant 0 : i32
    %dma_start3A_60 = tpu.memref_slice %arg2[%dma_start3A_58, %dma_start3A_59] : memref<10112x32xf32, #tpu.memory_space<hbm>> -> memref<10112x32xf32, #tpu.memory_space<hbm>>
    tpu.enqueue_indirect_dma source(%dma_start3A_60 : memref<10112x32xf32, #tpu.memory_space<hbm>>) target(%arg10 : memref<128x32xf32, #tpu.memory_space<vmem>>) offsets(%dma_start3A_57 : memref<128xi32, #tpu.memory_space<vmem>>) semaphore(%arg16 : memref<!tpu.dma_semaphore, #tpu.memory_space<semaphore_mem>>)
    %dma_start3A_61 = arith.constant 3 : i32
    %dma_start3A_62 = arith.constant 0 : i32
    %dma_start3A_63 = tpu.memref_slice %arg6[%dma_start3A_61, %dma_start3A_62] : memref<80x128xi32, #tpu.memory_space<vmem>> -> memref<1x128xi32, #tpu.memory_space<vmem>>
    %dma_start3A_64 = tpu.memref_squeeze %dma_start3A_63 : memref<1x128xi32, #tpu.memory_space<vmem>> -> memref<128xi32, #tpu.memory_space<vmem>>
    %dma_start3A_65 = arith.constant 0 : i32
    %dma_start3A_66 = arith.constant 0 : i32
    %dma_start3A_67 = tpu.memref_slice %arg2[%dma_start3A_65, %dma_start3A_66] : memref<10112x32xf32, #tpu.memory_space<hbm>> -> memref<10112x32xf32, #tpu.memory_space<hbm>>
    tpu.enqueue_indirect_dma source(%dma_start3A_67 : memref<10112x32xf32, #tpu.memory_space<hbm>>) target(%arg11 : memref<128x32xf32, #tpu.memory_space<vmem>>) offsets(%dma_start3A_64 : memref<128xi32, #tpu.memory_space<vmem>>) semaphore(%arg17 : memref<!tpu.dma_semaphore, #tpu.memory_space<semaphore_mem>>)
    %scan3A_68 = arith.constant 0 : i32
    %scan3A_69 = arith.constant 0 : i32
    %scan3A_70 = arith.constant 19 : i32
    %scan3A_71 = arith.addi %scan3A_69, %scan3A_70 : i32
    %scan3A_72 = arith.constant 1 : i32
    %scan3A_73 = scf.for %scan3A_111 = %scan3A_69 to %scan3A_71 step %scan3A_72 iter_args(%scan3A_112 = %scan3A_68) -> (i32)  : i32 {
      %mul3A_113 = arith.constant 4 : i32
      %mul3A_114 = arith.muli %scan3A_111, %mul3A_113 : i32
      %add3A_115 = arith.constant 0 : i32
      %add3A_116 = arith.addi %mul3A_114, %add3A_115 : i32
      %dma_wait3A_117 = arith.constant 0 : i32
      %dma_wait3A_118 = tpu.memref_slice %arg6[%add3A_116, %dma_wait3A_117] : memref<80x128xi32, #tpu.memory_space<vmem>> -> memref<1x128xi32, #tpu.memory_space<vmem>>
      %dma_wait3A_119 = tpu.memref_squeeze %dma_wait3A_118 : memref<1x128xi32, #tpu.memory_space<vmem>> -> memref<128xi32, #tpu.memory_space<vmem>>
      %dma_wait3A_120 = arith.constant 0 : i32
      %dma_wait3A_121 = arith.constant 0 : i32
      %dma_wait3A_122 = tpu.memref_slice %arg2[%dma_wait3A_120, %dma_wait3A_121] : memref<10112x32xf32, #tpu.memory_space<hbm>> -> memref<10112x32xf32, #tpu.memory_space<hbm>>
      tpu.wait_indirect_dma semaphore(%arg14 : memref<!tpu.dma_semaphore, #tpu.memory_space<semaphore_mem>>) src(%dma_wait3A_122 : memref<10112x32xf32, #tpu.memory_space<hbm>>) dst(%arg8 : memref<128x32xf32, #tpu.memory_space<vmem>>)
      "tpu.region"() ({
        %run_scoped3A_186 = tpu.sem_alloc : memref<!tpu.dma_semaphore, #tpu.memory_space<semaphore_mem>>
        %dma_start3A_187 = arith.constant 0 : i32
        %dma_start3A_188 = tpu.memref_slice %arg7[%add3A_116, %dma_start3A_187] : memref<80x128xi32, #tpu.memory_space<vmem>> -> memref<1x128xi32, #tpu.memory_space<vmem>>
        %dma_start3A_189 = tpu.memref_squeeze %dma_start3A_188 : memref<1x128xi32, #tpu.memory_space<vmem>> -> memref<128xi32, #tpu.memory_space<vmem>>
        %dma_start3A_190 = arith.constant 0 : i32
        %dma_start3A_191 = arith.constant 0 : i32
        %dma_start3A_192 = tpu.memref_slice %arg13[%dma_start3A_190, %dma_start3A_191] : memref<10112x32xf32, #tpu.memory_space<vmem_shared>> -> memref<10112x32xf32, #tpu.memory_space<vmem_shared>>
        tpu.enqueue_indirect_dma source(%arg8 : memref<128x32xf32, #tpu.memory_space<vmem>>) target(%dma_start3A_192 : memref<10112x32xf32, #tpu.memory_space<vmem_shared>>) offsets(%dma_start3A_189 : memref<128xi32, #tpu.memory_space<vmem>>) semaphore(%run_scoped3A_186 : memref<!tpu.dma_semaphore, #tpu.memory_space<semaphore_mem>>) {add = true}
        %dma_wait3A_193 = arith.constant 0 : i32
        %dma_wait3A_194 = tpu.memref_slice %arg7[%add3A_116, %dma_wait3A_193] : memref<80x128xi32, #tpu.memory_space<vmem>> -> memref<1x128xi32, #tpu.memory_space<vmem>>
        %dma_wait3A_195 = tpu.memref_squeeze %dma_wait3A_194 : memref<1x128xi32, #tpu.memory_space<vmem>> -> memref<128xi32, #tpu.memory_space<vmem>>
        %dma_wait3A_196 = arith.constant 0 : i32
        %dma_wait3A_197 = arith.constant 0 : i32
        %dma_wait3A_198 = tpu.memref_slice %arg13[%dma_wait3A_196, %dma_wait3A_197] : memref<10112x32xf32, #tpu.memory_space<vmem_shared>> -> memref<10112x32xf32, #tpu.memory_space<vmem_shared>>
        tpu.wait_indirect_dma semaphore(%run_scoped3A_186 : memref<!tpu.dma_semaphore, #tpu.memory_space<semaphore_mem>>) src(%arg8 : memref<128x32xf32, #tpu.memory_space<vmem>>) dst(%dma_wait3A_198 : memref<10112x32xf32, #tpu.memory_space<vmem_shared>>)
        tpu.yield
      }) : () -> ()
      %add3A_123 = arith.constant 4 : i32
      %add3A_124 = arith.addi %add3A_116, %add3A_123 : i32
      %dma_start3A_125 = arith.constant 0 : i32
      %dma_start3A_126 = tpu.memref_slice %arg6[%add3A_124, %dma_start3A_125] : memref<80x128xi32, #tpu.memory_space<vmem>> -> memref<1x128xi32, #tpu.memory_space<vmem>>
      %dma_start3A_127 = tpu.memref_squeeze %dma_start3A_126 : memref<1x128xi32, #tpu.memory_space<vmem>> -> memref<128xi32, #tpu.memory_space<vmem>>
      %dma_start3A_128 = arith.constant 0 : i32
      %dma_start3A_129 = arith.constant 0 : i32
      %dma_start3A_130 = tpu.memref_slice %arg2[%dma_start3A_128, %dma_start3A_129] : memref<10112x32xf32, #tpu.memory_space<hbm>> -> memref<10112x32xf32, #tpu.memory_space<hbm>>
      tpu.enqueue_indirect_dma source(%dma_start3A_130 : memref<10112x32xf32, #tpu.memory_space<hbm>>) target(%arg8 : memref<128x32xf32, #tpu.memory_space<vmem>>) offsets(%dma_start3A_127 : memref<128xi32, #tpu.memory_space<vmem>>) semaphore(%arg14 : memref<!tpu.dma_semaphore, #tpu.memory_space<semaphore_mem>>)
      %mul3A_131 = arith.constant 4 : i32
      %mul3A_132 = arith.muli %scan3A_111, %mul3A_131 : i32
      %add3A_133 = arith.constant 1 : i32
      %add3A_134 = arith.addi %mul3A_132, %add3A_133 : i32
      %dma_wait3A_135 = arith.constant 0 : i32
      %dma_wait3A_136 = tpu.memref_slice %arg6[%add3A_134, %dma_wait3A_135] : memref<80x128xi32, #tpu.memory_space<vmem>> -> memref<1x128xi32, #tpu.memory_space<vmem>>
      %dma_wait3A_137 = tpu.memref_squeeze %dma_wait3A_136 : memref<1x128xi32, #tpu.memory_space<vmem>> -> memref<128xi32, #tpu.memory_space<vmem>>
      %dma_wait3A_138 = arith.constant 0 : i32
      %dma_wait3A_139 = arith.constant 0 : i32
      %dma_wait3A_140 = tpu.memref_slice %arg2[%dma_wait3A_138, %dma_wait3A_139] : memref<10112x32xf32, #tpu.memory_space<hbm>> -> memref<10112x32xf32, #tpu.memory_space<hbm>>
      tpu.wait_indirect_dma semaphore(%arg15 : memref<!tpu.dma_semaphore, #tpu.memory_space<semaphore_mem>>) src(%dma_wait3A_140 : memref<10112x32xf32, #tpu.memory_space<hbm>>) dst(%arg9 : memref<128x32xf32, #tpu.memory_space<vmem>>)
      "tpu.region"() ({
        %run_scoped3A_186 = tpu.sem_alloc : memref<!tpu.dma_semaphore, #tpu.memory_space<semaphore_mem>>
        %dma_start3A_187 = arith.constant 0 : i32
        %dma_start3A_188 = tpu.memref_slice %arg7[%add3A_134, %dma_start3A_187] : memref<80x128xi32, #tpu.memory_space<vmem>> -> memref<1x128xi32, #tpu.memory_space<vmem>>
        %dma_start3A_189 = tpu.memref_squeeze %dma_start3A_188 : memref<1x128xi32, #tpu.memory_space<vmem>> -> memref<128xi32, #tpu.memory_space<vmem>>
        %dma_start3A_190 = arith.constant 0 : i32
        %dma_start3A_191 = arith.constant 0 : i32
        %dma_start3A_192 = tpu.memref_slice %arg13[%dma_start3A_190, %dma_start3A_191] : memref<10112x32xf32, #tpu.memory_space<vmem_shared>> -> memref<10112x32xf32, #tpu.memory_space<vmem_shared>>
        tpu.enqueue_indirect_dma source(%arg9 : memref<128x32xf32, #tpu.memory_space<vmem>>) target(%dma_start3A_192 : memref<10112x32xf32, #tpu.memory_space<vmem_shared>>) offsets(%dma_start3A_189 : memref<128xi32, #tpu.memory_space<vmem>>) semaphore(%run_scoped3A_186 : memref<!tpu.dma_semaphore, #tpu.memory_space<semaphore_mem>>) {add = true}
        %dma_wait3A_193 = arith.constant 0 : i32
        %dma_wait3A_194 = tpu.memref_slice %arg7[%add3A_134, %dma_wait3A_193] : memref<80x128xi32, #tpu.memory_space<vmem>> -> memref<1x128xi32, #tpu.memory_space<vmem>>
        %dma_wait3A_195 = tpu.memref_squeeze %dma_wait3A_194 : memref<1x128xi32, #tpu.memory_space<vmem>> -> memref<128xi32, #tpu.memory_space<vmem>>
        %dma_wait3A_196 = arith.constant 0 : i32
        %dma_wait3A_197 = arith.constant 0 : i32
        %dma_wait3A_198 = tpu.memref_slice %arg13[%dma_wait3A_196, %dma_wait3A_197] : memref<10112x32xf32, #tpu.memory_space<vmem_shared>> -> memref<10112x32xf32, #tpu.memory_space<vmem_shared>>
        tpu.wait_indirect_dma semaphore(%run_scoped3A_186 : memref<!tpu.dma_semaphore, #tpu.memory_space<semaphore_mem>>) src(%arg9 : memref<128x32xf32, #tpu.memory_space<vmem>>) dst(%dma_wait3A_198 : memref<10112x32xf32, #tpu.memory_space<vmem_shared>>)
        tpu.yield
      }) : () -> ()
      %add3A_141 = arith.constant 4 : i32
      %add3A_142 = arith.addi %add3A_134, %add3A_141 : i32
      %dma_start3A_143 = arith.constant 0 : i32
      %dma_start3A_144 = tpu.memref_slice %arg6[%add3A_142, %dma_start3A_143] : memref<80x128xi32, #tpu.memory_space<vmem>> -> memref<1x128xi32, #tpu.memory_space<vmem>>
      %dma_start3A_145 = tpu.memref_squeeze %dma_start3A_144 : memref<1x128xi32, #tpu.memory_space<vmem>> -> memref<128xi32, #tpu.memory_space<vmem>>
      %dma_start3A_146 = arith.constant 0 : i32
      %dma_start3A_147 = arith.constant 0 : i32
      %dma_start3A_148 = tpu.memref_slice %arg2[%dma_start3A_146, %dma_start3A_147] : memref<10112x32xf32, #tpu.memory_space<hbm>> -> memref<10112x32xf32, #tpu.memory_space<hbm>>
      tpu.enqueue_indirect_dma source(%dma_start3A_148 : memref<10112x32xf32, #tpu.memory_space<hbm>>) target(%arg9 : memref<128x32xf32, #tpu.memory_space<vmem>>) offsets(%dma_start3A_145 : memref<128xi32, #tpu.memory_space<vmem>>) semaphore(%arg15 : memref<!tpu.dma_semaphore, #tpu.memory_space<semaphore_mem>>)
      %mul3A_149 = arith.constant 4 : i32
      %mul3A_150 = arith.muli %scan3A_111, %mul3A_149 : i32
      %add3A_151 = arith.constant 2 : i32
      %add3A_152 = arith.addi %mul3A_150, %add3A_151 : i32
      %dma_wait3A_153 = arith.constant 0 : i32
      %dma_wait3A_154 = tpu.memref_slice %arg6[%add3A_152, %dma_wait3A_153] : memref<80x128xi32, #tpu.memory_space<vmem>> -> memref<1x128xi32, #tpu.memory_space<vmem>>
      %dma_wait3A_155 = tpu.memref_squeeze %dma_wait3A_154 : memref<1x128xi32, #tpu.memory_space<vmem>> -> memref<128xi32, #tpu.memory_space<vmem>>
      %dma_wait3A_156 = arith.constant 0 : i32
      %dma_wait3A_157 = arith.constant 0 : i32
      %dma_wait3A_158 = tpu.memref_slice %arg2[%dma_wait3A_156, %dma_wait3A_157] : memref<10112x32xf32, #tpu.memory_space<hbm>> -> memref<10112x32xf32, #tpu.memory_space<hbm>>
      tpu.wait_indirect_dma semaphore(%arg16 : memref<!tpu.dma_semaphore, #tpu.memory_space<semaphore_mem>>) src(%dma_wait3A_158 : memref<10112x32xf32, #tpu.memory_space<hbm>>) dst(%arg10 : memref<128x32xf32, #tpu.memory_space<vmem>>)
      "tpu.region"() ({
        %run_scoped3A_186 = tpu.sem_alloc : memref<!tpu.dma_semaphore, #tpu.memory_space<semaphore_mem>>
        %dma_start3A_187 = arith.constant 0 : i32
        %dma_start3A_188 = tpu.memref_slice %arg7[%add3A_152, %dma_start3A_187] : memref<80x128xi32, #tpu.memory_space<vmem>> -> memref<1x128xi32, #tpu.memory_space<vmem>>
        %dma_start3A_189 = tpu.memref_squeeze %dma_start3A_188 : memref<1x128xi32, #tpu.memory_space<vmem>> -> memref<128xi32, #tpu.memory_space<vmem>>
        %dma_start3A_190 = arith.constant 0 : i32
        %dma_start3A_191 = arith.constant 0 : i32
        %dma_start3A_192 = tpu.memref_slice %arg13[%dma_start3A_190, %dma_start3A_191] : memref<10112x32xf32, #tpu.memory_space<vmem_shared>> -> memref<10112x32xf32, #tpu.memory_space<vmem_shared>>
        tpu.enqueue_indirect_dma source(%arg10 : memref<128x32xf32, #tpu.memory_space<vmem>>) target(%dma_start3A_192 : memref<10112x32xf32, #tpu.memory_space<vmem_shared>>) offsets(%dma_start3A_189 : memref<128xi32, #tpu.memory_space<vmem>>) semaphore(%run_scoped3A_186 : memref<!tpu.dma_semaphore, #tpu.memory_space<semaphore_mem>>) {add = true}
        %dma_wait3A_193 = arith.constant 0 : i32
        %dma_wait3A_194 = tpu.memref_slice %arg7[%add3A_152, %dma_wait3A_193] : memref<80x128xi32, #tpu.memory_space<vmem>> -> memref<1x128xi32, #tpu.memory_space<vmem>>
        %dma_wait3A_195 = tpu.memref_squeeze %dma_wait3A_194 : memref<1x128xi32, #tpu.memory_space<vmem>> -> memref<128xi32, #tpu.memory_space<vmem>>
        %dma_wait3A_196 = arith.constant 0 : i32
        %dma_wait3A_197 = arith.constant 0 : i32
        %dma_wait3A_198 = tpu.memref_slice %arg13[%dma_wait3A_196, %dma_wait3A_197] : memref<10112x32xf32, #tpu.memory_space<vmem_shared>> -> memref<10112x32xf32, #tpu.memory_space<vmem_shared>>
        tpu.wait_indirect_dma semaphore(%run_scoped3A_186 : memref<!tpu.dma_semaphore, #tpu.memory_space<semaphore_mem>>) src(%arg10 : memref<128x32xf32, #tpu.memory_space<vmem>>) dst(%dma_wait3A_198 : memref<10112x32xf32, #tpu.memory_space<vmem_shared>>)
        tpu.yield
      }) : () -> ()
      %add3A_159 = arith.constant 4 : i32
      %add3A_160 = arith.addi %add3A_152, %add3A_159 : i32
      %dma_start3A_161 = arith.constant 0 : i32
      %dma_start3A_162 = tpu.memref_slice %arg6[%add3A_160, %dma_start3A_161] : memref<80x128xi32, #tpu.memory_space<vmem>> -> memref<1x128xi32, #tpu.memory_space<vmem>>
      %dma_start3A_163 = tpu.memref_squeeze %dma_start3A_162 : memref<1x128xi32, #tpu.memory_space<vmem>> -> memref<128xi32, #tpu.memory_space<vmem>>
      %dma_start3A_164 = arith.constant 0 : i32
      %dma_start3A_165 = arith.constant 0 : i32
      %dma_start3A_166 = tpu.memref_slice %arg2[%dma_start3A_164, %dma_start3A_165] : memref<10112x32xf32, #tpu.memory_space<hbm>> -> memref<10112x32xf32, #tpu.memory_space<hbm>>
      tpu.enqueue_indirect_dma source(%dma_start3A_166 : memref<10112x32xf32, #tpu.memory_space<hbm>>) target(%arg10 : memref<128x32xf32, #tpu.memory_space<vmem>>) offsets(%dma_start3A_163 : memref<128xi32, #tpu.memory_space<vmem>>) semaphore(%arg16 : memref<!tpu.dma_semaphore, #tpu.memory_space<semaphore_mem>>)
      %mul3A_167 = arith.constant 4 : i32
      %mul3A_168 = arith.muli %scan3A_111, %mul3A_167 : i32
      %add3A_169 = arith.constant 3 : i32
      %add3A_170 = arith.addi %mul3A_168, %add3A_169 : i32
      %dma_wait3A_171 = arith.constant 0 : i32
      %dma_wait3A_172 = tpu.memref_slice %arg6[%add3A_170, %dma_wait3A_171] : memref<80x128xi32, #tpu.memory_space<vmem>> -> memref<1x128xi32, #tpu.memory_space<vmem>>
      %dma_wait3A_173 = tpu.memref_squeeze %dma_wait3A_172 : memref<1x128xi32, #tpu.memory_space<vmem>> -> memref<128xi32, #tpu.memory_space<vmem>>
      %dma_wait3A_174 = arith.constant 0 : i32
      %dma_wait3A_175 = arith.constant 0 : i32
      %dma_wait3A_176 = tpu.memref_slice %arg2[%dma_wait3A_174, %dma_wait3A_175] : memref<10112x32xf32, #tpu.memory_space<hbm>> -> memref<10112x32xf32, #tpu.memory_space<hbm>>
      tpu.wait_indirect_dma semaphore(%arg17 : memref<!tpu.dma_semaphore, #tpu.memory_space<semaphore_mem>>) src(%dma_wait3A_176 : memref<10112x32xf32, #tpu.memory_space<hbm>>) dst(%arg11 : memref<128x32xf32, #tpu.memory_space<vmem>>)
      "tpu.region"() ({
        %run_scoped3A_186 = tpu.sem_alloc : memref<!tpu.dma_semaphore, #tpu.memory_space<semaphore_mem>>
        %dma_start3A_187 = arith.constant 0 : i32
        %dma_start3A_188 = tpu.memref_slice %arg7[%add3A_170, %dma_start3A_187] : memref<80x128xi32, #tpu.memory_space<vmem>> -> memref<1x128xi32, #tpu.memory_space<vmem>>
        %dma_start3A_189 = tpu.memref_squeeze %dma_start3A_188 : memref<1x128xi32, #tpu.memory_space<vmem>> -> memref<128xi32, #tpu.memory_space<vmem>>
        %dma_start3A_190 = arith.constant 0 : i32
        %dma_start3A_191 = arith.constant 0 : i32
        %dma_start3A_192 = tpu.memref_slice %arg13[%dma_start3A_190, %dma_start3A_191] : memref<10112x32xf32, #tpu.memory_space<vmem_shared>> -> memref<10112x32xf32, #tpu.memory_space<vmem_shared>>
        tpu.enqueue_indirect_dma source(%arg11 : memref<128x32xf32, #tpu.memory_space<vmem>>) target(%dma_start3A_192 : memref<10112x32xf32, #tpu.memory_space<vmem_shared>>) offsets(%dma_start3A_189 : memref<128xi32, #tpu.memory_space<vmem>>) semaphore(%run_scoped3A_186 : memref<!tpu.dma_semaphore, #tpu.memory_space<semaphore_mem>>) {add = true}
        %dma_wait3A_193 = arith.constant 0 : i32
        %dma_wait3A_194 = tpu.memref_slice %arg7[%add3A_170, %dma_wait3A_193] : memref<80x128xi32, #tpu.memory_space<vmem>> -> memref<1x128xi32, #tpu.memory_space<vmem>>
        %dma_wait3A_195 = tpu.memref_squeeze %dma_wait3A_194 : memref<1x128xi32, #tpu.memory_space<vmem>> -> memref<128xi32, #tpu.memory_space<vmem>>
        %dma_wait3A_196 = arith.constant 0 : i32
        %dma_wait3A_197 = arith.constant 0 : i32
        %dma_wait3A_198 = tpu.memref_slice %arg13[%dma_wait3A_196, %dma_wait3A_197] : memref<10112x32xf32, #tpu.memory_space<vmem_shared>> -> memref<10112x32xf32, #tpu.memory_space<vmem_shared>>
        tpu.wait_indirect_dma semaphore(%run_scoped3A_186 : memref<!tpu.dma_semaphore, #tpu.memory_space<semaphore_mem>>) src(%arg11 : memref<128x32xf32, #tpu.memory_space<vmem>>) dst(%dma_wait3A_198 : memref<10112x32xf32, #tpu.memory_space<vmem_shared>>)
        tpu.yield
      }) : () -> ()
      %add3A_177 = arith.constant 4 : i32
      %add3A_178 = arith.addi %add3A_170, %add3A_177 : i32
      %dma_start3A_179 = arith.constant 0 : i32
      %dma_start3A_180 = tpu.memref_slice %arg6[%add3A_178, %dma_start3A_179] : memref<80x128xi32, #tpu.memory_space<vmem>> -> memref<1x128xi32, #tpu.memory_space<vmem>>
      %dma_start3A_181 = tpu.memref_squeeze %dma_start3A_180 : memref<1x128xi32, #tpu.memory_space<vmem>> -> memref<128xi32, #tpu.memory_space<vmem>>
      %dma_start3A_182 = arith.constant 0 : i32
      %dma_start3A_183 = arith.constant 0 : i32
      %dma_start3A_184 = tpu.memref_slice %arg2[%dma_start3A_182, %dma_start3A_183] : memref<10112x32xf32, #tpu.memory_space<hbm>> -> memref<10112x32xf32, #tpu.memory_space<hbm>>
      tpu.enqueue_indirect_dma source(%dma_start3A_184 : memref<10112x32xf32, #tpu.memory_space<hbm>>) target(%arg11 : memref<128x32xf32, #tpu.memory_space<vmem>>) offsets(%dma_start3A_181 : memref<128xi32, #tpu.memory_space<vmem>>) semaphore(%arg17 : memref<!tpu.dma_semaphore, #tpu.memory_space<semaphore_mem>>)
      %scan3A_185 = arith.constant 0 : i32
      scf.yield %scan3A_185 : i32
    }
    %scan3A_74 = arith.constant 19 : i32
    %dma_wait3A_75 = arith.constant 76 : i32
    %dma_wait3A_76 = arith.constant 0 : i32
    %dma_wait3A_77 = tpu.memref_slice %arg6[%dma_wait3A_75, %dma_wait3A_76] : memref<80x128xi32, #tpu.memory_space<vmem>> -> memref<1x128xi32, #tpu.memory_space<vmem>>
    %dma_wait3A_78 = tpu.memref_squeeze %dma_wait3A_77 : memref<1x128xi32, #tpu.memory_space<vmem>> -> memref<128xi32, #tpu.memory_space<vmem>>
    %dma_wait3A_79 = arith.constant 0 : i32
    %dma_wait3A_80 = arith.constant 0 : i32
    %dma_wait3A_81 = tpu.memref_slice %arg2[%dma_wait3A_79, %dma_wait3A_80] : memref<10112x32xf32, #tpu.memory_space<hbm>> -> memref<10112x32xf32, #tpu.memory_space<hbm>>
    tpu.wait_indirect_dma semaphore(%arg14 : memref<!tpu.dma_semaphore, #tpu.memory_space<semaphore_mem>>) src(%dma_wait3A_81 : memref<10112x32xf32, #tpu.memory_space<hbm>>) dst(%arg8 : memref<128x32xf32, #tpu.memory_space<vmem>>)
    %run_scoped3A = arith.constant 76 : i32
    "tpu.region"() ({
      %run_scoped3A_111 = tpu.sem_alloc : memref<!tpu.dma_semaphore, #tpu.memory_space<semaphore_mem>>
      %dma_start3A_112 = arith.constant 0 : i32
      %dma_start3A_113 = tpu.memref_slice %arg7[%run_scoped3A, %dma_start3A_112] : memref<80x128xi32, #tpu.memory_space<vmem>> -> memref<1x128xi32, #tpu.memory_space<vmem>>
      %dma_start3A_114 = tpu.memref_squeeze %dma_start3A_113 : memref<1x128xi32, #tpu.memory_space<vmem>> -> memref<128xi32, #tpu.memory_space<vmem>>
      %dma_start3A_115 = arith.constant 0 : i32
      %dma_start3A_116 = arith.constant 0 : i32
      %dma_start3A_117 = tpu.memref_slice %arg13[%dma_start3A_115, %dma_start3A_116] : memref<10112x32xf32, #tpu.memory_space<vmem_shared>> -> memref<10112x32xf32, #tpu.memory_space<vmem_shared>>
      tpu.enqueue_indirect_dma source(%arg8 : memref<128x32xf32, #tpu.memory_space<vmem>>) target(%dma_start3A_117 : memref<10112x32xf32, #tpu.memory_space<vmem_shared>>) offsets(%dma_start3A_114 : memref<128xi32, #tpu.memory_space<vmem>>) semaphore(%run_scoped3A_111 : memref<!tpu.dma_semaphore, #tpu.memory_space<semaphore_mem>>) {add = true}
      %dma_wait3A_118 = arith.constant 0 : i32
      %dma_wait3A_119 = tpu.memref_slice %arg7[%run_scoped3A, %dma_wait3A_118] : memref<80x128xi32, #tpu.memory_space<vmem>> -> memref<1x128xi32, #tpu.memory_space<vmem>>
      %dma_wait3A_120 = tpu.memref_squeeze %dma_wait3A_119 : memref<1x128xi32, #tpu.memory_space<vmem>> -> memref<128xi32, #tpu.memory_space<vmem>>
      %dma_wait3A_121 = arith.constant 0 : i32
      %dma_wait3A_122 = arith.constant 0 : i32
      %dma_wait3A_123 = tpu.memref_slice %arg13[%dma_wait3A_121, %dma_wait3A_122] : memref<10112x32xf32, #tpu.memory_space<vmem_shared>> -> memref<10112x32xf32, #tpu.memory_space<vmem_shared>>
      tpu.wait_indirect_dma semaphore(%run_scoped3A_111 : memref<!tpu.dma_semaphore, #tpu.memory_space<semaphore_mem>>) src(%arg8 : memref<128x32xf32, #tpu.memory_space<vmem>>) dst(%dma_wait3A_123 : memref<10112x32xf32, #tpu.memory_space<vmem_shared>>)
      tpu.yield
    }) : () -> ()
    %dma_wait3A_82 = arith.constant 77 : i32
    %dma_wait3A_83 = arith.constant 0 : i32
    %dma_wait3A_84 = tpu.memref_slice %arg6[%dma_wait3A_82, %dma_wait3A_83] : memref<80x128xi32, #tpu.memory_space<vmem>> -> memref<1x128xi32, #tpu.memory_space<vmem>>
    %dma_wait3A_85 = tpu.memref_squeeze %dma_wait3A_84 : memref<1x128xi32, #tpu.memory_space<vmem>> -> memref<128xi32, #tpu.memory_space<vmem>>
    %dma_wait3A_86 = arith.constant 0 : i32
    %dma_wait3A_87 = arith.constant 0 : i32
    %dma_wait3A_88 = tpu.memref_slice %arg2[%dma_wait3A_86, %dma_wait3A_87] : memref<10112x32xf32, #tpu.memory_space<hbm>> -> memref<10112x32xf32, #tpu.memory_space<hbm>>
    tpu.wait_indirect_dma semaphore(%arg15 : memref<!tpu.dma_semaphore, #tpu.memory_space<semaphore_mem>>) src(%dma_wait3A_88 : memref<10112x32xf32, #tpu.memory_space<hbm>>) dst(%arg9 : memref<128x32xf32, #tpu.memory_space<vmem>>)
    %run_scoped3A_89 = arith.constant 77 : i32
    "tpu.region"() ({
      %run_scoped3A_111 = tpu.sem_alloc : memref<!tpu.dma_semaphore, #tpu.memory_space<semaphore_mem>>
      %dma_start3A_112 = arith.constant 0 : i32
      %dma_start3A_113 = tpu.memref_slice %arg7[%run_scoped3A_89, %dma_start3A_112] : memref<80x128xi32, #tpu.memory_space<vmem>> -> memref<1x128xi32, #tpu.memory_space<vmem>>
      %dma_start3A_114 = tpu.memref_squeeze %dma_start3A_113 : memref<1x128xi32, #tpu.memory_space<vmem>> -> memref<128xi32, #tpu.memory_space<vmem>>
      %dma_start3A_115 = arith.constant 0 : i32
      %dma_start3A_116 = arith.constant 0 : i32
      %dma_start3A_117 = tpu.memref_slice %arg13[%dma_start3A_115, %dma_start3A_116] : memref<10112x32xf32, #tpu.memory_space<vmem_shared>> -> memref<10112x32xf32, #tpu.memory_space<vmem_shared>>
      tpu.enqueue_indirect_dma source(%arg9 : memref<128x32xf32, #tpu.memory_space<vmem>>) target(%dma_start3A_117 : memref<10112x32xf32, #tpu.memory_space<vmem_shared>>) offsets(%dma_start3A_114 : memref<128xi32, #tpu.memory_space<vmem>>) semaphore(%run_scoped3A_111 : memref<!tpu.dma_semaphore, #tpu.memory_space<semaphore_mem>>) {add = true}
      %dma_wait3A_118 = arith.constant 0 : i32
      %dma_wait3A_119 = tpu.memref_slice %arg7[%run_scoped3A_89, %dma_wait3A_118] : memref<80x128xi32, #tpu.memory_space<vmem>> -> memref<1x128xi32, #tpu.memory_space<vmem>>
      %dma_wait3A_120 = tpu.memref_squeeze %dma_wait3A_119 : memref<1x128xi32, #tpu.memory_space<vmem>> -> memref<128xi32, #tpu.memory_space<vmem>>
      %dma_wait3A_121 = arith.constant 0 : i32
      %dma_wait3A_122 = arith.constant 0 : i32
      %dma_wait3A_123 = tpu.memref_slice %arg13[%dma_wait3A_121, %dma_wait3A_122] : memref<10112x32xf32, #tpu.memory_space<vmem_shared>> -> memref<10112x32xf32, #tpu.memory_space<vmem_shared>>
      tpu.wait_indirect_dma semaphore(%run_scoped3A_111 : memref<!tpu.dma_semaphore, #tpu.memory_space<semaphore_mem>>) src(%arg9 : memref<128x32xf32, #tpu.memory_space<vmem>>) dst(%dma_wait3A_123 : memref<10112x32xf32, #tpu.memory_space<vmem_shared>>)
      tpu.yield
    }) : () -> ()
    %dma_wait3A_90 = arith.constant 78 : i32
    %dma_wait3A_91 = arith.constant 0 : i32
    %dma_wait3A_92 = tpu.memref_slice %arg6[%dma_wait3A_90, %dma_wait3A_91] : memref<80x128xi32, #tpu.memory_space<vmem>> -> memref<1x128xi32, #tpu.memory_space<vmem>>
    %dma_wait3A_93 = tpu.memref_squeeze %dma_wait3A_92 : memref<1x128xi32, #tpu.memory_space<vmem>> -> memref<128xi32, #tpu.memory_space<vmem>>
    %dma_wait3A_94 = arith.constant 0 : i32
    %dma_wait3A_95 = arith.constant 0 : i32
    %dma_wait3A_96 = tpu.memref_slice %arg2[%dma_wait3A_94, %dma_wait3A_95] : memref<10112x32xf32, #tpu.memory_space<hbm>> -> memref<10112x32xf32, #tpu.memory_space<hbm>>
    tpu.wait_indirect_dma semaphore(%arg16 : memref<!tpu.dma_semaphore, #tpu.memory_space<semaphore_mem>>) src(%dma_wait3A_96 : memref<10112x32xf32, #tpu.memory_space<hbm>>) dst(%arg10 : memref<128x32xf32, #tpu.memory_space<vmem>>)
    %run_scoped3A_97 = arith.constant 78 : i32
    "tpu.region"() ({
      %run_scoped3A_111 = tpu.sem_alloc : memref<!tpu.dma_semaphore, #tpu.memory_space<semaphore_mem>>
      %dma_start3A_112 = arith.constant 0 : i32
      %dma_start3A_113 = tpu.memref_slice %arg7[%run_scoped3A_97, %dma_start3A_112] : memref<80x128xi32, #tpu.memory_space<vmem>> -> memref<1x128xi32, #tpu.memory_space<vmem>>
      %dma_start3A_114 = tpu.memref_squeeze %dma_start3A_113 : memref<1x128xi32, #tpu.memory_space<vmem>> -> memref<128xi32, #tpu.memory_space<vmem>>
      %dma_start3A_115 = arith.constant 0 : i32
      %dma_start3A_116 = arith.constant 0 : i32
      %dma_start3A_117 = tpu.memref_slice %arg13[%dma_start3A_115, %dma_start3A_116] : memref<10112x32xf32, #tpu.memory_space<vmem_shared>> -> memref<10112x32xf32, #tpu.memory_space<vmem_shared>>
      tpu.enqueue_indirect_dma source(%arg10 : memref<128x32xf32, #tpu.memory_space<vmem>>) target(%dma_start3A_117 : memref<10112x32xf32, #tpu.memory_space<vmem_shared>>) offsets(%dma_start3A_114 : memref<128xi32, #tpu.memory_space<vmem>>) semaphore(%run_scoped3A_111 : memref<!tpu.dma_semaphore, #tpu.memory_space<semaphore_mem>>) {add = true}
      %dma_wait3A_118 = arith.constant 0 : i32
      %dma_wait3A_119 = tpu.memref_slice %arg7[%run_scoped3A_97, %dma_wait3A_118] : memref<80x128xi32, #tpu.memory_space<vmem>> -> memref<1x128xi32, #tpu.memory_space<vmem>>
      %dma_wait3A_120 = tpu.memref_squeeze %dma_wait3A_119 : memref<1x128xi32, #tpu.memory_space<vmem>> -> memref<128xi32, #tpu.memory_space<vmem>>
      %dma_wait3A_121 = arith.constant 0 : i32
      %dma_wait3A_122 = arith.constant 0 : i32
      %dma_wait3A_123 = tpu.memref_slice %arg13[%dma_wait3A_121, %dma_wait3A_122] : memref<10112x32xf32, #tpu.memory_space<vmem_shared>> -> memref<10112x32xf32, #tpu.memory_space<vmem_shared>>
      tpu.wait_indirect_dma semaphore(%run_scoped3A_111 : memref<!tpu.dma_semaphore, #tpu.memory_space<semaphore_mem>>) src(%arg10 : memref<128x32xf32, #tpu.memory_space<vmem>>) dst(%dma_wait3A_123 : memref<10112x32xf32, #tpu.memory_space<vmem_shared>>)
      tpu.yield
    }) : () -> ()
    %dma_wait3A_98 = arith.constant 79 : i32
    %dma_wait3A_99 = arith.constant 0 : i32
    %dma_wait3A_100 = tpu.memref_slice %arg6[%dma_wait3A_98, %dma_wait3A_99] : memref<80x128xi32, #tpu.memory_space<vmem>> -> memref<1x128xi32, #tpu.memory_space<vmem>>
    %dma_wait3A_101 = tpu.memref_squeeze %dma_wait3A_100 : memref<1x128xi32, #tpu.memory_space<vmem>> -> memref<128xi32, #tpu.memory_space<vmem>>
    %dma_wait3A_102 = arith.constant 0 : i32
    %dma_wait3A_103 = arith.constant 0 : i32
    %dma_wait3A_104 = tpu.memref_slice %arg2[%dma_wait3A_102, %dma_wait3A_103] : memref<10112x32xf32, #tpu.memory_space<hbm>> -> memref<10112x32xf32, #tpu.memory_space<hbm>>
    tpu.wait_indirect_dma semaphore(%arg17 : memref<!tpu.dma_semaphore, #tpu.memory_space<semaphore_mem>>) src(%dma_wait3A_104 : memref<10112x32xf32, #tpu.memory_space<hbm>>) dst(%arg11 : memref<128x32xf32, #tpu.memory_space<vmem>>)
    %run_scoped3A_105 = arith.constant 79 : i32
    "tpu.region"() ({
      %run_scoped3A_111 = tpu.sem_alloc : memref<!tpu.dma_semaphore, #tpu.memory_space<semaphore_mem>>
      %dma_start3A_112 = arith.constant 0 : i32
      %dma_start3A_113 = tpu.memref_slice %arg7[%run_scoped3A_105, %dma_start3A_112] : memref<80x128xi32, #tpu.memory_space<vmem>> -> memref<1x128xi32, #tpu.memory_space<vmem>>
      %dma_start3A_114 = tpu.memref_squeeze %dma_start3A_113 : memref<1x128xi32, #tpu.memory_space<vmem>> -> memref<128xi32, #tpu.memory_space<vmem>>
      %dma_start3A_115 = arith.constant 0 : i32
      %dma_start3A_116 = arith.constant 0 : i32
      %dma_start3A_117 = tpu.memref_slice %arg13[%dma_start3A_115, %dma_start3A_116] : memref<10112x32xf32, #tpu.memory_space<vmem_shared>> -> memref<10112x32xf32, #tpu.memory_space<vmem_shared>>
      tpu.enqueue_indirect_dma source(%arg11 : memref<128x32xf32, #tpu.memory_space<vmem>>) target(%dma_start3A_117 : memref<10112x32xf32, #tpu.memory_space<vmem_shared>>) offsets(%dma_start3A_114 : memref<128xi32, #tpu.memory_space<vmem>>) semaphore(%run_scoped3A_111 : memref<!tpu.dma_semaphore, #tpu.memory_space<semaphore_mem>>) {add = true}
      %dma_wait3A_118 = arith.constant 0 : i32
      %dma_wait3A_119 = tpu.memref_slice %arg7[%run_scoped3A_105, %dma_wait3A_118] : memref<80x128xi32, #tpu.memory_space<vmem>> -> memref<1x128xi32, #tpu.memory_space<vmem>>
      %dma_wait3A_120 = tpu.memref_squeeze %dma_wait3A_119 : memref<1x128xi32, #tpu.memory_space<vmem>> -> memref<128xi32, #tpu.memory_space<vmem>>
      %dma_wait3A_121 = arith.constant 0 : i32
      %dma_wait3A_122 = arith.constant 0 : i32
      %dma_wait3A_123 = tpu.memref_slice %arg13[%dma_wait3A_121, %dma_wait3A_122] : memref<10112x32xf32, #tpu.memory_space<vmem_shared>> -> memref<10112x32xf32, #tpu.memory_space<vmem_shared>>
      tpu.wait_indirect_dma semaphore(%run_scoped3A_111 : memref<!tpu.dma_semaphore, #tpu.memory_space<semaphore_mem>>) src(%arg11 : memref<128x32xf32, #tpu.memory_space<vmem>>) dst(%dma_wait3A_123 : memref<10112x32xf32, #tpu.memory_space<vmem_shared>>)
      tpu.yield
    }) : () -> ()
    %barrier3A_106 = arith.constant 0 : index
    tpu.barrier barrier_id(%barrier3A_106)
    %mul3A_107 = arith.constant 632 : i32
    %mul3A_108 = arith.muli %arg1, %mul3A_107 : i32
    %mul3A_109 = arith.constant 632 : i32
    %mul3A_110 = arith.muli %arg1, %mul3A_109 : i32
    "tpu.region"() ({
      %run_scoped3A_111 = tpu.sem_alloc : memref<!tpu.dma_semaphore, #tpu.memory_space<semaphore_mem>>
      %dma_start3A_112 = arith.constant 0 : i32
      %dma_start3A_113 = tpu.memref_slice %arg5[%arg0, %mul3A_110, %dma_start3A_112] : memref<2x10112x32xf32, #tpu.memory_space<hbm>> -> memref<1x632x32xf32, #tpu.memory_space<hbm>>
      %dma_start3A_114 = tpu.memref_squeeze %dma_start3A_113 : memref<1x632x32xf32, #tpu.memory_space<hbm>> -> memref<632x32xf32, #tpu.memory_space<hbm>>
      %dma_start3A_115 = arith.constant 0 : i32
      %dma_start3A_116 = tpu.memref_slice %arg13[%mul3A_108, %dma_start3A_115] : memref<10112x32xf32, #tpu.memory_space<vmem_shared>> -> memref<632x32xf32, #tpu.memory_space<vmem_shared>>
      tpu.enqueue_dma source(%dma_start3A_116 : memref<632x32xf32, #tpu.memory_space<vmem_shared>>) target(%dma_start3A_114 : memref<632x32xf32, #tpu.memory_space<hbm>>) target_semaphore(%run_scoped3A_111 : memref<!tpu.dma_semaphore, #tpu.memory_space<semaphore_mem>>)
      %dma_wait3A_117 = arith.constant 0 : i32
      %dma_wait3A_118 = tpu.memref_slice %arg5[%arg0, %mul3A_110, %dma_wait3A_117] : memref<2x10112x32xf32, #tpu.memory_space<hbm>> -> memref<1x632x32xf32, #tpu.memory_space<hbm>>
      %dma_wait3A_119 = tpu.memref_squeeze %dma_wait3A_118 : memref<1x632x32xf32, #tpu.memory_space<hbm>> -> memref<632x32xf32, #tpu.memory_space<hbm>>
      %dma_wait3A_120 = arith.constant 0 : i32
      %dma_wait3A_121 = tpu.memref_slice %arg13[%mul3A_108, %dma_wait3A_120] : memref<10112x32xf32, #tpu.memory_space<vmem_shared>> -> memref<632x32xf32, #tpu.memory_space<vmem_shared>>
      tpu.wait_dma2 semaphore(%run_scoped3A_111 : memref<!tpu.dma_semaphore, #tpu.memory_space<semaphore_mem>>) src(%dma_wait3A_121 : memref<632x32xf32, #tpu.memory_space<vmem_shared>>) dst(%dma_wait3A_119 : memref<632x32xf32, #tpu.memory_space<hbm>>)
      tpu.yield
    }) : () -> ()
    return
  }
}

#map = affine_map<(d0, d1) -> (0, 0)>
#map1 = affine_map<(d0, d1) -> (0, 0, 0)>
module attributes {stable_mosaic.version = 14 : i64} {
  func.func @_edge_body(%arg0: i32, %arg1: i32, %arg2: memref<10112x32xf32, #tpu.memory_space<hbm>>, %arg3: memref<32x80x128xi32, #tpu.memory_space<hbm>>, %arg4: memref<32x80x128xi32, #tpu.memory_space<hbm>>, %arg5: memref<2x10112x32xf32, #tpu.memory_space<hbm>>, %arg6: memref<80x128xi32, #tpu.memory_space<vmem>>, %arg7: memref<80x128xi32, #tpu.memory_space<vmem>>, %arg8: memref<128x32xf32, #tpu.memory_space<vmem>>, %arg9: memref<128x32xf32, #tpu.memory_space<vmem>>, %arg10: memref<128x32xf32, #tpu.memory_space<vmem>>, %arg11: memref<128x32xf32, #tpu.memory_space<vmem>>, %arg12: memref<632x32xf32, #tpu.memory_space<vmem>>, %arg13: memref<10112x32xf32, #tpu.memory_space<vmem_shared>>, %arg14: memref<!tpu.dma_semaphore, #tpu.memory_space<semaphore_mem>>, %arg15: memref<!tpu.dma_semaphore, #tpu.memory_space<semaphore_mem>>, %arg16: memref<!tpu.dma_semaphore, #tpu.memory_space<semaphore_mem>>, %arg17: memref<!tpu.dma_semaphore, #tpu.memory_space<semaphore_mem>>) attributes {dimension_semantics = [#tpu.dimension_semantics<core_parallel>, #tpu.dimension_semantics<subcore_parallel>], iteration_bounds = array<i64: 2, 16>, scalar_prefetch = 0 : i64, scratch_operands = 12 : i64, tpu.core_type = #tpu.core_type<sc_vector_subcore>, window_params = [{transform_indices = #map}, {transform_indices = #map1}, {transform_indices = #map1}, {transform_indices = #map1}]} {
    %mul3A = arith.constant 2 : i32
    %mul3A_0 = arith.muli %arg1, %mul3A : i32
    %add3A = arith.addi %mul3A_0, %arg0 : i32
    %broadcast_in_dim3A = arith.constant 0.000000e+00 : f32
    %broadcast_in_dim3A_1 = vector.broadcast %broadcast_in_dim3A : f32 to vector<16xf32>
    %dma_start3A = arith.constant 0 : i32
    %dma_start3A_2 = arith.constant 0 : i32
    %dma_start3A_3 = tpu.memref_slice %arg3[%add3A, %dma_start3A, %dma_start3A_2] : memref<32x80x128xi32, #tpu.memory_space<hbm>> -> memref<1x80x128xi32, #tpu.memory_space<hbm>>
    %dma_start3A_4 = tpu.memref_squeeze %dma_start3A_3 : memref<1x80x128xi32, #tpu.memory_space<hbm>> -> memref<80x128xi32, #tpu.memory_space<hbm>>
    %dma_start3A_5 = arith.constant 0 : i32
    %dma_start3A_6 = arith.constant 0 : i32
    %dma_start3A_7 = tpu.memref_slice %arg3[%add3A, %dma_start3A_5, %dma_start3A_6] : memref<32x80x128xi32, #tpu.memory_space<hbm>> -> memref<1x80x128xi32, #tpu.memory_space<hbm>>
    %dma_start3A_8 = tpu.memref_squeeze %dma_start3A_7 : memref<1x80x128xi32, #tpu.memory_space<hbm>> -> memref<80x128xi32, #tpu.memory_space<hbm>>
    tpu.enqueue_dma source(%dma_start3A_8 : memref<80x128xi32, #tpu.memory_space<hbm>>) target(%arg6 : memref<80x128xi32, #tpu.memory_space<vmem>>) target_semaphore(%arg14 : memref<!tpu.dma_semaphore, #tpu.memory_space<semaphore_mem>>)
    %dma_start3A_9 = arith.constant 0 : i32
    %dma_start3A_10 = arith.constant 0 : i32
    %dma_start3A_11 = tpu.memref_slice %arg4[%add3A, %dma_start3A_9, %dma_start3A_10] : memref<32x80x128xi32, #tpu.memory_space<hbm>> -> memref<1x80x128xi32, #tpu.memory_space<hbm>>
    %dma_start3A_12 = tpu.memref_squeeze %dma_start3A_11 : memref<1x80x128xi32, #tpu.memory_space<hbm>> -> memref<80x128xi32, #tpu.memory_space<hbm>>
    %dma_start3A_13 = arith.constant 0 : i32
    %dma_start3A_14 = arith.constant 0 : i32
    %dma_start3A_15 = tpu.memref_slice %arg4[%add3A, %dma_start3A_13, %dma_start3A_14] : memref<32x80x128xi32, #tpu.memory_space<hbm>> -> memref<1x80x128xi32, #tpu.memory_space<hbm>>
    %dma_start3A_16 = tpu.memref_squeeze %dma_start3A_15 : memref<1x80x128xi32, #tpu.memory_space<hbm>> -> memref<80x128xi32, #tpu.memory_space<hbm>>
    tpu.enqueue_dma source(%dma_start3A_16 : memref<80x128xi32, #tpu.memory_space<hbm>>) target(%arg7 : memref<80x128xi32, #tpu.memory_space<vmem>>) target_semaphore(%arg15 : memref<!tpu.dma_semaphore, #tpu.memory_space<semaphore_mem>>)
    %scan3A = arith.constant 0 : i32
    %scan3A_17 = arith.constant 0 : i32
    %scan3A_18 = arith.constant 632 : i32
    %scan3A_19 = arith.addi %scan3A_17, %scan3A_18 : i32
    %scan3A_20 = arith.constant 1 : i32
    %scan3A_21 = scf.for %scan3A_111 = %scan3A_17 to %scan3A_19 step %scan3A_20 iter_args(%scan3A_112 = %scan3A) -> (i32)  : i32 {
      %swap3A = arith.index_cast %scan3A_111 : i32 to index
      %swap3A_113 = arith.constant 0 : index
      %swap3A_114 = tpu.vector_load %arg12[%swap3A, %swap3A_113] {strides = array<i32>} : memref<632x32xf32, #tpu.memory_space<vmem>>, vector<1x16xf32>,
      %swap3A_115 = vector.shape_cast %swap3A_114 : vector<1x16xf32> to vector<16xf32>
      %swap3A_116 = vector.shape_cast %broadcast_in_dim3A_1 : vector<16xf32> to vector<1x16xf32>
      tpu.vector_store %arg12[%swap3A, %swap3A_113], %swap3A_116 {strides = array<i32>} : memref<632x32xf32, #tpu.memory_space<vmem>>, vector<1x16xf32>,
      %swap3A_117 = arith.index_cast %scan3A_111 : i32 to index
      %swap3A_118 = arith.constant 16 : index
      %swap3A_119 = tpu.vector_load %arg12[%swap3A_117, %swap3A_118] {strides = array<i32>} : memref<632x32xf32, #tpu.memory_space<vmem>>, vector<1x16xf32>,
      %swap3A_120 = vector.shape_cast %swap3A_119 : vector<1x16xf32> to vector<16xf32>
      %swap3A_121 = vector.shape_cast %broadcast_in_dim3A_1 : vector<16xf32> to vector<1x16xf32>
      tpu.vector_store %arg12[%swap3A_117, %swap3A_118], %swap3A_121 {strides = array<i32>} : memref<632x32xf32, #tpu.memory_space<vmem>>, vector<1x16xf32>,
      %scan3A_122 = arith.constant 0 : i32
      scf.yield %scan3A_122 : i32
    }
    %scan3A_22 = arith.constant 632 : i32
    %mul3A_23 = arith.constant 632 : i32
    %mul3A_24 = arith.muli %arg1, %mul3A_23 : i32
    "tpu.region"() ({
      %run_scoped3A_111 = tpu.sem_alloc : memref<!tpu.dma_semaphore, #tpu.memory_space<semaphore_mem>>
      %dma_start3A_112 = arith.constant 0 : i32
      %dma_start3A_113 = tpu.memref_slice %arg13[%mul3A_24, %dma_start3A_112] : memref<10112x32xf32, #tpu.memory_space<vmem_shared>> -> memref<632x32xf32, #tpu.memory_space<vmem_shared>>
      %dma_start3A_114 = arith.constant 0 : i32
      %dma_start3A_115 = tpu.memref_slice %arg13[%mul3A_24, %dma_start3A_114] : memref<10112x32xf32, #tpu.memory_space<vmem_shared>> -> memref<632x32xf32, #tpu.memory_space<vmem_shared>>
      tpu.enqueue_dma source(%arg12 : memref<632x32xf32, #tpu.memory_space<vmem>>) target(%dma_start3A_115 : memref<632x32xf32, #tpu.memory_space<vmem_shared>>) target_semaphore(%run_scoped3A_111 : memref<!tpu.dma_semaphore, #tpu.memory_space<semaphore_mem>>)
      %dma_wait3A_116 = arith.constant 0 : i32
      %dma_wait3A_117 = tpu.memref_slice %arg13[%mul3A_24, %dma_wait3A_116] : memref<10112x32xf32, #tpu.memory_space<vmem_shared>> -> memref<632x32xf32, #tpu.memory_space<vmem_shared>>
      %dma_wait3A_118 = arith.constant 0 : i32
      %dma_wait3A_119 = tpu.memref_slice %arg13[%mul3A_24, %dma_wait3A_118] : memref<10112x32xf32, #tpu.memory_space<vmem_shared>> -> memref<632x32xf32, #tpu.memory_space<vmem_shared>>
      tpu.wait_dma2 semaphore(%run_scoped3A_111 : memref<!tpu.dma_semaphore, #tpu.memory_space<semaphore_mem>>) src(%arg12 : memref<632x32xf32, #tpu.memory_space<vmem>>) dst(%dma_wait3A_119 : memref<632x32xf32, #tpu.memory_space<vmem_shared>>)
      tpu.yield
    }) : () -> ()
    %dma_wait3A = arith.constant 0 : i32
    %dma_wait3A_25 = arith.constant 0 : i32
    %dma_wait3A_26 = tpu.memref_slice %arg3[%add3A, %dma_wait3A, %dma_wait3A_25] : memref<32x80x128xi32, #tpu.memory_space<hbm>> -> memref<1x80x128xi32, #tpu.memory_space<hbm>>
    %dma_wait3A_27 = tpu.memref_squeeze %dma_wait3A_26 : memref<1x80x128xi32, #tpu.memory_space<hbm>> -> memref<80x128xi32, #tpu.memory_space<hbm>>
    %dma_wait3A_28 = arith.constant 0 : i32
    %dma_wait3A_29 = arith.constant 0 : i32
    %dma_wait3A_30 = tpu.memref_slice %arg3[%add3A, %dma_wait3A_28, %dma_wait3A_29] : memref<32x80x128xi32, #tpu.memory_space<hbm>> -> memref<1x80x128xi32, #tpu.memory_space<hbm>>
    %dma_wait3A_31 = tpu.memref_squeeze %dma_wait3A_30 : memref<1x80x128xi32, #tpu.memory_space<hbm>> -> memref<80x128xi32, #tpu.memory_space<hbm>>
    tpu.wait_dma2 semaphore(%arg14 : memref<!tpu.dma_semaphore, #tpu.memory_space<semaphore_mem>>) src(%dma_wait3A_31 : memref<80x128xi32, #tpu.memory_space<hbm>>) dst(%arg6 : memref<80x128xi32, #tpu.memory_space<vmem>>)
    %dma_wait3A_32 = arith.constant 0 : i32
    %dma_wait3A_33 = arith.constant 0 : i32
    %dma_wait3A_34 = tpu.memref_slice %arg4[%add3A, %dma_wait3A_32, %dma_wait3A_33] : memref<32x80x128xi32, #tpu.memory_space<hbm>> -> memref<1x80x128xi32, #tpu.memory_space<hbm>>
    %dma_wait3A_35 = tpu.memref_squeeze %dma_wait3A_34 : memref<1x80x128xi32, #tpu.memory_space<hbm>> -> memref<80x128xi32, #tpu.memory_space<hbm>>
    %dma_wait3A_36 = arith.constant 0 : i32
    %dma_wait3A_37 = arith.constant 0 : i32
    %dma_wait3A_38 = tpu.memref_slice %arg4[%add3A, %dma_wait3A_36, %dma_wait3A_37] : memref<32x80x128xi32, #tpu.memory_space<hbm>> -> memref<1x80x128xi32, #tpu.memory_space<hbm>>
    %dma_wait3A_39 = tpu.memref_squeeze %dma_wait3A_38 : memref<1x80x128xi32, #tpu.memory_space<hbm>> -> memref<80x128xi32, #tpu.memory_space<hbm>>
    tpu.wait_dma2 semaphore(%arg15 : memref<!tpu.dma_semaphore, #tpu.memory_space<semaphore_mem>>) src(%dma_wait3A_39 : memref<80x128xi32, #tpu.memory_space<hbm>>) dst(%arg7 : memref<80x128xi32, #tpu.memory_space<vmem>>)
    %barrier3A = arith.constant 0 : index
    tpu.barrier barrier_id(%barrier3A)
    %dma_start3A_40 = arith.constant 0 : i32
    %dma_start3A_41 = arith.constant 0 : i32
    %dma_start3A_42 = tpu.memref_slice %arg6[%dma_start3A_40, %dma_start3A_41] : memref<80x128xi32, #tpu.memory_space<vmem>> -> memref<1x128xi32, #tpu.memory_space<vmem>>
    %dma_start3A_43 = tpu.memref_squeeze %dma_start3A_42 : memref<1x128xi32, #tpu.memory_space<vmem>> -> memref<128xi32, #tpu.memory_space<vmem>>
    %dma_start3A_44 = arith.constant 0 : i32
    %dma_start3A_45 = arith.constant 0 : i32
    %dma_start3A_46 = tpu.memref_slice %arg2[%dma_start3A_44, %dma_start3A_45] : memref<10112x32xf32, #tpu.memory_space<hbm>> -> memref<10112x32xf32, #tpu.memory_space<hbm>>
    tpu.enqueue_indirect_dma source(%dma_start3A_46 : memref<10112x32xf32, #tpu.memory_space<hbm>>) target(%arg8 : memref<128x32xf32, #tpu.memory_space<vmem>>) offsets(%dma_start3A_43 : memref<128xi32, #tpu.memory_space<vmem>>) semaphore(%arg14 : memref<!tpu.dma_semaphore, #tpu.memory_space<semaphore_mem>>)
    %dma_start3A_47 = arith.constant 1 : i32
    %dma_start3A_48 = arith.constant 0 : i32
    %dma_start3A_49 = tpu.memref_slice %arg6[%dma_start3A_47, %dma_start3A_48] : memref<80x128xi32, #tpu.memory_space<vmem>> -> memref<1x128xi32, #tpu.memory_space<vmem>>
    %dma_start3A_50 = tpu.memref_squeeze %dma_start3A_49 : memref<1x128xi32, #tpu.memory_space<vmem>> -> memref<128xi32, #tpu.memory_space<vmem>>
    %dma_start3A_51 = arith.constant 0 : i32
    %dma_start3A_52 = arith.constant 0 : i32
    %dma_start3A_53 = tpu.memref_slice %arg2[%dma_start3A_51, %dma_start3A_52] : memref<10112x32xf32, #tpu.memory_space<hbm>> -> memref<10112x32xf32, #tpu.memory_space<hbm>>
    tpu.enqueue_indirect_dma source(%dma_start3A_53 : memref<10112x32xf32, #tpu.memory_space<hbm>>) target(%arg9 : memref<128x32xf32, #tpu.memory_space<vmem>>) offsets(%dma_start3A_50 : memref<128xi32, #tpu.memory_space<vmem>>) semaphore(%arg15 : memref<!tpu.dma_semaphore, #tpu.memory_space<semaphore_mem>>)
    %dma_start3A_54 = arith.constant 2 : i32
    %dma_start3A_55 = arith.constant 0 : i32
    %dma_start3A_56 = tpu.memref_slice %arg6[%dma_start3A_54, %dma_start3A_55] : memref<80x128xi32, #tpu.memory_space<vmem>> -> memref<1x128xi32, #tpu.memory_space<vmem>>
    %dma_start3A_57 = tpu.memref_squeeze %dma_start3A_56 : memref<1x128xi32, #tpu.memory_space<vmem>> -> memref<128xi32, #tpu.memory_space<vmem>>
    %dma_start3A_58 = arith.constant 0 : i32
    %dma_start3A_59 = arith.constant 0 : i32
    %dma_start3A_60 = tpu.memref_slice %arg2[%dma_start3A_58, %dma_start3A_59] : memref<10112x32xf32, #tpu.memory_space<hbm>> -> memref<10112x32xf32, #tpu.memory_space<hbm>>
    tpu.enqueue_indirect_dma source(%dma_start3A_60 : memref<10112x32xf32, #tpu.memory_space<hbm>>) target(%arg10 : memref<128x32xf32, #tpu.memory_space<vmem>>) offsets(%dma_start3A_57 : memref<128xi32, #tpu.memory_space<vmem>>) semaphore(%arg16 : memref<!tpu.dma_semaphore, #tpu.memory_space<semaphore_mem>>)
    %dma_start3A_61 = arith.constant 3 : i32
    %dma_start3A_62 = arith.constant 0 : i32
    %dma_start3A_63 = tpu.memref_slice %arg6[%dma_start3A_61, %dma_start3A_62] : memref<80x128xi32, #tpu.memory_space<vmem>> -> memref<1x128xi32, #tpu.memory_space<vmem>>
    %dma_start3A_64 = tpu.memref_squeeze %dma_start3A_63 : memref<1x128xi32, #tpu.memory_space<vmem>> -> memref<128xi32, #tpu.memory_space<vmem>>
    %dma_start3A_65 = arith.constant 0 : i32
    %dma_start3A_66 = arith.constant 0 : i32
    %dma_start3A_67 = tpu.memref_slice %arg2[%dma_start3A_65, %dma_start3A_66] : memref<10112x32xf32, #tpu.memory_space<hbm>> -> memref<10112x32xf32, #tpu.memory_space<hbm>>
    tpu.enqueue_indirect_dma source(%dma_start3A_67 : memref<10112x32xf32, #tpu.memory_space<hbm>>) target(%arg11 : memref<128x32xf32, #tpu.memory_space<vmem>>) offsets(%dma_start3A_64 : memref<128xi32, #tpu.memory_space<vmem>>) semaphore(%arg17 : memref<!tpu.dma_semaphore, #tpu.memory_space<semaphore_mem>>)
    %scan3A_68 = arith.constant 0 : i32
    %scan3A_69 = arith.constant 0 : i32
    %scan3A_70 = arith.constant 19 : i32
    %scan3A_71 = arith.addi %scan3A_69, %scan3A_70 : i32
    %scan3A_72 = arith.constant 1 : i32
    %scan3A_73 = scf.for %scan3A_111 = %scan3A_69 to %scan3A_71 step %scan3A_72 iter_args(%scan3A_112 = %scan3A_68) -> (i32)  : i32 {
      %mul3A_113 = arith.constant 4 : i32
      %mul3A_114 = arith.muli %scan3A_111, %mul3A_113 : i32
      %add3A_115 = arith.constant 0 : i32
      %add3A_116 = arith.addi %mul3A_114, %add3A_115 : i32
      %dma_wait3A_117 = arith.constant 0 : i32
      %dma_wait3A_118 = tpu.memref_slice %arg6[%add3A_116, %dma_wait3A_117] : memref<80x128xi32, #tpu.memory_space<vmem>> -> memref<1x128xi32, #tpu.memory_space<vmem>>
      %dma_wait3A_119 = tpu.memref_squeeze %dma_wait3A_118 : memref<1x128xi32, #tpu.memory_space<vmem>> -> memref<128xi32, #tpu.memory_space<vmem>>
      %dma_wait3A_120 = arith.constant 0 : i32
      %dma_wait3A_121 = arith.constant 0 : i32
      %dma_wait3A_122 = tpu.memref_slice %arg2[%dma_wait3A_120, %dma_wait3A_121] : memref<10112x32xf32, #tpu.memory_space<hbm>> -> memref<10112x32xf32, #tpu.memory_space<hbm>>
      tpu.wait_indirect_dma semaphore(%arg14 : memref<!tpu.dma_semaphore, #tpu.memory_space<semaphore_mem>>) src(%dma_wait3A_122 : memref<10112x32xf32, #tpu.memory_space<hbm>>) dst(%arg8 : memref<128x32xf32, #tpu.memory_space<vmem>>)
      "tpu.region"() ({
        %run_scoped3A_186 = tpu.sem_alloc : memref<!tpu.dma_semaphore, #tpu.memory_space<semaphore_mem>>
        %dma_start3A_187 = arith.constant 0 : i32
        %dma_start3A_188 = tpu.memref_slice %arg7[%add3A_116, %dma_start3A_187] : memref<80x128xi32, #tpu.memory_space<vmem>> -> memref<1x128xi32, #tpu.memory_space<vmem>>
        %dma_start3A_189 = tpu.memref_squeeze %dma_start3A_188 : memref<1x128xi32, #tpu.memory_space<vmem>> -> memref<128xi32, #tpu.memory_space<vmem>>
        %dma_start3A_190 = arith.constant 0 : i32
        %dma_start3A_191 = arith.constant 0 : i32
        %dma_start3A_192 = tpu.memref_slice %arg13[%dma_start3A_190, %dma_start3A_191] : memref<10112x32xf32, #tpu.memory_space<vmem_shared>> -> memref<10112x32xf32, #tpu.memory_space<vmem_shared>>
        tpu.enqueue_indirect_dma source(%arg8 : memref<128x32xf32, #tpu.memory_space<vmem>>) target(%dma_start3A_192 : memref<10112x32xf32, #tpu.memory_space<vmem_shared>>) offsets(%dma_start3A_189 : memref<128xi32, #tpu.memory_space<vmem>>) semaphore(%run_scoped3A_186 : memref<!tpu.dma_semaphore, #tpu.memory_space<semaphore_mem>>) {add = true}
        %dma_wait3A_193 = arith.constant 0 : i32
        %dma_wait3A_194 = tpu.memref_slice %arg7[%add3A_116, %dma_wait3A_193] : memref<80x128xi32, #tpu.memory_space<vmem>> -> memref<1x128xi32, #tpu.memory_space<vmem>>
        %dma_wait3A_195 = tpu.memref_squeeze %dma_wait3A_194 : memref<1x128xi32, #tpu.memory_space<vmem>> -> memref<128xi32, #tpu.memory_space<vmem>>
        %dma_wait3A_196 = arith.constant 0 : i32
        %dma_wait3A_197 = arith.constant 0 : i32
        %dma_wait3A_198 = tpu.memref_slice %arg13[%dma_wait3A_196, %dma_wait3A_197] : memref<10112x32xf32, #tpu.memory_space<vmem_shared>> -> memref<10112x32xf32, #tpu.memory_space<vmem_shared>>
        tpu.wait_indirect_dma semaphore(%run_scoped3A_186 : memref<!tpu.dma_semaphore, #tpu.memory_space<semaphore_mem>>) src(%arg8 : memref<128x32xf32, #tpu.memory_space<vmem>>) dst(%dma_wait3A_198 : memref<10112x32xf32, #tpu.memory_space<vmem_shared>>)
        tpu.yield
      }) : () -> ()
      %add3A_123 = arith.constant 4 : i32
      %add3A_124 = arith.addi %add3A_116, %add3A_123 : i32
      %dma_start3A_125 = arith.constant 0 : i32
      %dma_start3A_126 = tpu.memref_slice %arg6[%add3A_124, %dma_start3A_125] : memref<80x128xi32, #tpu.memory_space<vmem>> -> memref<1x128xi32, #tpu.memory_space<vmem>>
      %dma_start3A_127 = tpu.memref_squeeze %dma_start3A_126 : memref<1x128xi32, #tpu.memory_space<vmem>> -> memref<128xi32, #tpu.memory_space<vmem>>
      %dma_start3A_128 = arith.constant 0 : i32
      %dma_start3A_129 = arith.constant 0 : i32
      %dma_start3A_130 = tpu.memref_slice %arg2[%dma_start3A_128, %dma_start3A_129] : memref<10112x32xf32, #tpu.memory_space<hbm>> -> memref<10112x32xf32, #tpu.memory_space<hbm>>
      tpu.enqueue_indirect_dma source(%dma_start3A_130 : memref<10112x32xf32, #tpu.memory_space<hbm>>) target(%arg8 : memref<128x32xf32, #tpu.memory_space<vmem>>) offsets(%dma_start3A_127 : memref<128xi32, #tpu.memory_space<vmem>>) semaphore(%arg14 : memref<!tpu.dma_semaphore, #tpu.memory_space<semaphore_mem>>)
      %mul3A_131 = arith.constant 4 : i32
      %mul3A_132 = arith.muli %scan3A_111, %mul3A_131 : i32
      %add3A_133 = arith.constant 1 : i32
      %add3A_134 = arith.addi %mul3A_132, %add3A_133 : i32
      %dma_wait3A_135 = arith.constant 0 : i32
      %dma_wait3A_136 = tpu.memref_slice %arg6[%add3A_134, %dma_wait3A_135] : memref<80x128xi32, #tpu.memory_space<vmem>> -> memref<1x128xi32, #tpu.memory_space<vmem>>
      %dma_wait3A_137 = tpu.memref_squeeze %dma_wait3A_136 : memref<1x128xi32, #tpu.memory_space<vmem>> -> memref<128xi32, #tpu.memory_space<vmem>>
      %dma_wait3A_138 = arith.constant 0 : i32
      %dma_wait3A_139 = arith.constant 0 : i32
      %dma_wait3A_140 = tpu.memref_slice %arg2[%dma_wait3A_138, %dma_wait3A_139] : memref<10112x32xf32, #tpu.memory_space<hbm>> -> memref<10112x32xf32, #tpu.memory_space<hbm>>
      tpu.wait_indirect_dma semaphore(%arg15 : memref<!tpu.dma_semaphore, #tpu.memory_space<semaphore_mem>>) src(%dma_wait3A_140 : memref<10112x32xf32, #tpu.memory_space<hbm>>) dst(%arg9 : memref<128x32xf32, #tpu.memory_space<vmem>>)
      "tpu.region"() ({
        %run_scoped3A_186 = tpu.sem_alloc : memref<!tpu.dma_semaphore, #tpu.memory_space<semaphore_mem>>
        %dma_start3A_187 = arith.constant 0 : i32
        %dma_start3A_188 = tpu.memref_slice %arg7[%add3A_134, %dma_start3A_187] : memref<80x128xi32, #tpu.memory_space<vmem>> -> memref<1x128xi32, #tpu.memory_space<vmem>>
        %dma_start3A_189 = tpu.memref_squeeze %dma_start3A_188 : memref<1x128xi32, #tpu.memory_space<vmem>> -> memref<128xi32, #tpu.memory_space<vmem>>
        %dma_start3A_190 = arith.constant 0 : i32
        %dma_start3A_191 = arith.constant 0 : i32
        %dma_start3A_192 = tpu.memref_slice %arg13[%dma_start3A_190, %dma_start3A_191] : memref<10112x32xf32, #tpu.memory_space<vmem_shared>> -> memref<10112x32xf32, #tpu.memory_space<vmem_shared>>
        tpu.enqueue_indirect_dma source(%arg9 : memref<128x32xf32, #tpu.memory_space<vmem>>) target(%dma_start3A_192 : memref<10112x32xf32, #tpu.memory_space<vmem_shared>>) offsets(%dma_start3A_189 : memref<128xi32, #tpu.memory_space<vmem>>) semaphore(%run_scoped3A_186 : memref<!tpu.dma_semaphore, #tpu.memory_space<semaphore_mem>>) {add = true}
        %dma_wait3A_193 = arith.constant 0 : i32
        %dma_wait3A_194 = tpu.memref_slice %arg7[%add3A_134, %dma_wait3A_193] : memref<80x128xi32, #tpu.memory_space<vmem>> -> memref<1x128xi32, #tpu.memory_space<vmem>>
        %dma_wait3A_195 = tpu.memref_squeeze %dma_wait3A_194 : memref<1x128xi32, #tpu.memory_space<vmem>> -> memref<128xi32, #tpu.memory_space<vmem>>
        %dma_wait3A_196 = arith.constant 0 : i32
        %dma_wait3A_197 = arith.constant 0 : i32
        %dma_wait3A_198 = tpu.memref_slice %arg13[%dma_wait3A_196, %dma_wait3A_197] : memref<10112x32xf32, #tpu.memory_space<vmem_shared>> -> memref<10112x32xf32, #tpu.memory_space<vmem_shared>>
        tpu.wait_indirect_dma semaphore(%run_scoped3A_186 : memref<!tpu.dma_semaphore, #tpu.memory_space<semaphore_mem>>) src(%arg9 : memref<128x32xf32, #tpu.memory_space<vmem>>) dst(%dma_wait3A_198 : memref<10112x32xf32, #tpu.memory_space<vmem_shared>>)
        tpu.yield
      }) : () -> ()
      %add3A_141 = arith.constant 4 : i32
      %add3A_142 = arith.addi %add3A_134, %add3A_141 : i32
      %dma_start3A_143 = arith.constant 0 : i32
      %dma_start3A_144 = tpu.memref_slice %arg6[%add3A_142, %dma_start3A_143] : memref<80x128xi32, #tpu.memory_space<vmem>> -> memref<1x128xi32, #tpu.memory_space<vmem>>
      %dma_start3A_145 = tpu.memref_squeeze %dma_start3A_144 : memref<1x128xi32, #tpu.memory_space<vmem>> -> memref<128xi32, #tpu.memory_space<vmem>>
      %dma_start3A_146 = arith.constant 0 : i32
      %dma_start3A_147 = arith.constant 0 : i32
      %dma_start3A_148 = tpu.memref_slice %arg2[%dma_start3A_146, %dma_start3A_147] : memref<10112x32xf32, #tpu.memory_space<hbm>> -> memref<10112x32xf32, #tpu.memory_space<hbm>>
      tpu.enqueue_indirect_dma source(%dma_start3A_148 : memref<10112x32xf32, #tpu.memory_space<hbm>>) target(%arg9 : memref<128x32xf32, #tpu.memory_space<vmem>>) offsets(%dma_start3A_145 : memref<128xi32, #tpu.memory_space<vmem>>) semaphore(%arg15 : memref<!tpu.dma_semaphore, #tpu.memory_space<semaphore_mem>>)
      %mul3A_149 = arith.constant 4 : i32
      %mul3A_150 = arith.muli %scan3A_111, %mul3A_149 : i32
      %add3A_151 = arith.constant 2 : i32
      %add3A_152 = arith.addi %mul3A_150, %add3A_151 : i32
      %dma_wait3A_153 = arith.constant 0 : i32
      %dma_wait3A_154 = tpu.memref_slice %arg6[%add3A_152, %dma_wait3A_153] : memref<80x128xi32, #tpu.memory_space<vmem>> -> memref<1x128xi32, #tpu.memory_space<vmem>>
      %dma_wait3A_155 = tpu.memref_squeeze %dma_wait3A_154 : memref<1x128xi32, #tpu.memory_space<vmem>> -> memref<128xi32, #tpu.memory_space<vmem>>
      %dma_wait3A_156 = arith.constant 0 : i32
      %dma_wait3A_157 = arith.constant 0 : i32
      %dma_wait3A_158 = tpu.memref_slice %arg2[%dma_wait3A_156, %dma_wait3A_157] : memref<10112x32xf32, #tpu.memory_space<hbm>> -> memref<10112x32xf32, #tpu.memory_space<hbm>>
      tpu.wait_indirect_dma semaphore(%arg16 : memref<!tpu.dma_semaphore, #tpu.memory_space<semaphore_mem>>) src(%dma_wait3A_158 : memref<10112x32xf32, #tpu.memory_space<hbm>>) dst(%arg10 : memref<128x32xf32, #tpu.memory_space<vmem>>)
      "tpu.region"() ({
        %run_scoped3A_186 = tpu.sem_alloc : memref<!tpu.dma_semaphore, #tpu.memory_space<semaphore_mem>>
        %dma_start3A_187 = arith.constant 0 : i32
        %dma_start3A_188 = tpu.memref_slice %arg7[%add3A_152, %dma_start3A_187] : memref<80x128xi32, #tpu.memory_space<vmem>> -> memref<1x128xi32, #tpu.memory_space<vmem>>
        %dma_start3A_189 = tpu.memref_squeeze %dma_start3A_188 : memref<1x128xi32, #tpu.memory_space<vmem>> -> memref<128xi32, #tpu.memory_space<vmem>>
        %dma_start3A_190 = arith.constant 0 : i32
        %dma_start3A_191 = arith.constant 0 : i32
        %dma_start3A_192 = tpu.memref_slice %arg13[%dma_start3A_190, %dma_start3A_191] : memref<10112x32xf32, #tpu.memory_space<vmem_shared>> -> memref<10112x32xf32, #tpu.memory_space<vmem_shared>>
        tpu.enqueue_indirect_dma source(%arg10 : memref<128x32xf32, #tpu.memory_space<vmem>>) target(%dma_start3A_192 : memref<10112x32xf32, #tpu.memory_space<vmem_shared>>) offsets(%dma_start3A_189 : memref<128xi32, #tpu.memory_space<vmem>>) semaphore(%run_scoped3A_186 : memref<!tpu.dma_semaphore, #tpu.memory_space<semaphore_mem>>) {add = true}
        %dma_wait3A_193 = arith.constant 0 : i32
        %dma_wait3A_194 = tpu.memref_slice %arg7[%add3A_152, %dma_wait3A_193] : memref<80x128xi32, #tpu.memory_space<vmem>> -> memref<1x128xi32, #tpu.memory_space<vmem>>
        %dma_wait3A_195 = tpu.memref_squeeze %dma_wait3A_194 : memref<1x128xi32, #tpu.memory_space<vmem>> -> memref<128xi32, #tpu.memory_space<vmem>>
        %dma_wait3A_196 = arith.constant 0 : i32
        %dma_wait3A_197 = arith.constant 0 : i32
        %dma_wait3A_198 = tpu.memref_slice %arg13[%dma_wait3A_196, %dma_wait3A_197] : memref<10112x32xf32, #tpu.memory_space<vmem_shared>> -> memref<10112x32xf32, #tpu.memory_space<vmem_shared>>
        tpu.wait_indirect_dma semaphore(%run_scoped3A_186 : memref<!tpu.dma_semaphore, #tpu.memory_space<semaphore_mem>>) src(%arg10 : memref<128x32xf32, #tpu.memory_space<vmem>>) dst(%dma_wait3A_198 : memref<10112x32xf32, #tpu.memory_space<vmem_shared>>)
        tpu.yield
      }) : () -> ()
      %add3A_159 = arith.constant 4 : i32
      %add3A_160 = arith.addi %add3A_152, %add3A_159 : i32
      %dma_start3A_161 = arith.constant 0 : i32
      %dma_start3A_162 = tpu.memref_slice %arg6[%add3A_160, %dma_start3A_161] : memref<80x128xi32, #tpu.memory_space<vmem>> -> memref<1x128xi32, #tpu.memory_space<vmem>>
      %dma_start3A_163 = tpu.memref_squeeze %dma_start3A_162 : memref<1x128xi32, #tpu.memory_space<vmem>> -> memref<128xi32, #tpu.memory_space<vmem>>
      %dma_start3A_164 = arith.constant 0 : i32
      %dma_start3A_165 = arith.constant 0 : i32
      %dma_start3A_166 = tpu.memref_slice %arg2[%dma_start3A_164, %dma_start3A_165] : memref<10112x32xf32, #tpu.memory_space<hbm>> -> memref<10112x32xf32, #tpu.memory_space<hbm>>
      tpu.enqueue_indirect_dma source(%dma_start3A_166 : memref<10112x32xf32, #tpu.memory_space<hbm>>) target(%arg10 : memref<128x32xf32, #tpu.memory_space<vmem>>) offsets(%dma_start3A_163 : memref<128xi32, #tpu.memory_space<vmem>>) semaphore(%arg16 : memref<!tpu.dma_semaphore, #tpu.memory_space<semaphore_mem>>)
      %mul3A_167 = arith.constant 4 : i32
      %mul3A_168 = arith.muli %scan3A_111, %mul3A_167 : i32
      %add3A_169 = arith.constant 3 : i32
      %add3A_170 = arith.addi %mul3A_168, %add3A_169 : i32
      %dma_wait3A_171 = arith.constant 0 : i32
      %dma_wait3A_172 = tpu.memref_slice %arg6[%add3A_170, %dma_wait3A_171] : memref<80x128xi32, #tpu.memory_space<vmem>> -> memref<1x128xi32, #tpu.memory_space<vmem>>
      %dma_wait3A_173 = tpu.memref_squeeze %dma_wait3A_172 : memref<1x128xi32, #tpu.memory_space<vmem>> -> memref<128xi32, #tpu.memory_space<vmem>>
      %dma_wait3A_174 = arith.constant 0 : i32
      %dma_wait3A_175 = arith.constant 0 : i32
      %dma_wait3A_176 = tpu.memref_slice %arg2[%dma_wait3A_174, %dma_wait3A_175] : memref<10112x32xf32, #tpu.memory_space<hbm>> -> memref<10112x32xf32, #tpu.memory_space<hbm>>
      tpu.wait_indirect_dma semaphore(%arg17 : memref<!tpu.dma_semaphore, #tpu.memory_space<semaphore_mem>>) src(%dma_wait3A_176 : memref<10112x32xf32, #tpu.memory_space<hbm>>) dst(%arg11 : memref<128x32xf32, #tpu.memory_space<vmem>>)
      "tpu.region"() ({
        %run_scoped3A_186 = tpu.sem_alloc : memref<!tpu.dma_semaphore, #tpu.memory_space<semaphore_mem>>
        %dma_start3A_187 = arith.constant 0 : i32
        %dma_start3A_188 = tpu.memref_slice %arg7[%add3A_170, %dma_start3A_187] : memref<80x128xi32, #tpu.memory_space<vmem>> -> memref<1x128xi32, #tpu.memory_space<vmem>>
        %dma_start3A_189 = tpu.memref_squeeze %dma_start3A_188 : memref<1x128xi32, #tpu.memory_space<vmem>> -> memref<128xi32, #tpu.memory_space<vmem>>
        %dma_start3A_190 = arith.constant 0 : i32
        %dma_start3A_191 = arith.constant 0 : i32
        %dma_start3A_192 = tpu.memref_slice %arg13[%dma_start3A_190, %dma_start3A_191] : memref<10112x32xf32, #tpu.memory_space<vmem_shared>> -> memref<10112x32xf32, #tpu.memory_space<vmem_shared>>
        tpu.enqueue_indirect_dma source(%arg11 : memref<128x32xf32, #tpu.memory_space<vmem>>) target(%dma_start3A_192 : memref<10112x32xf32, #tpu.memory_space<vmem_shared>>) offsets(%dma_start3A_189 : memref<128xi32, #tpu.memory_space<vmem>>) semaphore(%run_scoped3A_186 : memref<!tpu.dma_semaphore, #tpu.memory_space<semaphore_mem>>) {add = true}
        %dma_wait3A_193 = arith.constant 0 : i32
        %dma_wait3A_194 = tpu.memref_slice %arg7[%add3A_170, %dma_wait3A_193] : memref<80x128xi32, #tpu.memory_space<vmem>> -> memref<1x128xi32, #tpu.memory_space<vmem>>
        %dma_wait3A_195 = tpu.memref_squeeze %dma_wait3A_194 : memref<1x128xi32, #tpu.memory_space<vmem>> -> memref<128xi32, #tpu.memory_space<vmem>>
        %dma_wait3A_196 = arith.constant 0 : i32
        %dma_wait3A_197 = arith.constant 0 : i32
        %dma_wait3A_198 = tpu.memref_slice %arg13[%dma_wait3A_196, %dma_wait3A_197] : memref<10112x32xf32, #tpu.memory_space<vmem_shared>> -> memref<10112x32xf32, #tpu.memory_space<vmem_shared>>
        tpu.wait_indirect_dma semaphore(%run_scoped3A_186 : memref<!tpu.dma_semaphore, #tpu.memory_space<semaphore_mem>>) src(%arg11 : memref<128x32xf32, #tpu.memory_space<vmem>>) dst(%dma_wait3A_198 : memref<10112x32xf32, #tpu.memory_space<vmem_shared>>)
        tpu.yield
      }) : () -> ()
      %add3A_177 = arith.constant 4 : i32
      %add3A_178 = arith.addi %add3A_170, %add3A_177 : i32
      %dma_start3A_179 = arith.constant 0 : i32
      %dma_start3A_180 = tpu.memref_slice %arg6[%add3A_178, %dma_start3A_179] : memref<80x128xi32, #tpu.memory_space<vmem>> -> memref<1x128xi32, #tpu.memory_space<vmem>>
      %dma_start3A_181 = tpu.memref_squeeze %dma_start3A_180 : memref<1x128xi32, #tpu.memory_space<vmem>> -> memref<128xi32, #tpu.memory_space<vmem>>
      %dma_start3A_182 = arith.constant 0 : i32
      %dma_start3A_183 = arith.constant 0 : i32
      %dma_start3A_184 = tpu.memref_slice %arg2[%dma_start3A_182, %dma_start3A_183] : memref<10112x32xf32, #tpu.memory_space<hbm>> -> memref<10112x32xf32, #tpu.memory_space<hbm>>
      tpu.enqueue_indirect_dma source(%dma_start3A_184 : memref<10112x32xf32, #tpu.memory_space<hbm>>) target(%arg11 : memref<128x32xf32, #tpu.memory_space<vmem>>) offsets(%dma_start3A_181 : memref<128xi32, #tpu.memory_space<vmem>>) semaphore(%arg17 : memref<!tpu.dma_semaphore, #tpu.memory_space<semaphore_mem>>)
      %scan3A_185 = arith.constant 0 : i32
      scf.yield %scan3A_185 : i32
    }
    %scan3A_74 = arith.constant 19 : i32
    %dma_wait3A_75 = arith.constant 76 : i32
    %dma_wait3A_76 = arith.constant 0 : i32
    %dma_wait3A_77 = tpu.memref_slice %arg6[%dma_wait3A_75, %dma_wait3A_76] : memref<80x128xi32, #tpu.memory_space<vmem>> -> memref<1x128xi32, #tpu.memory_space<vmem>>
    %dma_wait3A_78 = tpu.memref_squeeze %dma_wait3A_77 : memref<1x128xi32, #tpu.memory_space<vmem>> -> memref<128xi32, #tpu.memory_space<vmem>>
    %dma_wait3A_79 = arith.constant 0 : i32
    %dma_wait3A_80 = arith.constant 0 : i32
    %dma_wait3A_81 = tpu.memref_slice %arg2[%dma_wait3A_79, %dma_wait3A_80] : memref<10112x32xf32, #tpu.memory_space<hbm>> -> memref<10112x32xf32, #tpu.memory_space<hbm>>
    tpu.wait_indirect_dma semaphore(%arg14 : memref<!tpu.dma_semaphore, #tpu.memory_space<semaphore_mem>>) src(%dma_wait3A_81 : memref<10112x32xf32, #tpu.memory_space<hbm>>) dst(%arg8 : memref<128x32xf32, #tpu.memory_space<vmem>>)
    %run_scoped3A = arith.constant 76 : i32
    "tpu.region"() ({
      %run_scoped3A_111 = tpu.sem_alloc : memref<!tpu.dma_semaphore, #tpu.memory_space<semaphore_mem>>
      %dma_start3A_112 = arith.constant 0 : i32
      %dma_start3A_113 = tpu.memref_slice %arg7[%run_scoped3A, %dma_start3A_112] : memref<80x128xi32, #tpu.memory_space<vmem>> -> memref<1x128xi32, #tpu.memory_space<vmem>>
      %dma_start3A_114 = tpu.memref_squeeze %dma_start3A_113 : memref<1x128xi32, #tpu.memory_space<vmem>> -> memref<128xi32, #tpu.memory_space<vmem>>
      %dma_start3A_115 = arith.constant 0 : i32
      %dma_start3A_116 = arith.constant 0 : i32
      %dma_start3A_117 = tpu.memref_slice %arg13[%dma_start3A_115, %dma_start3A_116] : memref<10112x32xf32, #tpu.memory_space<vmem_shared>> -> memref<10112x32xf32, #tpu.memory_space<vmem_shared>>
      tpu.enqueue_indirect_dma source(%arg8 : memref<128x32xf32, #tpu.memory_space<vmem>>) target(%dma_start3A_117 : memref<10112x32xf32, #tpu.memory_space<vmem_shared>>) offsets(%dma_start3A_114 : memref<128xi32, #tpu.memory_space<vmem>>) semaphore(%run_scoped3A_111 : memref<!tpu.dma_semaphore, #tpu.memory_space<semaphore_mem>>) {add = true}
      %dma_wait3A_118 = arith.constant 0 : i32
      %dma_wait3A_119 = tpu.memref_slice %arg7[%run_scoped3A, %dma_wait3A_118] : memref<80x128xi32, #tpu.memory_space<vmem>> -> memref<1x128xi32, #tpu.memory_space<vmem>>
      %dma_wait3A_120 = tpu.memref_squeeze %dma_wait3A_119 : memref<1x128xi32, #tpu.memory_space<vmem>> -> memref<128xi32, #tpu.memory_space<vmem>>
      %dma_wait3A_121 = arith.constant 0 : i32
      %dma_wait3A_122 = arith.constant 0 : i32
      %dma_wait3A_123 = tpu.memref_slice %arg13[%dma_wait3A_121, %dma_wait3A_122] : memref<10112x32xf32, #tpu.memory_space<vmem_shared>> -> memref<10112x32xf32, #tpu.memory_space<vmem_shared>>
      tpu.wait_indirect_dma semaphore(%run_scoped3A_111 : memref<!tpu.dma_semaphore, #tpu.memory_space<semaphore_mem>>) src(%arg8 : memref<128x32xf32, #tpu.memory_space<vmem>>) dst(%dma_wait3A_123 : memref<10112x32xf32, #tpu.memory_space<vmem_shared>>)
      tpu.yield
    }) : () -> ()
    %dma_wait3A_82 = arith.constant 77 : i32
    %dma_wait3A_83 = arith.constant 0 : i32
    %dma_wait3A_84 = tpu.memref_slice %arg6[%dma_wait3A_82, %dma_wait3A_83] : memref<80x128xi32, #tpu.memory_space<vmem>> -> memref<1x128xi32, #tpu.memory_space<vmem>>
    %dma_wait3A_85 = tpu.memref_squeeze %dma_wait3A_84 : memref<1x128xi32, #tpu.memory_space<vmem>> -> memref<128xi32, #tpu.memory_space<vmem>>
    %dma_wait3A_86 = arith.constant 0 : i32
    %dma_wait3A_87 = arith.constant 0 : i32
    %dma_wait3A_88 = tpu.memref_slice %arg2[%dma_wait3A_86, %dma_wait3A_87] : memref<10112x32xf32, #tpu.memory_space<hbm>> -> memref<10112x32xf32, #tpu.memory_space<hbm>>
    tpu.wait_indirect_dma semaphore(%arg15 : memref<!tpu.dma_semaphore, #tpu.memory_space<semaphore_mem>>) src(%dma_wait3A_88 : memref<10112x32xf32, #tpu.memory_space<hbm>>) dst(%arg9 : memref<128x32xf32, #tpu.memory_space<vmem>>)
    %run_scoped3A_89 = arith.constant 77 : i32
    "tpu.region"() ({
      %run_scoped3A_111 = tpu.sem_alloc : memref<!tpu.dma_semaphore, #tpu.memory_space<semaphore_mem>>
      %dma_start3A_112 = arith.constant 0 : i32
      %dma_start3A_113 = tpu.memref_slice %arg7[%run_scoped3A_89, %dma_start3A_112] : memref<80x128xi32, #tpu.memory_space<vmem>> -> memref<1x128xi32, #tpu.memory_space<vmem>>
      %dma_start3A_114 = tpu.memref_squeeze %dma_start3A_113 : memref<1x128xi32, #tpu.memory_space<vmem>> -> memref<128xi32, #tpu.memory_space<vmem>>
      %dma_start3A_115 = arith.constant 0 : i32
      %dma_start3A_116 = arith.constant 0 : i32
      %dma_start3A_117 = tpu.memref_slice %arg13[%dma_start3A_115, %dma_start3A_116] : memref<10112x32xf32, #tpu.memory_space<vmem_shared>> -> memref<10112x32xf32, #tpu.memory_space<vmem_shared>>
      tpu.enqueue_indirect_dma source(%arg9 : memref<128x32xf32, #tpu.memory_space<vmem>>) target(%dma_start3A_117 : memref<10112x32xf32, #tpu.memory_space<vmem_shared>>) offsets(%dma_start3A_114 : memref<128xi32, #tpu.memory_space<vmem>>) semaphore(%run_scoped3A_111 : memref<!tpu.dma_semaphore, #tpu.memory_space<semaphore_mem>>) {add = true}
      %dma_wait3A_118 = arith.constant 0 : i32
      %dma_wait3A_119 = tpu.memref_slice %arg7[%run_scoped3A_89, %dma_wait3A_118] : memref<80x128xi32, #tpu.memory_space<vmem>> -> memref<1x128xi32, #tpu.memory_space<vmem>>
      %dma_wait3A_120 = tpu.memref_squeeze %dma_wait3A_119 : memref<1x128xi32, #tpu.memory_space<vmem>> -> memref<128xi32, #tpu.memory_space<vmem>>
      %dma_wait3A_121 = arith.constant 0 : i32
      %dma_wait3A_122 = arith.constant 0 : i32
      %dma_wait3A_123 = tpu.memref_slice %arg13[%dma_wait3A_121, %dma_wait3A_122] : memref<10112x32xf32, #tpu.memory_space<vmem_shared>> -> memref<10112x32xf32, #tpu.memory_space<vmem_shared>>
      tpu.wait_indirect_dma semaphore(%run_scoped3A_111 : memref<!tpu.dma_semaphore, #tpu.memory_space<semaphore_mem>>) src(%arg9 : memref<128x32xf32, #tpu.memory_space<vmem>>) dst(%dma_wait3A_123 : memref<10112x32xf32, #tpu.memory_space<vmem_shared>>)
      tpu.yield
    }) : () -> ()
    %dma_wait3A_90 = arith.constant 78 : i32
    %dma_wait3A_91 = arith.constant 0 : i32
    %dma_wait3A_92 = tpu.memref_slice %arg6[%dma_wait3A_90, %dma_wait3A_91] : memref<80x128xi32, #tpu.memory_space<vmem>> -> memref<1x128xi32, #tpu.memory_space<vmem>>
    %dma_wait3A_93 = tpu.memref_squeeze %dma_wait3A_92 : memref<1x128xi32, #tpu.memory_space<vmem>> -> memref<128xi32, #tpu.memory_space<vmem>>
    %dma_wait3A_94 = arith.constant 0 : i32
    %dma_wait3A_95 = arith.constant 0 : i32
    %dma_wait3A_96 = tpu.memref_slice %arg2[%dma_wait3A_94, %dma_wait3A_95] : memref<10112x32xf32, #tpu.memory_space<hbm>> -> memref<10112x32xf32, #tpu.memory_space<hbm>>
    tpu.wait_indirect_dma semaphore(%arg16 : memref<!tpu.dma_semaphore, #tpu.memory_space<semaphore_mem>>) src(%dma_wait3A_96 : memref<10112x32xf32, #tpu.memory_space<hbm>>) dst(%arg10 : memref<128x32xf32, #tpu.memory_space<vmem>>)
    %run_scoped3A_97 = arith.constant 78 : i32
    "tpu.region"() ({
      %run_scoped3A_111 = tpu.sem_alloc : memref<!tpu.dma_semaphore, #tpu.memory_space<semaphore_mem>>
      %dma_start3A_112 = arith.constant 0 : i32
      %dma_start3A_113 = tpu.memref_slice %arg7[%run_scoped3A_97, %dma_start3A_112] : memref<80x128xi32, #tpu.memory_space<vmem>> -> memref<1x128xi32, #tpu.memory_space<vmem>>
      %dma_start3A_114 = tpu.memref_squeeze %dma_start3A_113 : memref<1x128xi32, #tpu.memory_space<vmem>> -> memref<128xi32, #tpu.memory_space<vmem>>
      %dma_start3A_115 = arith.constant 0 : i32
      %dma_start3A_116 = arith.constant 0 : i32
      %dma_start3A_117 = tpu.memref_slice %arg13[%dma_start3A_115, %dma_start3A_116] : memref<10112x32xf32, #tpu.memory_space<vmem_shared>> -> memref<10112x32xf32, #tpu.memory_space<vmem_shared>>
      tpu.enqueue_indirect_dma source(%arg10 : memref<128x32xf32, #tpu.memory_space<vmem>>) target(%dma_start3A_117 : memref<10112x32xf32, #tpu.memory_space<vmem_shared>>) offsets(%dma_start3A_114 : memref<128xi32, #tpu.memory_space<vmem>>) semaphore(%run_scoped3A_111 : memref<!tpu.dma_semaphore, #tpu.memory_space<semaphore_mem>>) {add = true}
      %dma_wait3A_118 = arith.constant 0 : i32
      %dma_wait3A_119 = tpu.memref_slice %arg7[%run_scoped3A_97, %dma_wait3A_118] : memref<80x128xi32, #tpu.memory_space<vmem>> -> memref<1x128xi32, #tpu.memory_space<vmem>>
      %dma_wait3A_120 = tpu.memref_squeeze %dma_wait3A_119 : memref<1x128xi32, #tpu.memory_space<vmem>> -> memref<128xi32, #tpu.memory_space<vmem>>
      %dma_wait3A_121 = arith.constant 0 : i32
      %dma_wait3A_122 = arith.constant 0 : i32
      %dma_wait3A_123 = tpu.memref_slice %arg13[%dma_wait3A_121, %dma_wait3A_122] : memref<10112x32xf32, #tpu.memory_space<vmem_shared>> -> memref<10112x32xf32, #tpu.memory_space<vmem_shared>>
      tpu.wait_indirect_dma semaphore(%run_scoped3A_111 : memref<!tpu.dma_semaphore, #tpu.memory_space<semaphore_mem>>) src(%arg10 : memref<128x32xf32, #tpu.memory_space<vmem>>) dst(%dma_wait3A_123 : memref<10112x32xf32, #tpu.memory_space<vmem_shared>>)
      tpu.yield
    }) : () -> ()
    %dma_wait3A_98 = arith.constant 79 : i32
    %dma_wait3A_99 = arith.constant 0 : i32
    %dma_wait3A_100 = tpu.memref_slice %arg6[%dma_wait3A_98, %dma_wait3A_99] : memref<80x128xi32, #tpu.memory_space<vmem>> -> memref<1x128xi32, #tpu.memory_space<vmem>>
    %dma_wait3A_101 = tpu.memref_squeeze %dma_wait3A_100 : memref<1x128xi32, #tpu.memory_space<vmem>> -> memref<128xi32, #tpu.memory_space<vmem>>
    %dma_wait3A_102 = arith.constant 0 : i32
    %dma_wait3A_103 = arith.constant 0 : i32
    %dma_wait3A_104 = tpu.memref_slice %arg2[%dma_wait3A_102, %dma_wait3A_103] : memref<10112x32xf32, #tpu.memory_space<hbm>> -> memref<10112x32xf32, #tpu.memory_space<hbm>>
    tpu.wait_indirect_dma semaphore(%arg17 : memref<!tpu.dma_semaphore, #tpu.memory_space<semaphore_mem>>) src(%dma_wait3A_104 : memref<10112x32xf32, #tpu.memory_space<hbm>>) dst(%arg11 : memref<128x32xf32, #tpu.memory_space<vmem>>)
    %run_scoped3A_105 = arith.constant 79 : i32
    "tpu.region"() ({
      %run_scoped3A_111 = tpu.sem_alloc : memref<!tpu.dma_semaphore, #tpu.memory_space<semaphore_mem>>
      %dma_start3A_112 = arith.constant 0 : i32
      %dma_start3A_113 = tpu.memref_slice %arg7[%run_scoped3A_105, %dma_start3A_112] : memref<80x128xi32, #tpu.memory_space<vmem>> -> memref<1x128xi32, #tpu.memory_space<vmem>>
      %dma_start3A_114 = tpu.memref_squeeze %dma_start3A_113 : memref<1x128xi32, #tpu.memory_space<vmem>> -> memref<128xi32, #tpu.memory_space<vmem>>
      %dma_start3A_115 = arith.constant 0 : i32
      %dma_start3A_116 = arith.constant 0 : i32
      %dma_start3A_117 = tpu.memref_slice %arg13[%dma_start3A_115, %dma_start3A_116] : memref<10112x32xf32, #tpu.memory_space<vmem_shared>> -> memref<10112x32xf32, #tpu.memory_space<vmem_shared>>
      tpu.enqueue_indirect_dma source(%arg11 : memref<128x32xf32, #tpu.memory_space<vmem>>) target(%dma_start3A_117 : memref<10112x32xf32, #tpu.memory_space<vmem_shared>>) offsets(%dma_start3A_114 : memref<128xi32, #tpu.memory_space<vmem>>) semaphore(%run_scoped3A_111 : memref<!tpu.dma_semaphore, #tpu.memory_space<semaphore_mem>>) {add = true}
      %dma_wait3A_118 = arith.constant 0 : i32
      %dma_wait3A_119 = tpu.memref_slice %arg7[%run_scoped3A_105, %dma_wait3A_118] : memref<80x128xi32, #tpu.memory_space<vmem>> -> memref<1x128xi32, #tpu.memory_space<vmem>>
      %dma_wait3A_120 = tpu.memref_squeeze %dma_wait3A_119 : memref<1x128xi32, #tpu.memory_space<vmem>> -> memref<128xi32, #tpu.memory_space<vmem>>
      %dma_wait3A_121 = arith.constant 0 : i32
      %dma_wait3A_122 = arith.constant 0 : i32
      %dma_wait3A_123 = tpu.memref_slice %arg13[%dma_wait3A_121, %dma_wait3A_122] : memref<10112x32xf32, #tpu.memory_space<vmem_shared>> -> memref<10112x32xf32, #tpu.memory_space<vmem_shared>>
      tpu.wait_indirect_dma semaphore(%run_scoped3A_111 : memref<!tpu.dma_semaphore, #tpu.memory_space<semaphore_mem>>) src(%arg11 : memref<128x32xf32, #tpu.memory_space<vmem>>) dst(%dma_wait3A_123 : memref<10112x32xf32, #tpu.memory_space<vmem_shared>>)
      tpu.yield
    }) : () -> ()
    %barrier3A_106 = arith.constant 0 : index
    tpu.barrier barrier_id(%barrier3A_106)
    %mul3A_107 = arith.constant 632 : i32
    %mul3A_108 = arith.muli %arg1, %mul3A_107 : i32
    %mul3A_109 = arith.constant 632 : i32
    %mul3A_110 = arith.muli %arg1, %mul3A_109 : i32
    "tpu.region"() ({
      %run_scoped3A_111 = tpu.sem_alloc : memref<!tpu.dma_semaphore, #tpu.memory_space<semaphore_mem>>
      %dma_start3A_112 = arith.constant 0 : i32
      %dma_start3A_113 = tpu.memref_slice %arg5[%arg0, %mul3A_110, %dma_start3A_112] : memref<2x10112x32xf32, #tpu.memory_space<hbm>> -> memref<1x632x32xf32, #tpu.memory_space<hbm>>
      %dma_start3A_114 = tpu.memref_squeeze %dma_start3A_113 : memref<1x632x32xf32, #tpu.memory_space<hbm>> -> memref<632x32xf32, #tpu.memory_space<hbm>>
      %dma_start3A_115 = arith.constant 0 : i32
      %dma_start3A_116 = tpu.memref_slice %arg13[%mul3A_108, %dma_start3A_115] : memref<10112x32xf32, #tpu.memory_space<vmem_shared>> -> memref<632x32xf32, #tpu.memory_space<vmem_shared>>
      tpu.enqueue_dma source(%dma_start3A_116 : memref<632x32xf32, #tpu.memory_space<vmem_shared>>) target(%dma_start3A_114 : memref<632x32xf32, #tpu.memory_space<hbm>>) target_semaphore(%run_scoped3A_111 : memref<!tpu.dma_semaphore, #tpu.memory_space<semaphore_mem>>)
      %dma_wait3A_117 = arith.constant 0 : i32
      %dma_wait3A_118 = tpu.memref_slice %arg5[%arg0, %mul3A_110, %dma_wait3A_117] : memref<2x10112x32xf32, #tpu.memory_space<hbm>> -> memref<1x632x32xf32, #tpu.memory_space<hbm>>
      %dma_wait3A_119 = tpu.memref_squeeze %dma_wait3A_118 : memref<1x632x32xf32, #tpu.memory_space<hbm>> -> memref<632x32xf32, #tpu.memory_space<hbm>>
      %dma_wait3A_120 = arith.constant 0 : i32
      %dma_wait3A_121 = tpu.memref_slice %arg13[%mul3A_108, %dma_wait3A_120] : memref<10112x32xf32, #tpu.memory_space<vmem_shared>> -> memref<632x32xf32, #tpu.memory_space<vmem_shared>>
      tpu.wait_dma2 semaphore(%run_scoped3A_111 : memref<!tpu.dma_semaphore, #tpu.memory_space<semaphore_mem>>) src(%dma_wait3A_121 : memref<632x32xf32, #tpu.memory_space<vmem_shared>>) dst(%dma_wait3A_119 : memref<632x32xf32, #tpu.memory_space<hbm>>)
      tpu.yield
    }) : () -> ()
    return
  }
}

#map = affine_map<(d0, d1) -> (0, 0)>
#map1 = affine_map<(d0, d1) -> (0, 0, 0)>
module attributes {stable_mosaic.version = 14 : i64} {
  func.func @_edge_body(%arg0: i32, %arg1: i32, %arg2: memref<10112x32xf32, #tpu.memory_space<hbm>>, %arg3: memref<32x80x128xi32, #tpu.memory_space<hbm>>, %arg4: memref<32x80x128xi32, #tpu.memory_space<hbm>>, %arg5: memref<2x10112x32xf32, #tpu.memory_space<hbm>>, %arg6: memref<80x128xi32, #tpu.memory_space<vmem>>, %arg7: memref<80x128xi32, #tpu.memory_space<vmem>>, %arg8: memref<128x32xf32, #tpu.memory_space<vmem>>, %arg9: memref<128x32xf32, #tpu.memory_space<vmem>>, %arg10: memref<128x32xf32, #tpu.memory_space<vmem>>, %arg11: memref<128x32xf32, #tpu.memory_space<vmem>>, %arg12: memref<632x32xf32, #tpu.memory_space<vmem>>, %arg13: memref<10112x32xf32, #tpu.memory_space<vmem_shared>>, %arg14: memref<!tpu.dma_semaphore, #tpu.memory_space<semaphore_mem>>, %arg15: memref<!tpu.dma_semaphore, #tpu.memory_space<semaphore_mem>>, %arg16: memref<!tpu.dma_semaphore, #tpu.memory_space<semaphore_mem>>, %arg17: memref<!tpu.dma_semaphore, #tpu.memory_space<semaphore_mem>>) attributes {dimension_semantics = [#tpu.dimension_semantics<core_parallel>, #tpu.dimension_semantics<subcore_parallel>], iteration_bounds = array<i64: 2, 16>, scalar_prefetch = 0 : i64, scratch_operands = 12 : i64, tpu.core_type = #tpu.core_type<sc_vector_subcore>, window_params = [{transform_indices = #map}, {transform_indices = #map1}, {transform_indices = #map1}, {transform_indices = #map1}]} {
    %mul3A = arith.constant 2 : i32
    %mul3A_0 = arith.muli %arg1, %mul3A : i32
    %add3A = arith.addi %mul3A_0, %arg0 : i32
    %broadcast_in_dim3A = arith.constant 0.000000e+00 : f32
    %broadcast_in_dim3A_1 = vector.broadcast %broadcast_in_dim3A : f32 to vector<16xf32>
    %dma_start3A = arith.constant 0 : i32
    %dma_start3A_2 = arith.constant 0 : i32
    %dma_start3A_3 = tpu.memref_slice %arg3[%add3A, %dma_start3A, %dma_start3A_2] : memref<32x80x128xi32, #tpu.memory_space<hbm>> -> memref<1x80x128xi32, #tpu.memory_space<hbm>>
    %dma_start3A_4 = tpu.memref_squeeze %dma_start3A_3 : memref<1x80x128xi32, #tpu.memory_space<hbm>> -> memref<80x128xi32, #tpu.memory_space<hbm>>
    %dma_start3A_5 = arith.constant 0 : i32
    %dma_start3A_6 = arith.constant 0 : i32
    %dma_start3A_7 = tpu.memref_slice %arg3[%add3A, %dma_start3A_5, %dma_start3A_6] : memref<32x80x128xi32, #tpu.memory_space<hbm>> -> memref<1x80x128xi32, #tpu.memory_space<hbm>>
    %dma_start3A_8 = tpu.memref_squeeze %dma_start3A_7 : memref<1x80x128xi32, #tpu.memory_space<hbm>> -> memref<80x128xi32, #tpu.memory_space<hbm>>
    tpu.enqueue_dma source(%dma_start3A_8 : memref<80x128xi32, #tpu.memory_space<hbm>>) target(%arg6 : memref<80x128xi32, #tpu.memory_space<vmem>>) target_semaphore(%arg14 : memref<!tpu.dma_semaphore, #tpu.memory_space<semaphore_mem>>)
    %dma_start3A_9 = arith.constant 0 : i32
    %dma_start3A_10 = arith.constant 0 : i32
    %dma_start3A_11 = tpu.memref_slice %arg4[%add3A, %dma_start3A_9, %dma_start3A_10] : memref<32x80x128xi32, #tpu.memory_space<hbm>> -> memref<1x80x128xi32, #tpu.memory_space<hbm>>
    %dma_start3A_12 = tpu.memref_squeeze %dma_start3A_11 : memref<1x80x128xi32, #tpu.memory_space<hbm>> -> memref<80x128xi32, #tpu.memory_space<hbm>>
    %dma_start3A_13 = arith.constant 0 : i32
    %dma_start3A_14 = arith.constant 0 : i32
    %dma_start3A_15 = tpu.memref_slice %arg4[%add3A, %dma_start3A_13, %dma_start3A_14] : memref<32x80x128xi32, #tpu.memory_space<hbm>> -> memref<1x80x128xi32, #tpu.memory_space<hbm>>
    %dma_start3A_16 = tpu.memref_squeeze %dma_start3A_15 : memref<1x80x128xi32, #tpu.memory_space<hbm>> -> memref<80x128xi32, #tpu.memory_space<hbm>>
    tpu.enqueue_dma source(%dma_start3A_16 : memref<80x128xi32, #tpu.memory_space<hbm>>) target(%arg7 : memref<80x128xi32, #tpu.memory_space<vmem>>) target_semaphore(%arg15 : memref<!tpu.dma_semaphore, #tpu.memory_space<semaphore_mem>>)
    %scan3A = arith.constant 0 : i32
    %scan3A_17 = arith.constant 0 : i32
    %scan3A_18 = arith.constant 632 : i32
    %scan3A_19 = arith.addi %scan3A_17, %scan3A_18 : i32
    %scan3A_20 = arith.constant 1 : i32
    %scan3A_21 = scf.for %scan3A_111 = %scan3A_17 to %scan3A_19 step %scan3A_20 iter_args(%scan3A_112 = %scan3A) -> (i32)  : i32 {
      %swap3A = arith.index_cast %scan3A_111 : i32 to index
      %swap3A_113 = arith.constant 0 : index
      %swap3A_114 = tpu.vector_load %arg12[%swap3A, %swap3A_113] {strides = array<i32>} : memref<632x32xf32, #tpu.memory_space<vmem>>, vector<1x16xf32>,
      %swap3A_115 = vector.shape_cast %swap3A_114 : vector<1x16xf32> to vector<16xf32>
      %swap3A_116 = vector.shape_cast %broadcast_in_dim3A_1 : vector<16xf32> to vector<1x16xf32>
      tpu.vector_store %arg12[%swap3A, %swap3A_113], %swap3A_116 {strides = array<i32>} : memref<632x32xf32, #tpu.memory_space<vmem>>, vector<1x16xf32>,
      %swap3A_117 = arith.index_cast %scan3A_111 : i32 to index
      %swap3A_118 = arith.constant 16 : index
      %swap3A_119 = tpu.vector_load %arg12[%swap3A_117, %swap3A_118] {strides = array<i32>} : memref<632x32xf32, #tpu.memory_space<vmem>>, vector<1x16xf32>,
      %swap3A_120 = vector.shape_cast %swap3A_119 : vector<1x16xf32> to vector<16xf32>
      %swap3A_121 = vector.shape_cast %broadcast_in_dim3A_1 : vector<16xf32> to vector<1x16xf32>
      tpu.vector_store %arg12[%swap3A_117, %swap3A_118], %swap3A_121 {strides = array<i32>} : memref<632x32xf32, #tpu.memory_space<vmem>>, vector<1x16xf32>,
      %scan3A_122 = arith.constant 0 : i32
      scf.yield %scan3A_122 : i32
    }
    %scan3A_22 = arith.constant 632 : i32
    %mul3A_23 = arith.constant 632 : i32
    %mul3A_24 = arith.muli %arg1, %mul3A_23 : i32
    "tpu.region"() ({
      %run_scoped3A_111 = tpu.sem_alloc : memref<!tpu.dma_semaphore, #tpu.memory_space<semaphore_mem>>
      %dma_start3A_112 = arith.constant 0 : i32
      %dma_start3A_113 = tpu.memref_slice %arg13[%mul3A_24, %dma_start3A_112] : memref<10112x32xf32, #tpu.memory_space<vmem_shared>> -> memref<632x32xf32, #tpu.memory_space<vmem_shared>>
      %dma_start3A_114 = arith.constant 0 : i32
      %dma_start3A_115 = tpu.memref_slice %arg13[%mul3A_24, %dma_start3A_114] : memref<10112x32xf32, #tpu.memory_space<vmem_shared>> -> memref<632x32xf32, #tpu.memory_space<vmem_shared>>
      tpu.enqueue_dma source(%arg12 : memref<632x32xf32, #tpu.memory_space<vmem>>) target(%dma_start3A_115 : memref<632x32xf32, #tpu.memory_space<vmem_shared>>) target_semaphore(%run_scoped3A_111 : memref<!tpu.dma_semaphore, #tpu.memory_space<semaphore_mem>>)
      %dma_wait3A_116 = arith.constant 0 : i32
      %dma_wait3A_117 = tpu.memref_slice %arg13[%mul3A_24, %dma_wait3A_116] : memref<10112x32xf32, #tpu.memory_space<vmem_shared>> -> memref<632x32xf32, #tpu.memory_space<vmem_shared>>
      %dma_wait3A_118 = arith.constant 0 : i32
      %dma_wait3A_119 = tpu.memref_slice %arg13[%mul3A_24, %dma_wait3A_118] : memref<10112x32xf32, #tpu.memory_space<vmem_shared>> -> memref<632x32xf32, #tpu.memory_space<vmem_shared>>
      tpu.wait_dma2 semaphore(%run_scoped3A_111 : memref<!tpu.dma_semaphore, #tpu.memory_space<semaphore_mem>>) src(%arg12 : memref<632x32xf32, #tpu.memory_space<vmem>>) dst(%dma_wait3A_119 : memref<632x32xf32, #tpu.memory_space<vmem_shared>>)
      tpu.yield
    }) : () -> ()
    %dma_wait3A = arith.constant 0 : i32
    %dma_wait3A_25 = arith.constant 0 : i32
    %dma_wait3A_26 = tpu.memref_slice %arg3[%add3A, %dma_wait3A, %dma_wait3A_25] : memref<32x80x128xi32, #tpu.memory_space<hbm>> -> memref<1x80x128xi32, #tpu.memory_space<hbm>>
    %dma_wait3A_27 = tpu.memref_squeeze %dma_wait3A_26 : memref<1x80x128xi32, #tpu.memory_space<hbm>> -> memref<80x128xi32, #tpu.memory_space<hbm>>
    %dma_wait3A_28 = arith.constant 0 : i32
    %dma_wait3A_29 = arith.constant 0 : i32
    %dma_wait3A_30 = tpu.memref_slice %arg3[%add3A, %dma_wait3A_28, %dma_wait3A_29] : memref<32x80x128xi32, #tpu.memory_space<hbm>> -> memref<1x80x128xi32, #tpu.memory_space<hbm>>
    %dma_wait3A_31 = tpu.memref_squeeze %dma_wait3A_30 : memref<1x80x128xi32, #tpu.memory_space<hbm>> -> memref<80x128xi32, #tpu.memory_space<hbm>>
    tpu.wait_dma2 semaphore(%arg14 : memref<!tpu.dma_semaphore, #tpu.memory_space<semaphore_mem>>) src(%dma_wait3A_31 : memref<80x128xi32, #tpu.memory_space<hbm>>) dst(%arg6 : memref<80x128xi32, #tpu.memory_space<vmem>>)
    %dma_wait3A_32 = arith.constant 0 : i32
    %dma_wait3A_33 = arith.constant 0 : i32
    %dma_wait3A_34 = tpu.memref_slice %arg4[%add3A, %dma_wait3A_32, %dma_wait3A_33] : memref<32x80x128xi32, #tpu.memory_space<hbm>> -> memref<1x80x128xi32, #tpu.memory_space<hbm>>
    %dma_wait3A_35 = tpu.memref_squeeze %dma_wait3A_34 : memref<1x80x128xi32, #tpu.memory_space<hbm>> -> memref<80x128xi32, #tpu.memory_space<hbm>>
    %dma_wait3A_36 = arith.constant 0 : i32
    %dma_wait3A_37 = arith.constant 0 : i32
    %dma_wait3A_38 = tpu.memref_slice %arg4[%add3A, %dma_wait3A_36, %dma_wait3A_37] : memref<32x80x128xi32, #tpu.memory_space<hbm>> -> memref<1x80x128xi32, #tpu.memory_space<hbm>>
    %dma_wait3A_39 = tpu.memref_squeeze %dma_wait3A_38 : memref<1x80x128xi32, #tpu.memory_space<hbm>> -> memref<80x128xi32, #tpu.memory_space<hbm>>
    tpu.wait_dma2 semaphore(%arg15 : memref<!tpu.dma_semaphore, #tpu.memory_space<semaphore_mem>>) src(%dma_wait3A_39 : memref<80x128xi32, #tpu.memory_space<hbm>>) dst(%arg7 : memref<80x128xi32, #tpu.memory_space<vmem>>)
    %barrier3A = arith.constant 0 : index
    tpu.barrier barrier_id(%barrier3A)
    %dma_start3A_40 = arith.constant 0 : i32
    %dma_start3A_41 = arith.constant 0 : i32
    %dma_start3A_42 = tpu.memref_slice %arg6[%dma_start3A_40, %dma_start3A_41] : memref<80x128xi32, #tpu.memory_space<vmem>> -> memref<1x128xi32, #tpu.memory_space<vmem>>
    %dma_start3A_43 = tpu.memref_squeeze %dma_start3A_42 : memref<1x128xi32, #tpu.memory_space<vmem>> -> memref<128xi32, #tpu.memory_space<vmem>>
    %dma_start3A_44 = arith.constant 0 : i32
    %dma_start3A_45 = arith.constant 0 : i32
    %dma_start3A_46 = tpu.memref_slice %arg2[%dma_start3A_44, %dma_start3A_45] : memref<10112x32xf32, #tpu.memory_space<hbm>> -> memref<10112x32xf32, #tpu.memory_space<hbm>>
    tpu.enqueue_indirect_dma source(%dma_start3A_46 : memref<10112x32xf32, #tpu.memory_space<hbm>>) target(%arg8 : memref<128x32xf32, #tpu.memory_space<vmem>>) offsets(%dma_start3A_43 : memref<128xi32, #tpu.memory_space<vmem>>) semaphore(%arg14 : memref<!tpu.dma_semaphore, #tpu.memory_space<semaphore_mem>>)
    %dma_start3A_47 = arith.constant 1 : i32
    %dma_start3A_48 = arith.constant 0 : i32
    %dma_start3A_49 = tpu.memref_slice %arg6[%dma_start3A_47, %dma_start3A_48] : memref<80x128xi32, #tpu.memory_space<vmem>> -> memref<1x128xi32, #tpu.memory_space<vmem>>
    %dma_start3A_50 = tpu.memref_squeeze %dma_start3A_49 : memref<1x128xi32, #tpu.memory_space<vmem>> -> memref<128xi32, #tpu.memory_space<vmem>>
    %dma_start3A_51 = arith.constant 0 : i32
    %dma_start3A_52 = arith.constant 0 : i32
    %dma_start3A_53 = tpu.memref_slice %arg2[%dma_start3A_51, %dma_start3A_52] : memref<10112x32xf32, #tpu.memory_space<hbm>> -> memref<10112x32xf32, #tpu.memory_space<hbm>>
    tpu.enqueue_indirect_dma source(%dma_start3A_53 : memref<10112x32xf32, #tpu.memory_space<hbm>>) target(%arg9 : memref<128x32xf32, #tpu.memory_space<vmem>>) offsets(%dma_start3A_50 : memref<128xi32, #tpu.memory_space<vmem>>) semaphore(%arg15 : memref<!tpu.dma_semaphore, #tpu.memory_space<semaphore_mem>>)
    %dma_start3A_54 = arith.constant 2 : i32
    %dma_start3A_55 = arith.constant 0 : i32
    %dma_start3A_56 = tpu.memref_slice %arg6[%dma_start3A_54, %dma_start3A_55] : memref<80x128xi32, #tpu.memory_space<vmem>> -> memref<1x128xi32, #tpu.memory_space<vmem>>
    %dma_start3A_57 = tpu.memref_squeeze %dma_start3A_56 : memref<1x128xi32, #tpu.memory_space<vmem>> -> memref<128xi32, #tpu.memory_space<vmem>>
    %dma_start3A_58 = arith.constant 0 : i32
    %dma_start3A_59 = arith.constant 0 : i32
    %dma_start3A_60 = tpu.memref_slice %arg2[%dma_start3A_58, %dma_start3A_59] : memref<10112x32xf32, #tpu.memory_space<hbm>> -> memref<10112x32xf32, #tpu.memory_space<hbm>>
    tpu.enqueue_indirect_dma source(%dma_start3A_60 : memref<10112x32xf32, #tpu.memory_space<hbm>>) target(%arg10 : memref<128x32xf32, #tpu.memory_space<vmem>>) offsets(%dma_start3A_57 : memref<128xi32, #tpu.memory_space<vmem>>) semaphore(%arg16 : memref<!tpu.dma_semaphore, #tpu.memory_space<semaphore_mem>>)
    %dma_start3A_61 = arith.constant 3 : i32
    %dma_start3A_62 = arith.constant 0 : i32
    %dma_start3A_63 = tpu.memref_slice %arg6[%dma_start3A_61, %dma_start3A_62] : memref<80x128xi32, #tpu.memory_space<vmem>> -> memref<1x128xi32, #tpu.memory_space<vmem>>
    %dma_start3A_64 = tpu.memref_squeeze %dma_start3A_63 : memref<1x128xi32, #tpu.memory_space<vmem>> -> memref<128xi32, #tpu.memory_space<vmem>>
    %dma_start3A_65 = arith.constant 0 : i32
    %dma_start3A_66 = arith.constant 0 : i32
    %dma_start3A_67 = tpu.memref_slice %arg2[%dma_start3A_65, %dma_start3A_66] : memref<10112x32xf32, #tpu.memory_space<hbm>> -> memref<10112x32xf32, #tpu.memory_space<hbm>>
    tpu.enqueue_indirect_dma source(%dma_start3A_67 : memref<10112x32xf32, #tpu.memory_space<hbm>>) target(%arg11 : memref<128x32xf32, #tpu.memory_space<vmem>>) offsets(%dma_start3A_64 : memref<128xi32, #tpu.memory_space<vmem>>) semaphore(%arg17 : memref<!tpu.dma_semaphore, #tpu.memory_space<semaphore_mem>>)
    %scan3A_68 = arith.constant 0 : i32
    %scan3A_69 = arith.constant 0 : i32
    %scan3A_70 = arith.constant 19 : i32
    %scan3A_71 = arith.addi %scan3A_69, %scan3A_70 : i32
    %scan3A_72 = arith.constant 1 : i32
    %scan3A_73 = scf.for %scan3A_111 = %scan3A_69 to %scan3A_71 step %scan3A_72 iter_args(%scan3A_112 = %scan3A_68) -> (i32)  : i32 {
      %mul3A_113 = arith.constant 4 : i32
      %mul3A_114 = arith.muli %scan3A_111, %mul3A_113 : i32
      %add3A_115 = arith.constant 0 : i32
      %add3A_116 = arith.addi %mul3A_114, %add3A_115 : i32
      %dma_wait3A_117 = arith.constant 0 : i32
      %dma_wait3A_118 = tpu.memref_slice %arg6[%add3A_116, %dma_wait3A_117] : memref<80x128xi32, #tpu.memory_space<vmem>> -> memref<1x128xi32, #tpu.memory_space<vmem>>
      %dma_wait3A_119 = tpu.memref_squeeze %dma_wait3A_118 : memref<1x128xi32, #tpu.memory_space<vmem>> -> memref<128xi32, #tpu.memory_space<vmem>>
      %dma_wait3A_120 = arith.constant 0 : i32
      %dma_wait3A_121 = arith.constant 0 : i32
      %dma_wait3A_122 = tpu.memref_slice %arg2[%dma_wait3A_120, %dma_wait3A_121] : memref<10112x32xf32, #tpu.memory_space<hbm>> -> memref<10112x32xf32, #tpu.memory_space<hbm>>
      tpu.wait_indirect_dma semaphore(%arg14 : memref<!tpu.dma_semaphore, #tpu.memory_space<semaphore_mem>>) src(%dma_wait3A_122 : memref<10112x32xf32, #tpu.memory_space<hbm>>) dst(%arg8 : memref<128x32xf32, #tpu.memory_space<vmem>>)
      "tpu.region"() ({
        %run_scoped3A_186 = tpu.sem_alloc : memref<!tpu.dma_semaphore, #tpu.memory_space<semaphore_mem>>
        %dma_start3A_187 = arith.constant 0 : i32
        %dma_start3A_188 = tpu.memref_slice %arg7[%add3A_116, %dma_start3A_187] : memref<80x128xi32, #tpu.memory_space<vmem>> -> memref<1x128xi32, #tpu.memory_space<vmem>>
        %dma_start3A_189 = tpu.memref_squeeze %dma_start3A_188 : memref<1x128xi32, #tpu.memory_space<vmem>> -> memref<128xi32, #tpu.memory_space<vmem>>
        %dma_start3A_190 = arith.constant 0 : i32
        %dma_start3A_191 = arith.constant 0 : i32
        %dma_start3A_192 = tpu.memref_slice %arg13[%dma_start3A_190, %dma_start3A_191] : memref<10112x32xf32, #tpu.memory_space<vmem_shared>> -> memref<10112x32xf32, #tpu.memory_space<vmem_shared>>
        tpu.enqueue_indirect_dma source(%arg8 : memref<128x32xf32, #tpu.memory_space<vmem>>) target(%dma_start3A_192 : memref<10112x32xf32, #tpu.memory_space<vmem_shared>>) offsets(%dma_start3A_189 : memref<128xi32, #tpu.memory_space<vmem>>) semaphore(%run_scoped3A_186 : memref<!tpu.dma_semaphore, #tpu.memory_space<semaphore_mem>>) {add = true}
        %dma_wait3A_193 = arith.constant 0 : i32
        %dma_wait3A_194 = tpu.memref_slice %arg7[%add3A_116, %dma_wait3A_193] : memref<80x128xi32, #tpu.memory_space<vmem>> -> memref<1x128xi32, #tpu.memory_space<vmem>>
        %dma_wait3A_195 = tpu.memref_squeeze %dma_wait3A_194 : memref<1x128xi32, #tpu.memory_space<vmem>> -> memref<128xi32, #tpu.memory_space<vmem>>
        %dma_wait3A_196 = arith.constant 0 : i32
        %dma_wait3A_197 = arith.constant 0 : i32
        %dma_wait3A_198 = tpu.memref_slice %arg13[%dma_wait3A_196, %dma_wait3A_197] : memref<10112x32xf32, #tpu.memory_space<vmem_shared>> -> memref<10112x32xf32, #tpu.memory_space<vmem_shared>>
        tpu.wait_indirect_dma semaphore(%run_scoped3A_186 : memref<!tpu.dma_semaphore, #tpu.memory_space<semaphore_mem>>) src(%arg8 : memref<128x32xf32, #tpu.memory_space<vmem>>) dst(%dma_wait3A_198 : memref<10112x32xf32, #tpu.memory_space<vmem_shared>>)
        tpu.yield
      }) : () -> ()
      %add3A_123 = arith.constant 4 : i32
      %add3A_124 = arith.addi %add3A_116, %add3A_123 : i32
      %dma_start3A_125 = arith.constant 0 : i32
      %dma_start3A_126 = tpu.memref_slice %arg6[%add3A_124, %dma_start3A_125] : memref<80x128xi32, #tpu.memory_space<vmem>> -> memref<1x128xi32, #tpu.memory_space<vmem>>
      %dma_start3A_127 = tpu.memref_squeeze %dma_start3A_126 : memref<1x128xi32, #tpu.memory_space<vmem>> -> memref<128xi32, #tpu.memory_space<vmem>>
      %dma_start3A_128 = arith.constant 0 : i32
      %dma_start3A_129 = arith.constant 0 : i32
      %dma_start3A_130 = tpu.memref_slice %arg2[%dma_start3A_128, %dma_start3A_129] : memref<10112x32xf32, #tpu.memory_space<hbm>> -> memref<10112x32xf32, #tpu.memory_space<hbm>>
      tpu.enqueue_indirect_dma source(%dma_start3A_130 : memref<10112x32xf32, #tpu.memory_space<hbm>>) target(%arg8 : memref<128x32xf32, #tpu.memory_space<vmem>>) offsets(%dma_start3A_127 : memref<128xi32, #tpu.memory_space<vmem>>) semaphore(%arg14 : memref<!tpu.dma_semaphore, #tpu.memory_space<semaphore_mem>>)
      %mul3A_131 = arith.constant 4 : i32
      %mul3A_132 = arith.muli %scan3A_111, %mul3A_131 : i32
      %add3A_133 = arith.constant 1 : i32
      %add3A_134 = arith.addi %mul3A_132, %add3A_133 : i32
      %dma_wait3A_135 = arith.constant 0 : i32
      %dma_wait3A_136 = tpu.memref_slice %arg6[%add3A_134, %dma_wait3A_135] : memref<80x128xi32, #tpu.memory_space<vmem>> -> memref<1x128xi32, #tpu.memory_space<vmem>>
      %dma_wait3A_137 = tpu.memref_squeeze %dma_wait3A_136 : memref<1x128xi32, #tpu.memory_space<vmem>> -> memref<128xi32, #tpu.memory_space<vmem>>
      %dma_wait3A_138 = arith.constant 0 : i32
      %dma_wait3A_139 = arith.constant 0 : i32
      %dma_wait3A_140 = tpu.memref_slice %arg2[%dma_wait3A_138, %dma_wait3A_139] : memref<10112x32xf32, #tpu.memory_space<hbm>> -> memref<10112x32xf32, #tpu.memory_space<hbm>>
      tpu.wait_indirect_dma semaphore(%arg15 : memref<!tpu.dma_semaphore, #tpu.memory_space<semaphore_mem>>) src(%dma_wait3A_140 : memref<10112x32xf32, #tpu.memory_space<hbm>>) dst(%arg9 : memref<128x32xf32, #tpu.memory_space<vmem>>)
      "tpu.region"() ({
        %run_scoped3A_186 = tpu.sem_alloc : memref<!tpu.dma_semaphore, #tpu.memory_space<semaphore_mem>>
        %dma_start3A_187 = arith.constant 0 : i32
        %dma_start3A_188 = tpu.memref_slice %arg7[%add3A_134, %dma_start3A_187] : memref<80x128xi32, #tpu.memory_space<vmem>> -> memref<1x128xi32, #tpu.memory_space<vmem>>
        %dma_start3A_189 = tpu.memref_squeeze %dma_start3A_188 : memref<1x128xi32, #tpu.memory_space<vmem>> -> memref<128xi32, #tpu.memory_space<vmem>>
        %dma_start3A_190 = arith.constant 0 : i32
        %dma_start3A_191 = arith.constant 0 : i32
        %dma_start3A_192 = tpu.memref_slice %arg13[%dma_start3A_190, %dma_start3A_191] : memref<10112x32xf32, #tpu.memory_space<vmem_shared>> -> memref<10112x32xf32, #tpu.memory_space<vmem_shared>>
        tpu.enqueue_indirect_dma source(%arg9 : memref<128x32xf32, #tpu.memory_space<vmem>>) target(%dma_start3A_192 : memref<10112x32xf32, #tpu.memory_space<vmem_shared>>) offsets(%dma_start3A_189 : memref<128xi32, #tpu.memory_space<vmem>>) semaphore(%run_scoped3A_186 : memref<!tpu.dma_semaphore, #tpu.memory_space<semaphore_mem>>) {add = true}
        %dma_wait3A_193 = arith.constant 0 : i32
        %dma_wait3A_194 = tpu.memref_slice %arg7[%add3A_134, %dma_wait3A_193] : memref<80x128xi32, #tpu.memory_space<vmem>> -> memref<1x128xi32, #tpu.memory_space<vmem>>
        %dma_wait3A_195 = tpu.memref_squeeze %dma_wait3A_194 : memref<1x128xi32, #tpu.memory_space<vmem>> -> memref<128xi32, #tpu.memory_space<vmem>>
        %dma_wait3A_196 = arith.constant 0 : i32
        %dma_wait3A_197 = arith.constant 0 : i32
        %dma_wait3A_198 = tpu.memref_slice %arg13[%dma_wait3A_196, %dma_wait3A_197] : memref<10112x32xf32, #tpu.memory_space<vmem_shared>> -> memref<10112x32xf32, #tpu.memory_space<vmem_shared>>
        tpu.wait_indirect_dma semaphore(%run_scoped3A_186 : memref<!tpu.dma_semaphore, #tpu.memory_space<semaphore_mem>>) src(%arg9 : memref<128x32xf32, #tpu.memory_space<vmem>>) dst(%dma_wait3A_198 : memref<10112x32xf32, #tpu.memory_space<vmem_shared>>)
        tpu.yield
      }) : () -> ()
      %add3A_141 = arith.constant 4 : i32
      %add3A_142 = arith.addi %add3A_134, %add3A_141 : i32
      %dma_start3A_143 = arith.constant 0 : i32
      %dma_start3A_144 = tpu.memref_slice %arg6[%add3A_142, %dma_start3A_143] : memref<80x128xi32, #tpu.memory_space<vmem>> -> memref<1x128xi32, #tpu.memory_space<vmem>>
      %dma_start3A_145 = tpu.memref_squeeze %dma_start3A_144 : memref<1x128xi32, #tpu.memory_space<vmem>> -> memref<128xi32, #tpu.memory_space<vmem>>
      %dma_start3A_146 = arith.constant 0 : i32
      %dma_start3A_147 = arith.constant 0 : i32
      %dma_start3A_148 = tpu.memref_slice %arg2[%dma_start3A_146, %dma_start3A_147] : memref<10112x32xf32, #tpu.memory_space<hbm>> -> memref<10112x32xf32, #tpu.memory_space<hbm>>
      tpu.enqueue_indirect_dma source(%dma_start3A_148 : memref<10112x32xf32, #tpu.memory_space<hbm>>) target(%arg9 : memref<128x32xf32, #tpu.memory_space<vmem>>) offsets(%dma_start3A_145 : memref<128xi32, #tpu.memory_space<vmem>>) semaphore(%arg15 : memref<!tpu.dma_semaphore, #tpu.memory_space<semaphore_mem>>)
      %mul3A_149 = arith.constant 4 : i32
      %mul3A_150 = arith.muli %scan3A_111, %mul3A_149 : i32
      %add3A_151 = arith.constant 2 : i32
      %add3A_152 = arith.addi %mul3A_150, %add3A_151 : i32
      %dma_wait3A_153 = arith.constant 0 : i32
      %dma_wait3A_154 = tpu.memref_slice %arg6[%add3A_152, %dma_wait3A_153] : memref<80x128xi32, #tpu.memory_space<vmem>> -> memref<1x128xi32, #tpu.memory_space<vmem>>
      %dma_wait3A_155 = tpu.memref_squeeze %dma_wait3A_154 : memref<1x128xi32, #tpu.memory_space<vmem>> -> memref<128xi32, #tpu.memory_space<vmem>>
      %dma_wait3A_156 = arith.constant 0 : i32
      %dma_wait3A_157 = arith.constant 0 : i32
      %dma_wait3A_158 = tpu.memref_slice %arg2[%dma_wait3A_156, %dma_wait3A_157] : memref<10112x32xf32, #tpu.memory_space<hbm>> -> memref<10112x32xf32, #tpu.memory_space<hbm>>
      tpu.wait_indirect_dma semaphore(%arg16 : memref<!tpu.dma_semaphore, #tpu.memory_space<semaphore_mem>>) src(%dma_wait3A_158 : memref<10112x32xf32, #tpu.memory_space<hbm>>) dst(%arg10 : memref<128x32xf32, #tpu.memory_space<vmem>>)
      "tpu.region"() ({
        %run_scoped3A_186 = tpu.sem_alloc : memref<!tpu.dma_semaphore, #tpu.memory_space<semaphore_mem>>
        %dma_start3A_187 = arith.constant 0 : i32
        %dma_start3A_188 = tpu.memref_slice %arg7[%add3A_152, %dma_start3A_187] : memref<80x128xi32, #tpu.memory_space<vmem>> -> memref<1x128xi32, #tpu.memory_space<vmem>>
        %dma_start3A_189 = tpu.memref_squeeze %dma_start3A_188 : memref<1x128xi32, #tpu.memory_space<vmem>> -> memref<128xi32, #tpu.memory_space<vmem>>
        %dma_start3A_190 = arith.constant 0 : i32
        %dma_start3A_191 = arith.constant 0 : i32
        %dma_start3A_192 = tpu.memref_slice %arg13[%dma_start3A_190, %dma_start3A_191] : memref<10112x32xf32, #tpu.memory_space<vmem_shared>> -> memref<10112x32xf32, #tpu.memory_space<vmem_shared>>
        tpu.enqueue_indirect_dma source(%arg10 : memref<128x32xf32, #tpu.memory_space<vmem>>) target(%dma_start3A_192 : memref<10112x32xf32, #tpu.memory_space<vmem_shared>>) offsets(%dma_start3A_189 : memref<128xi32, #tpu.memory_space<vmem>>) semaphore(%run_scoped3A_186 : memref<!tpu.dma_semaphore, #tpu.memory_space<semaphore_mem>>) {add = true}
        %dma_wait3A_193 = arith.constant 0 : i32
        %dma_wait3A_194 = tpu.memref_slice %arg7[%add3A_152, %dma_wait3A_193] : memref<80x128xi32, #tpu.memory_space<vmem>> -> memref<1x128xi32, #tpu.memory_space<vmem>>
        %dma_wait3A_195 = tpu.memref_squeeze %dma_wait3A_194 : memref<1x128xi32, #tpu.memory_space<vmem>> -> memref<128xi32, #tpu.memory_space<vmem>>
        %dma_wait3A_196 = arith.constant 0 : i32
        %dma_wait3A_197 = arith.constant 0 : i32
        %dma_wait3A_198 = tpu.memref_slice %arg13[%dma_wait3A_196, %dma_wait3A_197] : memref<10112x32xf32, #tpu.memory_space<vmem_shared>> -> memref<10112x32xf32, #tpu.memory_space<vmem_shared>>
        tpu.wait_indirect_dma semaphore(%run_scoped3A_186 : memref<!tpu.dma_semaphore, #tpu.memory_space<semaphore_mem>>) src(%arg10 : memref<128x32xf32, #tpu.memory_space<vmem>>) dst(%dma_wait3A_198 : memref<10112x32xf32, #tpu.memory_space<vmem_shared>>)
        tpu.yield
      }) : () -> ()
      %add3A_159 = arith.constant 4 : i32
      %add3A_160 = arith.addi %add3A_152, %add3A_159 : i32
      %dma_start3A_161 = arith.constant 0 : i32
      %dma_start3A_162 = tpu.memref_slice %arg6[%add3A_160, %dma_start3A_161] : memref<80x128xi32, #tpu.memory_space<vmem>> -> memref<1x128xi32, #tpu.memory_space<vmem>>
      %dma_start3A_163 = tpu.memref_squeeze %dma_start3A_162 : memref<1x128xi32, #tpu.memory_space<vmem>> -> memref<128xi32, #tpu.memory_space<vmem>>
      %dma_start3A_164 = arith.constant 0 : i32
      %dma_start3A_165 = arith.constant 0 : i32
      %dma_start3A_166 = tpu.memref_slice %arg2[%dma_start3A_164, %dma_start3A_165] : memref<10112x32xf32, #tpu.memory_space<hbm>> -> memref<10112x32xf32, #tpu.memory_space<hbm>>
      tpu.enqueue_indirect_dma source(%dma_start3A_166 : memref<10112x32xf32, #tpu.memory_space<hbm>>) target(%arg10 : memref<128x32xf32, #tpu.memory_space<vmem>>) offsets(%dma_start3A_163 : memref<128xi32, #tpu.memory_space<vmem>>) semaphore(%arg16 : memref<!tpu.dma_semaphore, #tpu.memory_space<semaphore_mem>>)
      %mul3A_167 = arith.constant 4 : i32
      %mul3A_168 = arith.muli %scan3A_111, %mul3A_167 : i32
      %add3A_169 = arith.constant 3 : i32
      %add3A_170 = arith.addi %mul3A_168, %add3A_169 : i32
      %dma_wait3A_171 = arith.constant 0 : i32
      %dma_wait3A_172 = tpu.memref_slice %arg6[%add3A_170, %dma_wait3A_171] : memref<80x128xi32, #tpu.memory_space<vmem>> -> memref<1x128xi32, #tpu.memory_space<vmem>>
      %dma_wait3A_173 = tpu.memref_squeeze %dma_wait3A_172 : memref<1x128xi32, #tpu.memory_space<vmem>> -> memref<128xi32, #tpu.memory_space<vmem>>
      %dma_wait3A_174 = arith.constant 0 : i32
      %dma_wait3A_175 = arith.constant 0 : i32
      %dma_wait3A_176 = tpu.memref_slice %arg2[%dma_wait3A_174, %dma_wait3A_175] : memref<10112x32xf32, #tpu.memory_space<hbm>> -> memref<10112x32xf32, #tpu.memory_space<hbm>>
      tpu.wait_indirect_dma semaphore(%arg17 : memref<!tpu.dma_semaphore, #tpu.memory_space<semaphore_mem>>) src(%dma_wait3A_176 : memref<10112x32xf32, #tpu.memory_space<hbm>>) dst(%arg11 : memref<128x32xf32, #tpu.memory_space<vmem>>)
      "tpu.region"() ({
        %run_scoped3A_186 = tpu.sem_alloc : memref<!tpu.dma_semaphore, #tpu.memory_space<semaphore_mem>>
        %dma_start3A_187 = arith.constant 0 : i32
        %dma_start3A_188 = tpu.memref_slice %arg7[%add3A_170, %dma_start3A_187] : memref<80x128xi32, #tpu.memory_space<vmem>> -> memref<1x128xi32, #tpu.memory_space<vmem>>
        %dma_start3A_189 = tpu.memref_squeeze %dma_start3A_188 : memref<1x128xi32, #tpu.memory_space<vmem>> -> memref<128xi32, #tpu.memory_space<vmem>>
        %dma_start3A_190 = arith.constant 0 : i32
        %dma_start3A_191 = arith.constant 0 : i32
        %dma_start3A_192 = tpu.memref_slice %arg13[%dma_start3A_190, %dma_start3A_191] : memref<10112x32xf32, #tpu.memory_space<vmem_shared>> -> memref<10112x32xf32, #tpu.memory_space<vmem_shared>>
        tpu.enqueue_indirect_dma source(%arg11 : memref<128x32xf32, #tpu.memory_space<vmem>>) target(%dma_start3A_192 : memref<10112x32xf32, #tpu.memory_space<vmem_shared>>) offsets(%dma_start3A_189 : memref<128xi32, #tpu.memory_space<vmem>>) semaphore(%run_scoped3A_186 : memref<!tpu.dma_semaphore, #tpu.memory_space<semaphore_mem>>) {add = true}
        %dma_wait3A_193 = arith.constant 0 : i32
        %dma_wait3A_194 = tpu.memref_slice %arg7[%add3A_170, %dma_wait3A_193] : memref<80x128xi32, #tpu.memory_space<vmem>> -> memref<1x128xi32, #tpu.memory_space<vmem>>
        %dma_wait3A_195 = tpu.memref_squeeze %dma_wait3A_194 : memref<1x128xi32, #tpu.memory_space<vmem>> -> memref<128xi32, #tpu.memory_space<vmem>>
        %dma_wait3A_196 = arith.constant 0 : i32
        %dma_wait3A_197 = arith.constant 0 : i32
        %dma_wait3A_198 = tpu.memref_slice %arg13[%dma_wait3A_196, %dma_wait3A_197] : memref<10112x32xf32, #tpu.memory_space<vmem_shared>> -> memref<10112x32xf32, #tpu.memory_space<vmem_shared>>
        tpu.wait_indirect_dma semaphore(%run_scoped3A_186 : memref<!tpu.dma_semaphore, #tpu.memory_space<semaphore_mem>>) src(%arg11 : memref<128x32xf32, #tpu.memory_space<vmem>>) dst(%dma_wait3A_198 : memref<10112x32xf32, #tpu.memory_space<vmem_shared>>)
        tpu.yield
      }) : () -> ()
      %add3A_177 = arith.constant 4 : i32
      %add3A_178 = arith.addi %add3A_170, %add3A_177 : i32
      %dma_start3A_179 = arith.constant 0 : i32
      %dma_start3A_180 = tpu.memref_slice %arg6[%add3A_178, %dma_start3A_179] : memref<80x128xi32, #tpu.memory_space<vmem>> -> memref<1x128xi32, #tpu.memory_space<vmem>>
      %dma_start3A_181 = tpu.memref_squeeze %dma_start3A_180 : memref<1x128xi32, #tpu.memory_space<vmem>> -> memref<128xi32, #tpu.memory_space<vmem>>
      %dma_start3A_182 = arith.constant 0 : i32
      %dma_start3A_183 = arith.constant 0 : i32
      %dma_start3A_184 = tpu.memref_slice %arg2[%dma_start3A_182, %dma_start3A_183] : memref<10112x32xf32, #tpu.memory_space<hbm>> -> memref<10112x32xf32, #tpu.memory_space<hbm>>
      tpu.enqueue_indirect_dma source(%dma_start3A_184 : memref<10112x32xf32, #tpu.memory_space<hbm>>) target(%arg11 : memref<128x32xf32, #tpu.memory_space<vmem>>) offsets(%dma_start3A_181 : memref<128xi32, #tpu.memory_space<vmem>>) semaphore(%arg17 : memref<!tpu.dma_semaphore, #tpu.memory_space<semaphore_mem>>)
      %scan3A_185 = arith.constant 0 : i32
      scf.yield %scan3A_185 : i32
    }
    %scan3A_74 = arith.constant 19 : i32
    %dma_wait3A_75 = arith.constant 76 : i32
    %dma_wait3A_76 = arith.constant 0 : i32
    %dma_wait3A_77 = tpu.memref_slice %arg6[%dma_wait3A_75, %dma_wait3A_76] : memref<80x128xi32, #tpu.memory_space<vmem>> -> memref<1x128xi32, #tpu.memory_space<vmem>>
    %dma_wait3A_78 = tpu.memref_squeeze %dma_wait3A_77 : memref<1x128xi32, #tpu.memory_space<vmem>> -> memref<128xi32, #tpu.memory_space<vmem>>
    %dma_wait3A_79 = arith.constant 0 : i32
    %dma_wait3A_80 = arith.constant 0 : i32
    %dma_wait3A_81 = tpu.memref_slice %arg2[%dma_wait3A_79, %dma_wait3A_80] : memref<10112x32xf32, #tpu.memory_space<hbm>> -> memref<10112x32xf32, #tpu.memory_space<hbm>>
    tpu.wait_indirect_dma semaphore(%arg14 : memref<!tpu.dma_semaphore, #tpu.memory_space<semaphore_mem>>) src(%dma_wait3A_81 : memref<10112x32xf32, #tpu.memory_space<hbm>>) dst(%arg8 : memref<128x32xf32, #tpu.memory_space<vmem>>)
    %run_scoped3A = arith.constant 76 : i32
    "tpu.region"() ({
      %run_scoped3A_111 = tpu.sem_alloc : memref<!tpu.dma_semaphore, #tpu.memory_space<semaphore_mem>>
      %dma_start3A_112 = arith.constant 0 : i32
      %dma_start3A_113 = tpu.memref_slice %arg7[%run_scoped3A, %dma_start3A_112] : memref<80x128xi32, #tpu.memory_space<vmem>> -> memref<1x128xi32, #tpu.memory_space<vmem>>
      %dma_start3A_114 = tpu.memref_squeeze %dma_start3A_113 : memref<1x128xi32, #tpu.memory_space<vmem>> -> memref<128xi32, #tpu.memory_space<vmem>>
      %dma_start3A_115 = arith.constant 0 : i32
      %dma_start3A_116 = arith.constant 0 : i32
      %dma_start3A_117 = tpu.memref_slice %arg13[%dma_start3A_115, %dma_start3A_116] : memref<10112x32xf32, #tpu.memory_space<vmem_shared>> -> memref<10112x32xf32, #tpu.memory_space<vmem_shared>>
      tpu.enqueue_indirect_dma source(%arg8 : memref<128x32xf32, #tpu.memory_space<vmem>>) target(%dma_start3A_117 : memref<10112x32xf32, #tpu.memory_space<vmem_shared>>) offsets(%dma_start3A_114 : memref<128xi32, #tpu.memory_space<vmem>>) semaphore(%run_scoped3A_111 : memref<!tpu.dma_semaphore, #tpu.memory_space<semaphore_mem>>) {add = true}
      %dma_wait3A_118 = arith.constant 0 : i32
      %dma_wait3A_119 = tpu.memref_slice %arg7[%run_scoped3A, %dma_wait3A_118] : memref<80x128xi32, #tpu.memory_space<vmem>> -> memref<1x128xi32, #tpu.memory_space<vmem>>
      %dma_wait3A_120 = tpu.memref_squeeze %dma_wait3A_119 : memref<1x128xi32, #tpu.memory_space<vmem>> -> memref<128xi32, #tpu.memory_space<vmem>>
      %dma_wait3A_121 = arith.constant 0 : i32
      %dma_wait3A_122 = arith.constant 0 : i32
      %dma_wait3A_123 = tpu.memref_slice %arg13[%dma_wait3A_121, %dma_wait3A_122] : memref<10112x32xf32, #tpu.memory_space<vmem_shared>> -> memref<10112x32xf32, #tpu.memory_space<vmem_shared>>
      tpu.wait_indirect_dma semaphore(%run_scoped3A_111 : memref<!tpu.dma_semaphore, #tpu.memory_space<semaphore_mem>>) src(%arg8 : memref<128x32xf32, #tpu.memory_space<vmem>>) dst(%dma_wait3A_123 : memref<10112x32xf32, #tpu.memory_space<vmem_shared>>)
      tpu.yield
    }) : () -> ()
    %dma_wait3A_82 = arith.constant 77 : i32
    %dma_wait3A_83 = arith.constant 0 : i32
    %dma_wait3A_84 = tpu.memref_slice %arg6[%dma_wait3A_82, %dma_wait3A_83] : memref<80x128xi32, #tpu.memory_space<vmem>> -> memref<1x128xi32, #tpu.memory_space<vmem>>
    %dma_wait3A_85 = tpu.memref_squeeze %dma_wait3A_84 : memref<1x128xi32, #tpu.memory_space<vmem>> -> memref<128xi32, #tpu.memory_space<vmem>>
    %dma_wait3A_86 = arith.constant 0 : i32
    %dma_wait3A_87 = arith.constant 0 : i32
    %dma_wait3A_88 = tpu.memref_slice %arg2[%dma_wait3A_86, %dma_wait3A_87] : memref<10112x32xf32, #tpu.memory_space<hbm>> -> memref<10112x32xf32, #tpu.memory_space<hbm>>
    tpu.wait_indirect_dma semaphore(%arg15 : memref<!tpu.dma_semaphore, #tpu.memory_space<semaphore_mem>>) src(%dma_wait3A_88 : memref<10112x32xf32, #tpu.memory_space<hbm>>) dst(%arg9 : memref<128x32xf32, #tpu.memory_space<vmem>>)
    %run_scoped3A_89 = arith.constant 77 : i32
    "tpu.region"() ({
      %run_scoped3A_111 = tpu.sem_alloc : memref<!tpu.dma_semaphore, #tpu.memory_space<semaphore_mem>>
      %dma_start3A_112 = arith.constant 0 : i32
      %dma_start3A_113 = tpu.memref_slice %arg7[%run_scoped3A_89, %dma_start3A_112] : memref<80x128xi32, #tpu.memory_space<vmem>> -> memref<1x128xi32, #tpu.memory_space<vmem>>
      %dma_start3A_114 = tpu.memref_squeeze %dma_start3A_113 : memref<1x128xi32, #tpu.memory_space<vmem>> -> memref<128xi32, #tpu.memory_space<vmem>>
      %dma_start3A_115 = arith.constant 0 : i32
      %dma_start3A_116 = arith.constant 0 : i32
      %dma_start3A_117 = tpu.memref_slice %arg13[%dma_start3A_115, %dma_start3A_116] : memref<10112x32xf32, #tpu.memory_space<vmem_shared>> -> memref<10112x32xf32, #tpu.memory_space<vmem_shared>>
      tpu.enqueue_indirect_dma source(%arg9 : memref<128x32xf32, #tpu.memory_space<vmem>>) target(%dma_start3A_117 : memref<10112x32xf32, #tpu.memory_space<vmem_shared>>) offsets(%dma_start3A_114 : memref<128xi32, #tpu.memory_space<vmem>>) semaphore(%run_scoped3A_111 : memref<!tpu.dma_semaphore, #tpu.memory_space<semaphore_mem>>) {add = true}
      %dma_wait3A_118 = arith.constant 0 : i32
      %dma_wait3A_119 = tpu.memref_slice %arg7[%run_scoped3A_89, %dma_wait3A_118] : memref<80x128xi32, #tpu.memory_space<vmem>> -> memref<1x128xi32, #tpu.memory_space<vmem>>
      %dma_wait3A_120 = tpu.memref_squeeze %dma_wait3A_119 : memref<1x128xi32, #tpu.memory_space<vmem>> -> memref<128xi32, #tpu.memory_space<vmem>>
      %dma_wait3A_121 = arith.constant 0 : i32
      %dma_wait3A_122 = arith.constant 0 : i32
      %dma_wait3A_123 = tpu.memref_slice %arg13[%dma_wait3A_121, %dma_wait3A_122] : memref<10112x32xf32, #tpu.memory_space<vmem_shared>> -> memref<10112x32xf32, #tpu.memory_space<vmem_shared>>
      tpu.wait_indirect_dma semaphore(%run_scoped3A_111 : memref<!tpu.dma_semaphore, #tpu.memory_space<semaphore_mem>>) src(%arg9 : memref<128x32xf32, #tpu.memory_space<vmem>>) dst(%dma_wait3A_123 : memref<10112x32xf32, #tpu.memory_space<vmem_shared>>)
      tpu.yield
    }) : () -> ()
    %dma_wait3A_90 = arith.constant 78 : i32
    %dma_wait3A_91 = arith.constant 0 : i32
    %dma_wait3A_92 = tpu.memref_slice %arg6[%dma_wait3A_90, %dma_wait3A_91] : memref<80x128xi32, #tpu.memory_space<vmem>> -> memref<1x128xi32, #tpu.memory_space<vmem>>
    %dma_wait3A_93 = tpu.memref_squeeze %dma_wait3A_92 : memref<1x128xi32, #tpu.memory_space<vmem>> -> memref<128xi32, #tpu.memory_space<vmem>>
    %dma_wait3A_94 = arith.constant 0 : i32
    %dma_wait3A_95 = arith.constant 0 : i32
    %dma_wait3A_96 = tpu.memref_slice %arg2[%dma_wait3A_94, %dma_wait3A_95] : memref<10112x32xf32, #tpu.memory_space<hbm>> -> memref<10112x32xf32, #tpu.memory_space<hbm>>
    tpu.wait_indirect_dma semaphore(%arg16 : memref<!tpu.dma_semaphore, #tpu.memory_space<semaphore_mem>>) src(%dma_wait3A_96 : memref<10112x32xf32, #tpu.memory_space<hbm>>) dst(%arg10 : memref<128x32xf32, #tpu.memory_space<vmem>>)
    %run_scoped3A_97 = arith.constant 78 : i32
    "tpu.region"() ({
      %run_scoped3A_111 = tpu.sem_alloc : memref<!tpu.dma_semaphore, #tpu.memory_space<semaphore_mem>>
      %dma_start3A_112 = arith.constant 0 : i32
      %dma_start3A_113 = tpu.memref_slice %arg7[%run_scoped3A_97, %dma_start3A_112] : memref<80x128xi32, #tpu.memory_space<vmem>> -> memref<1x128xi32, #tpu.memory_space<vmem>>
      %dma_start3A_114 = tpu.memref_squeeze %dma_start3A_113 : memref<1x128xi32, #tpu.memory_space<vmem>> -> memref<128xi32, #tpu.memory_space<vmem>>
      %dma_start3A_115 = arith.constant 0 : i32
      %dma_start3A_116 = arith.constant 0 : i32
      %dma_start3A_117 = tpu.memref_slice %arg13[%dma_start3A_115, %dma_start3A_116] : memref<10112x32xf32, #tpu.memory_space<vmem_shared>> -> memref<10112x32xf32, #tpu.memory_space<vmem_shared>>
      tpu.enqueue_indirect_dma source(%arg10 : memref<128x32xf32, #tpu.memory_space<vmem>>) target(%dma_start3A_117 : memref<10112x32xf32, #tpu.memory_space<vmem_shared>>) offsets(%dma_start3A_114 : memref<128xi32, #tpu.memory_space<vmem>>) semaphore(%run_scoped3A_111 : memref<!tpu.dma_semaphore, #tpu.memory_space<semaphore_mem>>) {add = true}
      %dma_wait3A_118 = arith.constant 0 : i32
      %dma_wait3A_119 = tpu.memref_slice %arg7[%run_scoped3A_97, %dma_wait3A_118] : memref<80x128xi32, #tpu.memory_space<vmem>> -> memref<1x128xi32, #tpu.memory_space<vmem>>
      %dma_wait3A_120 = tpu.memref_squeeze %dma_wait3A_119 : memref<1x128xi32, #tpu.memory_space<vmem>> -> memref<128xi32, #tpu.memory_space<vmem>>
      %dma_wait3A_121 = arith.constant 0 : i32
      %dma_wait3A_122 = arith.constant 0 : i32
      %dma_wait3A_123 = tpu.memref_slice %arg13[%dma_wait3A_121, %dma_wait3A_122] : memref<10112x32xf32, #tpu.memory_space<vmem_shared>> -> memref<10112x32xf32, #tpu.memory_space<vmem_shared>>
      tpu.wait_indirect_dma semaphore(%run_scoped3A_111 : memref<!tpu.dma_semaphore, #tpu.memory_space<semaphore_mem>>) src(%arg10 : memref<128x32xf32, #tpu.memory_space<vmem>>) dst(%dma_wait3A_123 : memref<10112x32xf32, #tpu.memory_space<vmem_shared>>)
      tpu.yield
    }) : () -> ()
    %dma_wait3A_98 = arith.constant 79 : i32
    %dma_wait3A_99 = arith.constant 0 : i32
    %dma_wait3A_100 = tpu.memref_slice %arg6[%dma_wait3A_98, %dma_wait3A_99] : memref<80x128xi32, #tpu.memory_space<vmem>> -> memref<1x128xi32, #tpu.memory_space<vmem>>
    %dma_wait3A_101 = tpu.memref_squeeze %dma_wait3A_100 : memref<1x128xi32, #tpu.memory_space<vmem>> -> memref<128xi32, #tpu.memory_space<vmem>>
    %dma_wait3A_102 = arith.constant 0 : i32
    %dma_wait3A_103 = arith.constant 0 : i32
    %dma_wait3A_104 = tpu.memref_slice %arg2[%dma_wait3A_102, %dma_wait3A_103] : memref<10112x32xf32, #tpu.memory_space<hbm>> -> memref<10112x32xf32, #tpu.memory_space<hbm>>
    tpu.wait_indirect_dma semaphore(%arg17 : memref<!tpu.dma_semaphore, #tpu.memory_space<semaphore_mem>>) src(%dma_wait3A_104 : memref<10112x32xf32, #tpu.memory_space<hbm>>) dst(%arg11 : memref<128x32xf32, #tpu.memory_space<vmem>>)
    %run_scoped3A_105 = arith.constant 79 : i32
    "tpu.region"() ({
      %run_scoped3A_111 = tpu.sem_alloc : memref<!tpu.dma_semaphore, #tpu.memory_space<semaphore_mem>>
      %dma_start3A_112 = arith.constant 0 : i32
      %dma_start3A_113 = tpu.memref_slice %arg7[%run_scoped3A_105, %dma_start3A_112] : memref<80x128xi32, #tpu.memory_space<vmem>> -> memref<1x128xi32, #tpu.memory_space<vmem>>
      %dma_start3A_114 = tpu.memref_squeeze %dma_start3A_113 : memref<1x128xi32, #tpu.memory_space<vmem>> -> memref<128xi32, #tpu.memory_space<vmem>>
      %dma_start3A_115 = arith.constant 0 : i32
      %dma_start3A_116 = arith.constant 0 : i32
      %dma_start3A_117 = tpu.memref_slice %arg13[%dma_start3A_115, %dma_start3A_116] : memref<10112x32xf32, #tpu.memory_space<vmem_shared>> -> memref<10112x32xf32, #tpu.memory_space<vmem_shared>>
      tpu.enqueue_indirect_dma source(%arg11 : memref<128x32xf32, #tpu.memory_space<vmem>>) target(%dma_start3A_117 : memref<10112x32xf32, #tpu.memory_space<vmem_shared>>) offsets(%dma_start3A_114 : memref<128xi32, #tpu.memory_space<vmem>>) semaphore(%run_scoped3A_111 : memref<!tpu.dma_semaphore, #tpu.memory_space<semaphore_mem>>) {add = true}
      %dma_wait3A_118 = arith.constant 0 : i32
      %dma_wait3A_119 = tpu.memref_slice %arg7[%run_scoped3A_105, %dma_wait3A_118] : memref<80x128xi32, #tpu.memory_space<vmem>> -> memref<1x128xi32, #tpu.memory_space<vmem>>
      %dma_wait3A_120 = tpu.memref_squeeze %dma_wait3A_119 : memref<1x128xi32, #tpu.memory_space<vmem>> -> memref<128xi32, #tpu.memory_space<vmem>>
      %dma_wait3A_121 = arith.constant 0 : i32
      %dma_wait3A_122 = arith.constant 0 : i32
      %dma_wait3A_123 = tpu.memref_slice %arg13[%dma_wait3A_121, %dma_wait3A_122] : memref<10112x32xf32, #tpu.memory_space<vmem_shared>> -> memref<10112x32xf32, #tpu.memory_space<vmem_shared>>
      tpu.wait_indirect_dma semaphore(%run_scoped3A_111 : memref<!tpu.dma_semaphore, #tpu.memory_space<semaphore_mem>>) src(%arg11 : memref<128x32xf32, #tpu.memory_space<vmem>>) dst(%dma_wait3A_123 : memref<10112x32xf32, #tpu.memory_space<vmem_shared>>)
      tpu.yield
    }) : () -> ()
    %barrier3A_106 = arith.constant 0 : index
    tpu.barrier barrier_id(%barrier3A_106)
    %mul3A_107 = arith.constant 632 : i32
    %mul3A_108 = arith.muli %arg1, %mul3A_107 : i32
    %mul3A_109 = arith.constant 632 : i32
    %mul3A_110 = arith.muli %arg1, %mul3A_109 : i32
    "tpu.region"() ({
      %run_scoped3A_111 = tpu.sem_alloc : memref<!tpu.dma_semaphore, #tpu.memory_space<semaphore_mem>>
      %dma_start3A_112 = arith.constant 0 : i32
      %dma_start3A_113 = tpu.memref_slice %arg5[%arg0, %mul3A_110, %dma_start3A_112] : memref<2x10112x32xf32, #tpu.memory_space<hbm>> -> memref<1x632x32xf32, #tpu.memory_space<hbm>>
      %dma_start3A_114 = tpu.memref_squeeze %dma_start3A_113 : memref<1x632x32xf32, #tpu.memory_space<hbm>> -> memref<632x32xf32, #tpu.memory_space<hbm>>
      %dma_start3A_115 = arith.constant 0 : i32
      %dma_start3A_116 = tpu.memref_slice %arg13[%mul3A_108, %dma_start3A_115] : memref<10112x32xf32, #tpu.memory_space<vmem_shared>> -> memref<632x32xf32, #tpu.memory_space<vmem_shared>>
      tpu.enqueue_dma source(%dma_start3A_116 : memref<632x32xf32, #tpu.memory_space<vmem_shared>>) target(%dma_start3A_114 : memref<632x32xf32, #tpu.memory_space<hbm>>) target_semaphore(%run_scoped3A_111 : memref<!tpu.dma_semaphore, #tpu.memory_space<semaphore_mem>>)
      %dma_wait3A_117 = arith.constant 0 : i32
      %dma_wait3A_118 = tpu.memref_slice %arg5[%arg0, %mul3A_110, %dma_wait3A_117] : memref<2x10112x32xf32, #tpu.memory_space<hbm>> -> memref<1x632x32xf32, #tpu.memory_space<hbm>>
      %dma_wait3A_119 = tpu.memref_squeeze %dma_wait3A_118 : memref<1x632x32xf32, #tpu.memory_space<hbm>> -> memref<632x32xf32, #tpu.memory_space<hbm>>
      %dma_wait3A_120 = arith.constant 0 : i32
      %dma_wait3A_121 = tpu.memref_slice %arg13[%mul3A_108, %dma_wait3A_120] : memref<10112x32xf32, #tpu.memory_space<vmem_shared>> -> memref<632x32xf32, #tpu.memory_space<vmem_shared>>
      tpu.wait_dma2 semaphore(%run_scoped3A_111 : memref<!tpu.dma_semaphore, #tpu.memory_space<semaphore_mem>>) src(%dma_wait3A_121 : memref<632x32xf32, #tpu.memory_space<vmem_shared>>) dst(%dma_wait3A_119 : memref<632x32xf32, #tpu.memory_space<hbm>>)
      tpu.yield
    }) : () -> ()
    return
  }
}

module attributes {stable_mosaic.version = 14 : i64} {
  func.func @_tc1_body(%arg0: memref<32x10112xf32, #tpu.memory_space<vmem>>, %arg1: memref<10112x128xf32, #tpu.memory_space<vmem>>, %arg2: memref<128x32xf32, #tpu.memory_space<vmem>>, %arg3: memref<10112x32xf32, #tpu.memory_space<vmem>>, %arg4: memref<10112x32xf32, #tpu.memory_space<vmem>>) attributes {dimension_semantics = [], scalar_prefetch = 0 : i64, scratch_operands = 0 : i64, tpu.core_type = #tpu.core_type<tc>} {
    %broadcast_in_dim3A = arith.constant 1.000000e+00 : f32
    %broadcast_in_dim3A_0 = vector.broadcast %broadcast_in_dim3A : f32 to vector<32x32xf32>
    %get3A = arith.constant 0 : index
    %get3A_1 = arith.constant 0 : index
    %get3A_2 = vector.load %arg0[%get3A, %get3A_1] : memref<32x10112xf32, #tpu.memory_space<vmem>>, vector<32x10112xf32>
    %dot_general3A = arith.constant dense<0.000000e+00> : vector<10112x32xf32>
    %dot_general3A_3 = tpu.matmul %get3A_2, %broadcast_in_dim3A_0, %dot_general3A {dimension_numbers = #tpu.dot_dimension_numbers<[0], [0], [1], [1], [0, 1, 1, 1], [], []>, transpose_lhs_hint = false} : vector<32x10112xf32>, vector<32x32xf32>, vector<10112x32xf32> -> vector<10112x32xf32>
    %add3A = arith.constant 1.000000e+00 : f32
    %add3A_4 = vector.broadcast %add3A : f32 to vector<10112x32xf32>
    %add3A_5 = arith.addf %dot_general3A_3, %add3A_4 : vector<10112x32xf32>
    %rsqrt3A = math.rsqrt %add3A_5 : vector<10112x32xf32>
    %swap3A = arith.constant 0 : index
    %swap3A_6 = arith.constant 0 : index
    %swap3A_7 = vector.load %arg3[%swap3A, %swap3A_6] : memref<10112x32xf32, #tpu.memory_space<vmem>>, vector<10112x32xf32>
    tpu.vector_store %arg3[%swap3A, %swap3A_6], %rsqrt3A {strides = array<i32>} : memref<10112x32xf32, #tpu.memory_space<vmem>>, vector<10112x32xf32>,
    %get3A_8 = arith.constant 0 : index
    %get3A_9 = arith.constant 0 : index
    %get3A_10 = vector.load %arg1[%get3A_8, %get3A_9] : memref<10112x128xf32, #tpu.memory_space<vmem>>, vector<10112x128xf32>
    %get3A_11 = arith.constant 0 : index
    %get3A_12 = arith.constant 0 : index
    %get3A_13 = vector.load %arg2[%get3A_11, %get3A_12] : memref<128x32xf32, #tpu.memory_space<vmem>>, vector<128x32xf32>
    %dot_general3A_14 = arith.constant dense<0.000000e+00> : vector<10112x32xf32>
    %dot_general3A_15 = tpu.matmul %get3A_10, %get3A_13, %dot_general3A_14 {dimension_numbers = #tpu.dot_dimension_numbers<[1], [0], [0], [1], [0, 0, 1, 1], [], []>, transpose_lhs_hint = false} : vector<10112x128xf32>, vector<128x32xf32>, vector<10112x32xf32> -> vector<10112x32xf32>
    %mul3A = arith.mulf %rsqrt3A, %dot_general3A_15 : vector<10112x32xf32>
    %swap3A_16 = arith.constant 0 : index
    %swap3A_17 = arith.constant 0 : index
    %swap3A_18 = vector.load %arg4[%swap3A_16, %swap3A_17] : memref<10112x32xf32, #tpu.memory_space<vmem>>, vector<10112x32xf32>
    tpu.vector_store %arg4[%swap3A_16, %swap3A_17], %mul3A {strides = array<i32>} : memref<10112x32xf32, #tpu.memory_space<vmem>>, vector<10112x32xf32>,
    return
  }
}

module attributes {stable_mosaic.version = 14 : i64} {
  func.func @_tc_mid_body(%arg0: memref<2x10112x32xf32, #tpu.memory_space<vmem>>, %arg1: memref<10112x32xf32, #tpu.memory_space<vmem>>, %arg2: memref<10112x32xf32, #tpu.memory_space<vmem>>, %arg3: memref<1x32xf32, #tpu.memory_space<vmem>>, %arg4: memref<32x32xf32, #tpu.memory_space<vmem>>, %arg5: memref<10112x32xf32, #tpu.memory_space<vmem>>) attributes {dimension_semantics = [], scalar_prefetch = 0 : i64, scratch_operands = 0 : i64, tpu.core_type = #tpu.core_type<tc>} {
    %get3A = arith.constant 0 : index
    %get3A_0 = arith.constant 0 : index
    %get3A_1 = vector.load %arg2[%get3A, %get3A_0] : memref<10112x32xf32, #tpu.memory_space<vmem>>, vector<10112x32xf32>
    %get3A_2 = arith.constant 0 : index
    %get3A_3 = arith.constant 0 : index
    %get3A_4 = arith.constant 0 : index
    %get3A_5 = vector.load %arg0[%get3A_2, %get3A_3, %get3A_4] : memref<2x10112x32xf32, #tpu.memory_space<vmem>>, vector<1x10112x32xf32>
    %get3A_6 = vector.shape_cast %get3A_5 : vector<1x10112x32xf32> to vector<10112x32xf32>
    %get3A_7 = arith.constant 1 : index
    %get3A_8 = arith.constant 0 : index
    %get3A_9 = arith.constant 0 : index
    %get3A_10 = vector.load %arg0[%get3A_7, %get3A_8, %get3A_9] : memref<2x10112x32xf32, #tpu.memory_space<vmem>>, vector<1x10112x32xf32>
    %get3A_11 = vector.shape_cast %get3A_10 : vector<1x10112x32xf32> to vector<10112x32xf32>
    %add3A = arith.addf %get3A_6, %get3A_11 : vector<10112x32xf32>
    %get3A_12 = arith.constant 0 : index
    %get3A_13 = arith.constant 0 : index
    %get3A_14 = vector.load %arg1[%get3A_12, %get3A_13] : memref<10112x32xf32, #tpu.memory_space<vmem>>, vector<10112x32xf32>
    %add3A_15 = arith.addf %add3A, %get3A_14 : vector<10112x32xf32>
    %mul3A = arith.mulf %get3A_1, %add3A_15 : vector<10112x32xf32>
    %get3A_16 = arith.constant 0 : index
    %get3A_17 = arith.constant 0 : index
    %get3A_18 = vector.load %arg3[%get3A_16, %get3A_17] : memref<1x32xf32, #tpu.memory_space<vmem>>, vector<1x32xf32>
    %add3A_19 = vector.broadcast %get3A_18 : vector<1x32xf32> to vector<10112x32xf32>
    %add3A_20 = arith.addf %mul3A, %add3A_19 : vector<10112x32xf32>
    %max3A = arith.constant 0.000000e+00 : f32
    %max3A_21 = vector.broadcast %max3A : f32 to vector<10112x32xf32>
    %max3A_22 = arith.maximumf %add3A_20, %max3A_21 : vector<10112x32xf32>
    %get3A_23 = arith.constant 0 : index
    %get3A_24 = arith.constant 0 : index
    %get3A_25 = vector.load %arg4[%get3A_23, %get3A_24] : memref<32x32xf32, #tpu.memory_space<vmem>>, vector<32x32xf32>
    %dot_general3A = arith.constant dense<0.000000e+00> : vector<10112x32xf32>
    %dot_general3A_26 = tpu.matmul %max3A_22, %get3A_25, %dot_general3A {dimension_numbers = #tpu.dot_dimension_numbers<[1], [0], [0], [1], [0, 0, 1, 1], [], []>, transpose_lhs_hint = false} : vector<10112x32xf32>, vector<32x32xf32>, vector<10112x32xf32> -> vector<10112x32xf32>
    %mul3A_27 = arith.mulf %get3A_1, %dot_general3A_26 : vector<10112x32xf32>
    %swap3A = arith.constant 0 : index
    %swap3A_28 = arith.constant 0 : index
    %swap3A_29 = vector.load %arg5[%swap3A, %swap3A_28] : memref<10112x32xf32, #tpu.memory_space<vmem>>, vector<10112x32xf32>
    tpu.vector_store %arg5[%swap3A, %swap3A_28], %mul3A_27 {strides = array<i32>} : memref<10112x32xf32, #tpu.memory_space<vmem>>, vector<10112x32xf32>,
    return
  }
}

module attributes {stable_mosaic.version = 14 : i64} {
  func.func @_tc_fin_body(%arg0: memref<2x10112x32xf32, #tpu.memory_space<vmem>>, %arg1: memref<10112x32xf32, #tpu.memory_space<vmem>>, %arg2: memref<10112x32xf32, #tpu.memory_space<vmem>>, %arg3: memref<1x32xf32, #tpu.memory_space<vmem>>, %arg4: memref<1x10112xi32, #tpu.memory_space<vmem>>, %arg5: memref<32x10xf32, #tpu.memory_space<vmem>>, %arg6: memref<1x10xf32, #tpu.memory_space<vmem>>, %arg7: memref<64x10xf32, #tpu.memory_space<vmem>>) attributes {dimension_semantics = [], scalar_prefetch = 0 : i64, scratch_operands = 0 : i64, tpu.core_type = #tpu.core_type<tc>} {
    %get3A = arith.constant 0 : index
    %get3A_0 = arith.constant 0 : index
    %get3A_1 = vector.load %arg2[%get3A, %get3A_0] : memref<10112x32xf32, #tpu.memory_space<vmem>>, vector<10112x32xf32>
    %get3A_2 = arith.constant 0 : index
    %get3A_3 = arith.constant 0 : index
    %get3A_4 = arith.constant 0 : index
    %get3A_5 = vector.load %arg0[%get3A_2, %get3A_3, %get3A_4] : memref<2x10112x32xf32, #tpu.memory_space<vmem>>, vector<1x10112x32xf32>
    %get3A_6 = vector.shape_cast %get3A_5 : vector<1x10112x32xf32> to vector<10112x32xf32>
    %get3A_7 = arith.constant 1 : index
    %get3A_8 = arith.constant 0 : index
    %get3A_9 = arith.constant 0 : index
    %get3A_10 = vector.load %arg0[%get3A_7, %get3A_8, %get3A_9] : memref<2x10112x32xf32, #tpu.memory_space<vmem>>, vector<1x10112x32xf32>
    %get3A_11 = vector.shape_cast %get3A_10 : vector<1x10112x32xf32> to vector<10112x32xf32>
    %add3A = arith.addf %get3A_6, %get3A_11 : vector<10112x32xf32>
    %get3A_12 = arith.constant 0 : index
    %get3A_13 = arith.constant 0 : index
    %get3A_14 = vector.load %arg1[%get3A_12, %get3A_13] : memref<10112x32xf32, #tpu.memory_space<vmem>>, vector<10112x32xf32>
    %add3A_15 = arith.addf %add3A, %get3A_14 : vector<10112x32xf32>
    %mul3A = arith.mulf %get3A_1, %add3A_15 : vector<10112x32xf32>
    %get3A_16 = arith.constant 0 : index
    %get3A_17 = arith.constant 0 : index
    %get3A_18 = vector.load %arg3[%get3A_16, %get3A_17] : memref<1x32xf32, #tpu.memory_space<vmem>>, vector<1x32xf32>
    %add3A_19 = vector.broadcast %get3A_18 : vector<1x32xf32> to vector<10112x32xf32>
    %add3A_20 = arith.addf %mul3A, %add3A_19 : vector<10112x32xf32>
    %iota3A = tpu.iota {dimensions = array<i32: 0>} : vector<64x10112xi32>
    %get3A_21 = arith.constant 0 : index
    %get3A_22 = arith.constant 0 : index
    %get3A_23 = vector.load %arg4[%get3A_21, %get3A_22] : memref<1x10112xi32, #tpu.memory_space<vmem>>, vector<1x10112xi32>
    %eq3A = vector.broadcast %get3A_23 : vector<1x10112xi32> to vector<64x10112xi32>
    %eq3A_24 = arith.cmpi eq, %iota3A, %eq3A : vector<64x10112xi32>
    %convert_element_type3A = arith.extui %eq3A_24 : vector<64x10112xi1> to vector<64x10112xi32>
    %convert_element_type3A_25 = arith.sitofp %convert_element_type3A : vector<64x10112xi32> to vector<64x10112xf32>
    %dot_general3A = arith.constant dense<0.000000e+00> : vector<64x32xf32>
    %dot_general3A_26 = tpu.matmul %convert_element_type3A_25, %add3A_20, %dot_general3A {dimension_numbers = #tpu.dot_dimension_numbers<[1], [0], [0], [1], [0, 0, 1, 1], [], []>, transpose_lhs_hint = false} : vector<64x10112xf32>, vector<10112x32xf32>, vector<64x32xf32> -> vector<64x32xf32>
    %reduce_sum3A = arith.constant dense<0.000000e+00> : vector<64xf32>
    %reduce_sum3A_27 = vector.multi_reduction <add>, %convert_element_type3A_25, %reduce_sum3A [1] : vector<64x10112xf32> to vector<64xf32>
    %broadcast_in_dim3A = vector.shape_cast %reduce_sum3A_27 : vector<64xf32> to vector<64x1xf32>
    %max3A = arith.constant 1.000000e+00 : f32
    %max3A_28 = vector.broadcast %max3A : f32 to vector<64x1xf32>
    %max3A_29 = arith.maximumf %broadcast_in_dim3A, %max3A_28 : vector<64x1xf32>
    %div3A = vector.broadcast %max3A_29 : vector<64x1xf32> to vector<64x32xf32>
    %div3A_30 = arith.divf %dot_general3A_26, %div3A : vector<64x32xf32>
    %get3A_31 = arith.constant 0 : index
    %get3A_32 = arith.constant 0 : index
    %get3A_33 = vector.load %arg5[%get3A_31, %get3A_32] : memref<32x10xf32, #tpu.memory_space<vmem>>, vector<32x10xf32>
    %dot_general3A_34 = arith.constant dense<0.000000e+00> : vector<64x10xf32>
    %dot_general3A_35 = tpu.matmul %div3A_30, %get3A_33, %dot_general3A_34 {dimension_numbers = #tpu.dot_dimension_numbers<[1], [0], [0], [1], [0, 0, 1, 1], [], []>, transpose_lhs_hint = false} : vector<64x32xf32>, vector<32x10xf32>, vector<64x10xf32> -> vector<64x10xf32>
    %get3A_36 = arith.constant 0 : index
    %get3A_37 = arith.constant 0 : index
    %get3A_38 = vector.load %arg6[%get3A_36, %get3A_37] : memref<1x10xf32, #tpu.memory_space<vmem>>, vector<1x10xf32>
    %add3A_39 = vector.broadcast %get3A_38 : vector<1x10xf32> to vector<64x10xf32>
    %add3A_40 = arith.addf %dot_general3A_35, %add3A_39 : vector<64x10xf32>
    %swap3A = arith.constant 0 : index
    %swap3A_41 = arith.constant 0 : index
    %swap3A_42 = vector.load %arg7[%swap3A, %swap3A_41] : memref<64x10xf32, #tpu.memory_space<vmem>>, vector<64x10xf32>
    tpu.vector_store %arg7[%swap3A, %swap3A_41], %add3A_40 {strides = array<i32>} : memref<64x10xf32, #tpu.memory_space<vmem>>, vector<64x10xf32>,
    return
  }
}

</mosaic_0001>

<sc_bundles>
// kernel: kernel.10.cloned.1.call-start
scs
__scs_entry_jumppad:
0x0: {  	(pc) =	sbr.rel $0x88, $3  }
0x1: {  	(tag) =	ssettag $0x0;
	lr =	simm.s32 $0x1  }
0x2: {  	[smem:$0x3F96] =	sst lr;
	_ =	strace $0xD0000000  }
0x3: {  	_ = 	snop  }
0x4: {  	_ = 	snop  }
0x5: {  	_ = 	snop  }
0x6: {  	_ = 	snop  }
0x7: {  	_ = 	snop  }
__scs_overlays_trampoline_lowered:
0x8: {  	[smem:$0x3FA5] =	sst s0  }
0x9: {  	[smem:$0x3FA6] =	sst s1  }
0xa: {  	[smem:$0x3FA7] =	sst s2  }
0xb: {  	[smem:$0x3FA8] =	sst s3  }
0xc: {  	[smem:$0x3FA9] =	sst s4  }
0xd: {  	[smem:$0x3FAA] =	sst s5  }
0xe: {  	[smem:$0x3FAB] =	sst s6  }
0xf: {  	[smem:$0x3FAC] =	sst s7  }
0x10: {  	[smem:$0x3FAD] =	sst s8  }
0x11: {  	[smem:$0x3FAE] =	sst s9;
	s0 =	simm.s32 @!p0 $0x0  }
0x12: {  	s1 =	sld [smem:$0x3F94];
	s0 =	simm.s32 @p0 $0x1  }
0x13: {  	[smem:$0x3FAF] =	sst s0;
	s0 =	simm.s32 @!p1 $0x0  }
0x14: {  	s2 =	sld [smem:$0x3F93];
	s0 =	simm.s32 @p1 $0x1  }
0x15: {  	[smem:$0x3FB0] =	sst s0;
	s0 =	simm.s32 @!p2 $0x0  }
0x16: {  	s3 =	sld [smem:$0x3FDB];
	s0 =	simm.s32 @p2 $0x1  }
0x17: {  	s4 =	simm.s32 $0x1BF5;
	[smem:$0x3FB2] =	sst s0  }
0x18: {  	s0 =	sld [smem:$0x3F95];
	_ =	swait.ge [sflag:s4], $0x0  }
0x19: {  	s7 =	sld [smem:$0x3F96]  }
0x1a: {  	s8 =	sadd.s32 $0xFFFFE003, lr  }
0x1b: {  	s9 =	sadd.s32 $0xFFFFFEF7, lr;
	s5 =	simm.s32 $0xFFFFFFFF;
	p2 =	slt.u32 s8, $0xFFFFF086  }
0x1c: {  	p1 =	slt.u32 s9, $0xF7A;
	s5 =	simm.s32 @!p2 $0x0  }
0x1d: {  	s5 =	simm.s32 @p1 $0x1;
	p0 =	seq.s32 s7, s2  }
0x1e: {  	s7 =	smul.u32 @!p0 $0xF7A, s2;
	p2 =	seq.s32 @!p0 s5, $0x0  }
0x1f: {  	s9 =	smul.u32 $0xF7A, s1;
	s8 =	simm.s32 @!p0 $0x1BF5;
	p2 =	por !p2, p0  }
0x20: {  	[sflag:s8] =	ssyncset.s32 @!p0 $0xFFFFF086;
	s6 =	sadd.s32 @!p0 s3, s7;
	s7 =	simm.s32 @!p0 $0x108  }
0x21: {  	s3 =	sadd.s32 s3, s9;
	s6 =	sadd.s32 @!p0 $0x88, s6;
	s7 =	simm.s32 @p2 $0x1082  }
0x22: {  	[simem:s7], [sflag:s8] =	dma.local @!p0 [hbm:s6], $0xF7A  }
0x23: {  	s9 =	sor.u32 $0xD0000000, s2;
	s6 =	simm.s32 $0x108;
	_ =	swait.ge @!p0 [sflag:s8], $0x0  }
0x24: {  	s3 =	sadd.s32 $0x88, s3;
	s6 =	simm.s32 @!p1 $0x1082;
	[sflag:s4] =	ssyncset.s32 $0xFFFFF086  }
0x25: {  	[simem:s6], [sflag:s4] =	dma.local [hbm:s3], $0xF7A  }
0x26: {  	[smem:$0x3F96] =	sst s1;
	(tag) =	ssettag s2;
	_ =	strace s9  }
0x27: {  	s1 =	sld [smem:$0x3FA6]  }
0x28: {  	s2 =	sld [smem:$0x3FA7]  }
0x29: {  	s4 =	sld [smem:$0x3FA9]  }
0x2a: {  	p0 =	seq.s32 s5, $0x0;
	s5 =	sld [smem:$0x3FAA]  }
0x2b: {  	s6 =	sld [smem:$0x3FAB]  }
0x2c: {  	s7 =	sld [smem:$0x3FAC]  }
0x2d: {  	s3 =	simm.s32 $0x108;
	s8 =	sld [smem:$0x3FAD]  }
0x2e: {  	s3 =	simm.s32 @!p0 $0x1082;
	s9 =	sld [smem:$0x3FAE]  }
0x2f: {  	lr =	sadd.s32 s0, s3;
	s0 =	sld [smem:$0x3FA5]  }
0x30: {  	s3 =	sld [smem:$0x3FA8]  }
0x31: {  	[smem:$0x3FB1] =	sst s10  }
0x32: {  	s10 =	sld [smem:$0x3FAF];
	_ =	sdelay $0x3  }
0x33: {  	p0 =	seq.s32 s10, $0x1;
	s10 =	sld [smem:$0x3FB1];
	_ =	sdelay $0x3  }
0x34: {  	[smem:$0x3FB1] =	sst s10  }
0x35: {  	s10 =	sld [smem:$0x3FB0];
	_ =	sdelay $0x3  }
0x36: {  	p1 =	seq.s32 s10, $0x1;
	s10 =	sld [smem:$0x3FB1];
	_ =	sdelay $0x3  }
0x37: {  	[smem:$0x3FB1] =	sst s10  }
0x38: {  	s10 =	sld [smem:$0x3FB2]  }
0x39: {  	_ = 	snop;
	(pc) =	sbr.ind lr, $3  }
0x3a: {  	_ = 	snop  }
0x3b: {  	_ = 	snop  }
0x3c: {  	p2 =	seq.s32 s10, $0x1;
	s10 =	sld [smem:$0x3FB1]  }
0x3d: {  	_ =	shalt  }
0x3e: {  	_ =	shalt  }
0x3f: {  	_ =	shalt  }
0x40: {  	_ =	shalt  }
0x41: {  	_ =	shalt  }
0x42: {  	_ =	shalt  }
0x43: {  	_ =	shalt  }
0x44: {  	_ =	shalt  }
0x45: {  	_ =	shalt  }
0x46: {  	_ =	shalt  }
0x47: {  	_ =	shalt  }
0x48: {  	_ =	shalt  }
0x49: {  	_ =	shalt  }
0x4a: {  	_ =	shalt  }
0x4b: {  	_ =	shalt  }
0x4c: {  	_ =	shalt  }
0x4d: {  	_ =	shalt  }
0x4e: {  	_ =	shalt  }
0x4f: {  	_ =	shalt  }
0x50: {  	_ =	shalt  }
0x51: {  	_ =	shalt  }
0x52: {  	_ =	shalt  }
0x53: {  	_ =	shalt  }
0x54: {  	_ =	shalt  }
0x55: {  	_ =	shalt  }
0x56: {  	_ =	shalt  }
0x57: {  	_ =	shalt  }
0x58: {  	_ =	shalt  }
0x59: {  	_ =	shalt  }
0x5a: {  	_ =	shalt  }
0x5b: {  	_ =	shalt  }
0x5c: {  	_ =	shalt  }
0x5d: {  	_ =	shalt  }
0x5e: {  	_ =	shalt  }
0x5f: {  	_ =	shalt  }
0x60: {  	_ =	shalt  }
0x61: {  	_ =	shalt  }
0x62: {  	_ =	shalt  }
0x63: {  	_ =	shalt  }
0x64: {  	_ =	shalt  }
0x65: {  	_ =	shalt  }
0x66: {  	_ =	shalt  }
0x67: {  	_ =	shalt  }
0x68: {  	_ =	shalt  }
0x69: {  	_ =	shalt  }
0x6a: {  	_ =	shalt  }
0x6b: {  	_ =	shalt  }
0x6c: {  	_ =	shalt  }
0x6d: {  	_ =	shalt  }
0x6e: {  	_ =	shalt  }
0x6f: {  	_ =	shalt  }
0x70: {  	_ =	shalt  }
0x71: {  	_ =	shalt  }
0x72: {  	_ =	shalt  }
0x73: {  	_ =	shalt  }
0x74: {  	_ =	shalt  }
0x75: {  	_ =	shalt  }
0x76: {  	_ =	shalt  }
0x77: {  	_ =	shalt  }
0x78: {  	_ =	shalt  }
0x79: {  	_ =	shalt  }
0x7a: {  	_ =	shalt  }
0x7b: {  	_ =	shalt  }
0x7c: {  	_ =	shalt  }
0x7d: {  	_ =	shalt  }
0x7e: {  	_ =	shalt  }
0x7f: {  	_ =	shalt  }
0x80: {  	_ =	shalt  }
0x81: {  	_ =	shalt  }
0x82: {  	_ =	shalt  }
0x83: {  	_ =	shalt  }
0x84: {  	_ =	shalt  }
0x85: {  	_ =	shalt  }
0x86: {  	_ =	shalt  }
0x87: {  	_ =	shalt  }
.Lfunc_end0:
.L_simem_size_0:
called_computation_lowered:
.L_overlay_start_0:
0x88: {  	s2 =	sld [smem:$0x3FD9]  }
0x89: {  	s3 =	sld [smem:$0x3FFE];
	_ =	sdelay $0x1  }
0x8a: {  	s1 =	srdreg.scid  }
0x8b: {  	s0 =	sand.u32 $0x1, s1  }
0x8c: {  	s16 =	sshll.u32 s0, $0xA;
	s2 =	sadd.s32 s3, s2  }
0x8d: {  	s2 =	sadd.s32 s2, s16  }
0x8e: {  	[smem:$0x3FBD] =	sst s2  }
0x8f: {  	_ = 	snop  }
0x90: {  	(tm) =	ssettm $0x1  }
0x91: {  	s17 =	sld [smem:$0x3FFB];
	_ =	sdelay $0x3  }
0x92: {  	_ =	strace s17  }
0x93: {  	s2 =	sld [smem:$0x3FFC];
	_ =	sdelay $0x3  }
0x94: {  	_ =	strace s2  }
0x95: {  	s2 =	sld [smem:$0x3FFD];
	_ =	sdelay $0x3  }
0x96: {  	_ =	strace s2  }
0x97: {  	_ =	strace $0x8FFFFFFF  }
0x98: {  	s18 =	sld [smem:$0x3FDB];
	_ =	sdelay $0x1  }
0x99: {  	s19 =	simm.s32 $_scs_section_size  }
0x9a: {  	s4 =	simm.s32 $_size__tile_overlayer_lowered;
	s5 =	simm.s32 $_tile_overlayer_lowered  }
0x9b: {  	s22 =	simm.s32 $0x1BFF;
	s21 =	sshll.u32 s5, $0x1;
	s2 =	sadd.s32 s19, s18  }
0x9c: {  	s6 =	simm.s32 $0x0;
	s20 =	sshll.u32 s4, $0x1;
	s4 =	sadd.s32 s21, s2  }
0x9d: {  	[timem:s6], [sflag:s22] =	dma.local [hbm:s4], s20  }
0x9e: {  	_ =	swait.ge [sflag:s22], s20  }
0x9f: {  	s3 =	ssub.s32 $0x0, s20;
	[sflag:s22] =	ssyncset.done $0x0  }
0xa0: {  	[sflag:s22] =	ssyncadd.s32 s3;
	_ =	sdelay $0x1  }
0xa1: {  	s23 =	simm.s32 $0x1B8B  }
0xa2: {  	_ =	swait.ge [sflag:s23], $0x1  }
0xa3: {  	[sflag:s23] =	ssyncset.done $0x0  }
0xa4: {  	s25 =	simm.s32 $0x1B8E;
	s24 =	sld [smem:$0x3FFE];
	[sflag:s23] =	ssyncadd.s32 $0xFFFFFFFF  }
0xa5: {  	s26 =	simm.s32 $execute0_lowered;
	[smem:$0x3FD2] =	sst s25  }
0xa6: {  	s4 =	sshll.u32 s26, $0x1;
	_ =	strace $0x80000046;
	[dreg:$0x1] =	wrdreg $0xFFFFFFFF  }
0xa7: {  	s28 =	simm.s32 $_size_execute0_lowered;
	s2 =	sadd.s32 s2, s4;
	[dreg:$0x0] =	wrdreg $0x0  }
0xa8: {  	s4 =	sshll.u32 s28, $0x1;
	[dreg:$0x2] =	wrdreg s2  }
0xa9: {  	[dreg:$0x3] =	wrdreg s4  }
0xaa: {  	[dreg:$0x4] =	wrdreg $0xC0  }
0xab: {  	_ =	task [dreg:s6], $0x5FFFF  }
0xac: {  	[dreg:$0x1] =	wrdreg $0xFFFFFFFF  }
0xad: {  	[dreg:$0x0] =	wrdreg $0x60  }
0xae: {  	[dreg:$0x2] =	wrdreg s24  }
0xaf: {  	[dreg:$0x3] =	wrdreg $0x9  }
0xb0: {  	_ =	task.clear_ibuf [dreg:s6], $0x4FFFF;
	_ =	strace $0x90000046  }
0xb1: {  	s29 =	simm.s32 $0x9;
	_ =	strace $0x80000048  }
0xb2: {  	_ =	swait.ge [sflag:s29], $0x1  }
0xb3: {  	[sflag:s29] =	ssyncadd.s32 $0xFFFFFFFF  }
0xb4: {  	_ =	strace $0x90000048  }
0xb5: {  	_ =	sfence  }
0xb6: {  	s30 =	sld [smem:$0x0];
	_ =	sdelay $0x2  }
0xb7: {  	s31 =	sshll.u32 s1, $0xD;
	s1 =	sshrl.u32 s1, $0x2  }
0xb8: {  	s3 =	sand.u32 $0x4000, s31;
	s1 =	sadd.s32 s1, s30  }
0xb9: {  	s0 =	sor.u32 s3, s0;
	s1 =	sshll.u32 s1, $0x11  }
0xba: {  	s0 =	sor.u32 s1, s0  }
0xbb: {  	s0 =	sadd.s32 $0x8F2B, s0  }
0xbc: {  	[sflag:s0] =	ssyncadd.remote.s32 $0x1  }
0xbd: {  	_ =	sfence.sel $0xFFFF  }
0xbe: {  	[dreg:$0x0] =	wrdreg $0xFFFFFFFF;
	(pc) =	sbr.abs _section_cstart, $3  }
0xbf: {  	[dreg:$0x1] =	wrdreg $0xFFFFFFFF  }
0xc0: {  	_ =	task.clear_ibuf [dreg:s6], $0x2FFFF;
	_ =	strace $0x9FFFFFFF  }
0xc1: {  	(tm) =	ssettm $0x7FFFFFFF  }
tec
execute0_lowered:
.L_overlay_start_1:
0x0: {  	(tag) =	ssettag $0x1  }
0x1: {  	s1 =	srdreg.scid  }
0x2: {  	s0 =	stileid.u32;
	s5 =	rddreg [dreg:$0x0]  }
0x3: {  	s2 =	simm.s32 $0x0;
	s8 =	simm.s32 $0x80;
	s9 =	simm.s32 $0x400  }
0x4: {  	s10 =	simm.s32 $0x0;
	s3 =	sand.u32 $0x1, s1;
	s29 =	sshll.u32 s0, $0x1  }
0x5: {  	s30 =	sshrl.u32 s0, $0x2;
	s1 =	rddreg [dreg:$0x1];
	s4 =	sor.u32 s3, s29  }
0x6: {  	[smem:$0x7FF] =	sst s2;
	s6 =	smul.u32 $0x13C00, s30;
	s7 =	sshll.u32 s4, $0x7  }
0x7: {  	s3 =	ssub.s32 $0x2, s3;
	s4 =	smul.u32 $0x500, s4;
	s7 =	sand.u32 $0x380, s7  }
0x8: {  	_ =	strace $0x80000047;
	s31 =	sshrl.u32 s3, $0x1;
	s6 =	sor.u32 s6, s7  }
0x9: {  	s4 =	sadd.s32 s4, s5;
	s7 =	simm.s32 $0x2800;
	s6 =	sshrl.u32 s6, $0x3  }
0xa: {  	s5 =	sadd.s32 s6, s5;
	s6 =	ssub.s32 s3, s31;
	s3 =	sadd.s32 $0x2600, s4  }
0xb: {  	v0 =	vimm.f32 $0.0e+00;
	v1 =	vimm.f32 $1.000000000e+00;
	s4 =	sadd.s32 $0xC600, s5;
	s5 =	smax.u32 s6, $0x1;
	s6 =	simm.s32 $0x1  }
.LBB2_1:
0xc: {  	[tilespmem:s2], [sflag:$0x1] =	stream.linear.gather [hbm4b:s3+s2], $0x2800, $0x38;
	[tilespmem:$0x4F80] =	vst v63  }
0xd: {  	_ =	swait.ge [sflag:s6], $0x2800  }
0xe: {  	[sflag:s6] =	ssyncset.done $0x0  }
0xf: {  	s11 =	simm.s32 $0x0;
	[sflag:s6] =	ssyncadd.s32 $0xFFFFD800  }
.LBB2_2:
0x10: {  	p0 =	sne.s32 s11, $0x9DC0  }
.Ltmp0:
0x11: {  	_ = 	snop;
	(pc) =	sbr.rel @p0 .LBB2_2-.Ltmp0, $3  }
0x12: {  	_ =	sdelay $0x1  }
0x13: {  	s12 =	sshra.s32 s11, $0x2  }
0x14: {  	s11 =	sadd.s32 $0x40, s11;
	[tilespmem:s12+$0x2800] =	vst v0  }
0x15: {  	s11 =	simm.s32 $0x0  }
0x16: {  	s12 =	sand.u32 $0xFE00, s11  }
0x17: {  	s11 =	sand.u32 $0x70, s11;
	s12 =	sshrl.u32 s12, $0x2  }
0x18: {  	s11 =	sor.u32 s11, s12  }
0x19: {  	v2 =	vld [tilespmem:s11+$0x0];
	_ =	sdelay $0x4  }
0x1a: {  	s13 =	simm.s32 $0x40  }
0x1b: {  	s13 =	sand.u32 $0xFE00, s13;
	s12 =	simm.s32 $0x80;
	s11 =	simm.s32 $0x10  }
.LBB2_4:
0x1c: {  	p0 =	sne.s32 s12, $0x9FC0;
	s14 =	sand.u32 $0x70, s11;
	s13 =	sshrl.u32 s13, $0x2  }
0x1d: {  	s13 =	sor.u32 s14, s13;
	[tilespmem:v2+s7+$0x0] =	vst.idx.add.f32.msk $0xffff, v1  }
0x1e: {  	v2 =	vld [tilespmem:s13+$0x0];
	_ =	sdelay $0x1  }
.Ltmp1:
0x1f: {  	(pc) =	sbr.rel @p0 .LBB2_4-.Ltmp1, $2  }
0x20: {  	_ =	sdelay $0x2  }
0x21: {  	s11 =	sadd.s32 $0x10, s11;
	s13 =	sand.u32 $0xFE00, s12;
	s12 =	sadd.s32 $0x40, s12  }
0x22: {  	_ =	sdelay $0x2  }
0x23: {  	s11 =	sand.u32 $0x70, s11;
	s12 =	sshrl.u32 s13, $0x2  }
0x24: {  	[tilespmem:v2+s7+$0x0] =	vst.idx.add.f32.msk $0xffff, v1;
	s11 =	sor.u32 s11, s12  }
0x25: {  	v2 =	vld [tilespmem:s11+$0x0];
	_ =	sdelay $0x5  }
0x26: {  	s10 =	sadd.s32 $0x1, s10  }
0x27: {  	p0 =	sne.s32 s10, s5  }
.Ltmp2:
0x28: {  	[tilespmem:v2+s7+$0x0] =	vst.idx.add.f32.msk $0xffff, v1;
	(pc) =	sbr.rel @p0 .LBB2_1-.Ltmp2, $4  }
0x29: {  	[hbm4b:s4+s8] =	stream.strided.scatter [tilespmem:s7], [sflag:$0x1], $0x2780, s9, s8, $0x38;
	[tilespmem:$0x4F80] =	vst v63  }
0x2a: {  	_ =	swait.ge [sflag:s6], $0x2780  }
0x2b: {  	[sflag:s6] =	ssyncset.done $0x0  }
0x2c: {  	[sflag:s6] =	ssyncadd.s32 $0xFFFFD880  }
0x2d: {  	_ =	sfence.sel $0x180000  }
0x2e: {  	[bflag:$0x0] =	sbarrier.arrive $0xFFFF  }
0x2f: {  	p0 =	sne.s32 s0, $0x0;
	_ =	strace $0x90000047  }
0x30: {  	s0 =	sadd.s32 @!p0 $0x100000, s1;
	[bflag:$0x2] =	sbarrier.arrive $0xFFFF  }
0x31: {  	[sflag:s0] =	ssyncadd.tile.s32 @!p0 $0x1;
	_ =	shalt  }
.Lfunc_end2:
_tile_overlayer_lowered:
.L_overlay_start_2:
0x32: {  	(tag) =	ssettag $0x2  }
0x33: {  	s0 =	rddreg [dreg:$0x0];
	s2 =	stileid.u32  }
0x34: {  	s1 =	rddreg [dreg:$0x1];
	p0 =	sne.s32 s2, $0x0  }
0x35: {  	s3 =	rddreg [dreg:$0x2];
	[bflag:$0x3] =	sbarrier.arrive $0xFFFF;
	s2 =	simm.s32 @!p0 $0x1C01  }
0x36: {  	[timem:s3], [sflag:s2] =	dma.local @!p0 [hbm:s0], s1  }
0x37: {  	s0 =	simm.s32 @!p0 $0x1  }
0x38: {  	_ =	swait.ge @!p0 [sflag:s0], s1  }
0x39: {  	s1 =	ssub.s32 @!p0 $0x0, s1;
	[sflag:s0] =	ssyncset.done @!p0 $0x0  }
0x3a: {  	[sflag:s0] =	ssyncadd.s32 @!p0 s1  }
0x3b: {  	[bflag:$0x3] =	sbarrier.arrive $0xFFFF  }
0x3c: {  	_ =	shalt  }

// kernel: kernel.13.cloned.1.call-start
scs
__scs_entry_jumppad:
0x0: {  	(pc) =	sbr.rel $0x88, $3  }
0x1: {  	(tag) =	ssettag $0x0;
	lr =	simm.s32 $0x1  }
0x2: {  	[smem:$0x3F96] =	sst lr;
	_ =	strace $0xD0000000  }
0x3: {  	_ = 	snop  }
0x4: {  	_ = 	snop  }
0x5: {  	_ = 	snop  }
0x6: {  	_ = 	snop  }
0x7: {  	_ = 	snop  }
__scs_overlays_trampoline_lowered:
0x8: {  	[smem:$0x3FA5] =	sst s0  }
0x9: {  	[smem:$0x3FA6] =	sst s1  }
0xa: {  	[smem:$0x3FA7] =	sst s2  }
0xb: {  	[smem:$0x3FA8] =	sst s3  }
0xc: {  	[smem:$0x3FA9] =	sst s4  }
0xd: {  	[smem:$0x3FAA] =	sst s5  }
0xe: {  	[smem:$0x3FAB] =	sst s6  }
0xf: {  	[smem:$0x3FAC] =	sst s7  }
0x10: {  	[smem:$0x3FAD] =	sst s8  }
0x11: {  	[smem:$0x3FAE] =	sst s9;
	s0 =	simm.s32 @!p0 $0x0  }
0x12: {  	s1 =	sld [smem:$0x3F94];
	s0 =	simm.s32 @p0 $0x1  }
0x13: {  	[smem:$0x3FAF] =	sst s0;
	s0 =	simm.s32 @!p1 $0x0  }
0x14: {  	s2 =	sld [smem:$0x3F93];
	s0 =	simm.s32 @p1 $0x1  }
0x15: {  	[smem:$0x3FB0] =	sst s0;
	s0 =	simm.s32 @!p2 $0x0  }
0x16: {  	s3 =	sld [smem:$0x3FDB];
	s0 =	simm.s32 @p2 $0x1  }
0x17: {  	s4 =	simm.s32 $0x1BF5;
	[smem:$0x3FB2] =	sst s0  }
0x18: {  	s0 =	sld [smem:$0x3F95];
	_ =	swait.ge [sflag:s4], $0x0  }
0x19: {  	s7 =	sld [smem:$0x3F96]  }
0x1a: {  	s8 =	sadd.s32 $0xFFFFE003, lr  }
0x1b: {  	s9 =	sadd.s32 $0xFFFFFEF7, lr;
	s5 =	simm.s32 $0xFFFFFFFF;
	p2 =	slt.u32 s8, $0xFFFFF086  }
0x1c: {  	p1 =	slt.u32 s9, $0xF7A;
	s5 =	simm.s32 @!p2 $0x0  }
0x1d: {  	s5 =	simm.s32 @p1 $0x1;
	p0 =	seq.s32 s7, s2  }
0x1e: {  	s7 =	smul.u32 @!p0 $0xF7A, s2;
	p2 =	seq.s32 @!p0 s5, $0x0  }
0x1f: {  	s9 =	smul.u32 $0xF7A, s1;
	s8 =	simm.s32 @!p0 $0x1BF5;
	p2 =	por !p2, p0  }
0x20: {  	[sflag:s8] =	ssyncset.s32 @!p0 $0xFFFFF086;
	s6 =	sadd.s32 @!p0 s3, s7;
	s7 =	simm.s32 @!p0 $0x108  }
0x21: {  	s3 =	sadd.s32 s3, s9;
	s6 =	sadd.s32 @!p0 $0x88, s6;
	s7 =	simm.s32 @p2 $0x1082  }
0x22: {  	[simem:s7], [sflag:s8] =	dma.local @!p0 [hbm:s6], $0xF7A  }
0x23: {  	s9 =	sor.u32 $0xD0000000, s2;
	s6 =	simm.s32 $0x108;
	_ =	swait.ge @!p0 [sflag:s8], $0x0  }
0x24: {  	s3 =	sadd.s32 $0x88, s3;
	s6 =	simm.s32 @!p1 $0x1082;
	[sflag:s4] =	ssyncset.s32 $0xFFFFF086  }
0x25: {  	[simem:s6], [sflag:s4] =	dma.local [hbm:s3], $0xF7A  }
0x26: {  	[smem:$0x3F96] =	sst s1;
	(tag) =	ssettag s2;
	_ =	strace s9  }
0x27: {  	s1 =	sld [smem:$0x3FA6]  }
0x28: {  	s2 =	sld [smem:$0x3FA7]  }
0x29: {  	s4 =	sld [smem:$0x3FA9]  }
0x2a: {  	p0 =	seq.s32 s5, $0x0;
	s5 =	sld [smem:$0x3FAA]  }
0x2b: {  	s6 =	sld [smem:$0x3FAB]  }
0x2c: {  	s7 =	sld [smem:$0x3FAC]  }
0x2d: {  	s3 =	simm.s32 $0x108;
	s8 =	sld [smem:$0x3FAD]  }
0x2e: {  	s3 =	simm.s32 @!p0 $0x1082;
	s9 =	sld [smem:$0x3FAE]  }
0x2f: {  	lr =	sadd.s32 s0, s3;
	s0 =	sld [smem:$0x3FA5]  }
0x30: {  	s3 =	sld [smem:$0x3FA8]  }
0x31: {  	[smem:$0x3FB1] =	sst s10  }
0x32: {  	s10 =	sld [smem:$0x3FAF];
	_ =	sdelay $0x3  }
0x33: {  	p0 =	seq.s32 s10, $0x1;
	s10 =	sld [smem:$0x3FB1];
	_ =	sdelay $0x3  }
0x34: {  	[smem:$0x3FB1] =	sst s10  }
0x35: {  	s10 =	sld [smem:$0x3FB0];
	_ =	sdelay $0x3  }
0x36: {  	p1 =	seq.s32 s10, $0x1;
	s10 =	sld [smem:$0x3FB1];
	_ =	sdelay $0x3  }
0x37: {  	[smem:$0x3FB1] =	sst s10  }
0x38: {  	s10 =	sld [smem:$0x3FB2]  }
0x39: {  	_ = 	snop;
	(pc) =	sbr.ind lr, $3  }
0x3a: {  	_ = 	snop  }
0x3b: {  	_ = 	snop  }
0x3c: {  	p2 =	seq.s32 s10, $0x1;
	s10 =	sld [smem:$0x3FB1]  }
0x3d: {  	_ =	shalt  }
0x3e: {  	_ =	shalt  }
0x3f: {  	_ =	shalt  }
0x40: {  	_ =	shalt  }
0x41: {  	_ =	shalt  }
0x42: {  	_ =	shalt  }
0x43: {  	_ =	shalt  }
0x44: {  	_ =	shalt  }
0x45: {  	_ =	shalt  }
0x46: {  	_ =	shalt  }
0x47: {  	_ =	shalt  }
0x48: {  	_ =	shalt  }
0x49: {  	_ =	shalt  }
0x4a: {  	_ =	shalt  }
0x4b: {  	_ =	shalt  }
0x4c: {  	_ =	shalt  }
0x4d: {  	_ =	shalt  }
0x4e: {  	_ =	shalt  }
0x4f: {  	_ =	shalt  }
0x50: {  	_ =	shalt  }
0x51: {  	_ =	shalt  }
0x52: {  	_ =	shalt  }
0x53: {  	_ =	shalt  }
0x54: {  	_ =	shalt  }
0x55: {  	_ =	shalt  }
0x56: {  	_ =	shalt  }
0x57: {  	_ =	shalt  }
0x58: {  	_ =	shalt  }
0x59: {  	_ =	shalt  }
0x5a: {  	_ =	shalt  }
0x5b: {  	_ =	shalt  }
0x5c: {  	_ =	shalt  }
0x5d: {  	_ =	shalt  }
0x5e: {  	_ =	shalt  }
0x5f: {  	_ =	shalt  }
0x60: {  	_ =	shalt  }
0x61: {  	_ =	shalt  }
0x62: {  	_ =	shalt  }
0x63: {  	_ =	shalt  }
0x64: {  	_ =	shalt  }
0x65: {  	_ =	shalt  }
0x66: {  	_ =	shalt  }
0x67: {  	_ =	shalt  }
0x68: {  	_ =	shalt  }
0x69: {  	_ =	shalt  }
0x6a: {  	_ =	shalt  }
0x6b: {  	_ =	shalt  }
0x6c: {  	_ =	shalt  }
0x6d: {  	_ =	shalt  }
0x6e: {  	_ =	shalt  }
0x6f: {  	_ =	shalt  }
0x70: {  	_ =	shalt  }
0x71: {  	_ =	shalt  }
0x72: {  	_ =	shalt  }
0x73: {  	_ =	shalt  }
0x74: {  	_ =	shalt  }
0x75: {  	_ =	shalt  }
0x76: {  	_ =	shalt  }
0x77: {  	_ =	shalt  }
0x78: {  	_ =	shalt  }
0x79: {  	_ =	shalt  }
0x7a: {  	_ =	shalt  }
0x7b: {  	_ =	shalt  }
0x7c: {  	_ =	shalt  }
0x7d: {  	_ =	shalt  }
0x7e: {  	_ =	shalt  }
0x7f: {  	_ =	shalt  }
0x80: {  	_ =	shalt  }
0x81: {  	_ =	shalt  }
0x82: {  	_ =	shalt  }
0x83: {  	_ =	shalt  }
0x84: {  	_ =	shalt  }
0x85: {  	_ =	shalt  }
0x86: {  	_ =	shalt  }
0x87: {  	_ =	shalt  }
.Lfunc_end0:
.L_simem_size_0:
called_computation.1_lowered:
.L_overlay_start_0:
0x88: {  	s2 =	sld [smem:$0x3FD9]  }
0x89: {  	s3 =	sld [smem:$0x3FFE];
	_ =	sdelay $0x1  }
0x8a: {  	s1 =	srdreg.scid  }
0x8b: {  	s0 =	sand.u32 $0x1, s1  }
0x8c: {  	s16 =	sshll.u32 s0, $0xA;
	s2 =	sadd.s32 s3, s2  }
0x8d: {  	s2 =	sadd.s32 s2, s16  }
0x8e: {  	[smem:$0x3FBD] =	sst s2  }
0x8f: {  	_ = 	snop  }
0x90: {  	(tm) =	ssettm $0x1  }
0x91: {  	s17 =	sld [smem:$0x3FFB];
	_ =	sdelay $0x3  }
0x92: {  	_ =	strace s17  }
0x93: {  	s2 =	sld [smem:$0x3FFC];
	_ =	sdelay $0x3  }
0x94: {  	_ =	strace s2  }
0x95: {  	s2 =	sld [smem:$0x3FFD];
	_ =	sdelay $0x3  }
0x96: {  	_ =	strace s2  }
0x97: {  	_ =	strace $0x8FFFFFFF  }
0x98: {  	s18 =	sld [smem:$0x3FDB];
	_ =	sdelay $0x1  }
0x99: {  	s19 =	simm.s32 $_scs_section_size  }
0x9a: {  	s4 =	simm.s32 $_size__tile_overlayer_lowered;
	s5 =	simm.s32 $_tile_overlayer_lowered  }
0x9b: {  	s22 =	simm.s32 $0x1BFF;
	s21 =	sshll.u32 s5, $0x1;
	s2 =	sadd.s32 s19, s18  }
0x9c: {  	s6 =	simm.s32 $0x0;
	s20 =	sshll.u32 s4, $0x1;
	s4 =	sadd.s32 s21, s2  }
0x9d: {  	[timem:s6], [sflag:s22] =	dma.local [hbm:s4], s20  }
0x9e: {  	_ =	swait.ge [sflag:s22], s20  }
0x9f: {  	s3 =	ssub.s32 $0x0, s20;
	[sflag:s22] =	ssyncset.done $0x0  }
0xa0: {  	[sflag:s22] =	ssyncadd.s32 s3;
	_ =	sdelay $0x1  }
0xa1: {  	s23 =	simm.s32 $0x1B8B  }
0xa2: {  	_ =	swait.ge [sflag:s23], $0x1  }
0xa3: {  	[sflag:s23] =	ssyncset.done $0x0  }
0xa4: {  	s25 =	simm.s32 $0x1B8E;
	s24 =	sld [smem:$0x3FFE];
	[sflag:s23] =	ssyncadd.s32 $0xFFFFFFFF  }
0xa5: {  	s26 =	simm.s32 $execute0_lowered;
	[smem:$0x3FD2] =	sst s25  }
0xa6: {  	s4 =	sshll.u32 s26, $0x1;
	_ =	strace $0x80000049;
	[dreg:$0x1] =	wrdreg $0xFFFFFFFF  }
0xa7: {  	s28 =	simm.s32 $_size_execute0_lowered;
	s2 =	sadd.s32 s2, s4;
	[dreg:$0x0] =	wrdreg $0x0  }
0xa8: {  	s4 =	sshll.u32 s28, $0x1;
	[dreg:$0x2] =	wrdreg s2  }
0xa9: {  	[dreg:$0x3] =	wrdreg s4  }
0xaa: {  	[dreg:$0x4] =	wrdreg $0xC0  }
0xab: {  	_ =	task [dreg:s6], $0x5FFFF  }
0xac: {  	[dreg:$0x1] =	wrdreg $0xFFFFFFFF  }
0xad: {  	[dreg:$0x0] =	wrdreg $0x60  }
0xae: {  	[dreg:$0x2] =	wrdreg s24  }
0xaf: {  	[dreg:$0x3] =	wrdreg $0xDF000  }
0xb0: {  	[dreg:$0x4] =	wrdreg $0x9  }
0xb1: {  	_ =	task.clear_ibuf [dreg:s6], $0x5FFFF;
	_ =	strace $0x90000049  }
0xb2: {  	s29 =	simm.s32 $0x9;
	_ =	strace $0x8000004B  }
0xb3: {  	_ =	swait.ge [sflag:s29], $0x1  }
0xb4: {  	[sflag:s29] =	ssyncadd.s32 $0xFFFFFFFF  }
0xb5: {  	_ =	strace $0x9000004B  }
0xb6: {  	_ =	sfence  }
0xb7: {  	s30 =	sld [smem:$0x0];
	_ =	sdelay $0x2  }
0xb8: {  	s31 =	sshll.u32 s1, $0xD;
	s1 =	sshrl.u32 s1, $0x2  }
0xb9: {  	s3 =	sand.u32 $0x4000, s31;
	s1 =	sadd.s32 s1, s30  }
0xba: {  	s0 =	sor.u32 s3, s0;
	s1 =	sshll.u32 s1, $0x11  }
0xbb: {  	s0 =	sor.u32 s1, s0  }
0xbc: {  	s0 =	sadd.s32 $0x8F2B, s0  }
0xbd: {  	[sflag:s0] =	ssyncadd.remote.s32 $0x1  }
0xbe: {  	_ =	sfence.sel $0xFFFF  }
0xbf: {  	[dreg:$0x0] =	wrdreg $0xFFFFFFFF;
	(pc) =	sbr.abs _section_cstart, $3  }
0xc0: {  	[dreg:$0x1] =	wrdreg $0xFFFFFFFF  }
0xc1: {  	_ =	task.clear_ibuf [dreg:s6], $0x2FFFF;
	_ =	strace $0x9FFFFFFF  }
0xc2: {  	(tm) =	ssettm $0x7FFFFFFF  }
0xc3: {  	_ =	shalt  }
tec
execute0_lowered:
.L_overlay_start_1:
0x0: {  	(tag) =	ssettag $0x1  }
0x1: {  	s5 =	rddreg [dreg:$0x0]  }
0x2: {  	s2 =	rddreg [dreg:$0x1];
	s4 =	srdreg.scid  }
0x3: {  	s1 =	stileid.u32;
	s3 =	simm.s32 $0x0;
	s11 =	simm.s32 $0x9000  }
0x4: {  	s12 =	simm.s32 $0x5;
	s13 =	simm.s32 $0x1;
	s14 =	simm.s32 $0x2  }
0x5: {  	s15 =	simm.s32 $0x80;
	s16 =	simm.s32 $0x5000;
	s17 =	simm.s32 $0x6000  }
0x6: {  	s18 =	simm.s32 $0x100;
	s19 =	simm.s32 $0x7000;
	s20 =	simm.s32 $0x180  }
0x7: {  	s21 =	simm.s32 $0x8000;
	s22 =	simm.s32 $0x3;
	s23 =	simm.s32 $0x4  }
0x8: {  	s24 =	simm.s32 $0x4E00;
	s25 =	simm.s32 $0x4E80;
	s26 =	simm.s32 $0x4F00  }
0x9: {  	s28 =	simm.s32 $0x4F80;
	s29 =	simm.s32 $0x0;
	s4 =	sand.u32 $0x1, s4  }
0xa: {  	s7 =	smul.u32 $0x4F00, s1;
	[smem:$0x7FF] =	sst s3;
	s6 =	sshll.u32 s1, $0x1  }
0xb: {  	s8 =	smul.u32 $0x4F000, s4;
	_ =	strace $0x8000004A;
	s9 =	ssub.s32 $0x2, s4  }
0xc: {  	s6 =	sor.u32 s4, s6;
	s4 =	sadd.s32 $0xC600, s5;
	s10 =	sshrl.u32 s9, $0x1  }
0xd: {  	s6 =	smul.u32 $0x500, s6;
	s8 =	sadd.s32 s7, s8;
	s9 =	ssub.s32 s9, s10  }
0xe: {  	s7 =	sadd.s32 s7, s2;
	s10 =	simm.s32 $0x2800;
	s8 =	sshrl.u32 s8, $0x3  }
0xf: {  	s6 =	sadd.s32 s6, s5;
	s9 =	smax.u32 s9, $0x1;
	s8 =	sadd.s32 s8, s5  }
0x10: {  	v0 =	vimm.f32 $0.0e+00;
	s5 =	sadd.s32 $0x16400, s6;
	s6 =	sadd.s32 $0x2600, s6;
	s8 =	sadd.s32 $0x20400, s8  }
.LBB2_1:
0x11: {  	[tilespmem:s3], [sflag:$0x1] =	stream.linear.gather [hbm4b:s5+s3], $0x2800, $0x38;
	[tilespmem:$0x12E00] =	vst v63  }
0x12: {  	s30 =	simm.s32 $0x80;
	s31 =	simm.s32 $0x0  }
0x13: {  	[tilespmem:s10], [sflag:$0x2] =	stream.linear.gather [hbm4b:s6+s3], $0x2800, $0x38;
	[tilespmem:$0x12E00] =	vst v63  }
.LBB2_2:
0x14: {  	p0 =	sne.s32 s30, $0x13B80;
	[tilespmem:s31+$0x9000] =	vst v0;
	s0 =	smov.u32 s30;
	s30 =	sadd.s32 $0x80, s30  }
.Ltmp0:
0x15: {  	[tilespmem:s31+$0x9010] =	vst v0;
	(pc) =	sbr.rel @p0 .LBB2_2-.Ltmp0, $2  }
0x16: {  	_ =	sdelay $0x2  }
0x17: {  	s31 =	sshra.s32 s0, $0x2  }
0x18: {  	[tilespmem:s31+$0x9000] =	vst v0  }
0x19: {  	[tilespmem:s31+$0x9010] =	vst v0  }
0x1a: {  	[spmem:s7] =	stream.linear.scatter [tilespmem:s11], [sflag:$0x5], $0x4F00, $0x38;
	[tilespmem:$0x12E00] =	vst v63  }
0x1b: {  	_ =	swait.ge [sflag:s12], $0x4F00  }
0x1c: {  	[sflag:s12] =	ssyncset.done $0x0  }
0x1d: {  	[sflag:s12] =	ssyncadd.s32 $0xFFFFB100  }
0x1e: {  	_ =	swait.ge [sflag:s13], $0x2800  }
0x1f: {  	[sflag:s13] =	ssyncset.done $0x0  }
0x20: {  	[sflag:s13] =	ssyncadd.s32 $0xFFFFD800  }
0x21: {  	_ =	swait.ge [sflag:s14], $0x2800  }
0x22: {  	[sflag:s14] =	ssyncset.done $0x0  }
0x23: {  	[sflag:s14] =	ssyncadd.s32 $0xFFFFD800  }
0x24: {  	s0 =	simm.s32 $0x0;
	[bflag:$0x0] =	sbarrier.arrive $0xFFFF  }
0x25: {  	[tilespmem:s16], [sflag:$0x1] =	stream.indirect.gather [hbm4b:s4+s15], $0x20, s0, s15, $0xb8;
	[tilespmem:$0x12E00] =	vst v63  }
0x26: {  	_ = 	snop  }
0x27: {  	[tilespmem:s17], [sflag:$0x2] =	stream.indirect.gather [hbm4b:s4+s15], $0x20, s15, s15, $0xb8;
	[tilespmem:$0x12E00] =	vst v63  }
0x28: {  	_ = 	snop  }
0x29: {  	[tilespmem:s19], [sflag:$0x3] =	stream.indirect.gather [hbm4b:s4+s15], $0x20, s18, s15, $0xb8;
	[tilespmem:$0x12E00] =	vst v63  }
0x2a: {  	_ = 	snop  }
0x2b: {  	[tilespmem:s21], [sflag:$0x4] =	stream.indirect.gather [hbm4b:s4+s15], $0x20, s20, s15, $0xb8;
	[tilespmem:$0x12E00] =	vst v63  }
0x2c: {  	_ =	swait.ge [sflag:s13], $0x1000  }
0x2d: {  	[sflag:s13] =	ssyncset.done $0x0  }
0x2e: {  	s0 =	simm.s32 $0x2800;
	[sflag:s13] =	ssyncadd.s32 $0xFFFFF000  }
0x2f: {  	[spmem:s2] =	stream.indirect.scatter.add.f32 [tilespmem:s16], [sflag:$0x5], $0x20, s0, s15, $0xb8;
	[tilespmem:$0x12E00] =	vst v63  }
0x30: {  	_ =	swait.ge [sflag:s12], $0x1000  }
0x31: {  	[sflag:s12] =	ssyncset.done $0x0  }
0x32: {  	s0 =	simm.s32 $0x200;
	[sflag:s12] =	ssyncadd.s32 $0xFFFFF000  }
0x33: {  	[tilespmem:s16], [sflag:$0x1] =	stream.indirect.gather [hbm4b:s4+s15], $0x20, s0, s15, $0xb8;
	[tilespmem:$0x12E00] =	vst v63  }
0x34: {  	_ =	swait.ge [sflag:s14], $0x1000  }
0x35: {  	[sflag:s14] =	ssyncset.done $0x0  }
0x36: {  	s0 =	simm.s32 $0x2880;
	[sflag:s14] =	ssyncadd.s32 $0xFFFFF000  }
0x37: {  	[spmem:s2] =	stream.indirect.scatter.add.f32 [tilespmem:s17], [sflag:$0x5], $0x20, s0, s15, $0xb8;
	[tilespmem:$0x12E00] =	vst v63  }
0x38: {  	_ =	swait.ge [sflag:s12], $0x1000  }
0x39: {  	[sflag:s12] =	ssyncset.done $0x0  }
0x3a: {  	s0 =	simm.s32 $0x280;
	[sflag:s12] =	ssyncadd.s32 $0xFFFFF000  }
0x3b: {  	[tilespmem:s17], [sflag:$0x2] =	stream.indirect.gather [hbm4b:s4+s15], $0x20, s0, s15, $0xb8;
	[tilespmem:$0x12E00] =	vst v63  }
0x3c: {  	_ =	swait.ge [sflag:s22], $0x1000  }
0x3d: {  	[sflag:s22] =	ssyncset.done $0x0  }
0x3e: {  	s0 =	simm.s32 $0x2900;
	[sflag:s22] =	ssyncadd.s32 $0xFFFFF000  }
0x3f: {  	[spmem:s2] =	stream.indirect.scatter.add.f32 [tilespmem:s19], [sflag:$0x5], $0x20, s0, s15, $0xb8;
	[tilespmem:$0x12E00] =	vst v63  }
0x40: {  	_ =	swait.ge [sflag:s12], $0x1000  }
0x41: {  	[sflag:s12] =	ssyncset.done $0x0  }
0x42: {  	s0 =	simm.s32 $0x300;
	[sflag:s12] =	ssyncadd.s32 $0xFFFFF000  }
0x43: {  	[tilespmem:s19], [sflag:$0x3] =	stream.indirect.gather [hbm4b:s4+s15], $0x20, s0, s15, $0xb8;
	[tilespmem:$0x12E00] =	vst v63  }
0x44: {  	_ =	swait.ge [sflag:s23], $0x1000  }
0x45: {  	[sflag:s23] =	ssyncset.done $0x0  }
0x46: {  	s0 =	simm.s32 $0x2980;
	[sflag:s23] =	ssyncadd.s32 $0xFFFFF000  }
0x47: {  	[spmem:s2] =	stream.indirect.scatter.add.f32 [tilespmem:s21], [sflag:$0x5], $0x20, s0, s15, $0xb8;
	[tilespmem:$0x12E00] =	vst v63  }
0x48: {  	_ =	swait.ge [sflag:s12], $0x1000  }
0x49: {  	[sflag:s12] =	ssyncset.done $0x0  }
0x4a: {  	s30 =	simm.s32 $0x800;
	s31 =	simm.s32 $0x380;
	[sflag:s12] =	ssyncadd.s32 $0xFFFFF000  }
.LBB2_4:
0x4b: {  	[tilespmem:s21], [sflag:$0x4] =	stream.indirect.gather [hbm4b:s4+s15], $0x20, s31, s15, $0xb8;
	[tilespmem:$0x12E00] =	vst v63  }
0x4c: {  	s0 =	smov.u32 s30  }
0x4d: {  	p0 =	sne.s32 s30, $0x9000;
	s30 =	sadd.s32 $0x800, s30;
	_ =	swait.ge [sflag:s13], $0x1000  }
0x4e: {  	s31 =	sshra.s32 s0, $0x2;
	[sflag:s13] =	ssyncset.done $0x0  }
0x4f: {  	s0 =	sadd.s32 $0x2800, s31;
	[sflag:s13] =	ssyncadd.s32 $0xFFFFF000  }
0x50: {  	[spmem:s2] =	stream.indirect.scatter.add.f32 [tilespmem:s16], [sflag:$0x5], $0x20, s0, s15, $0xb8;
	[tilespmem:$0x12E00] =	vst v63  }
0x51: {  	_ =	swait.ge [sflag:s12], $0x1000  }
0x52: {  	[sflag:s12] =	ssyncset.done $0x0  }
0x53: {  	s0 =	sadd.s32 $0x200, s31;
	[sflag:s12] =	ssyncadd.s32 $0xFFFFF000  }
0x54: {  	[tilespmem:s16], [sflag:$0x1] =	stream.indirect.gather [hbm4b:s4+s15], $0x20, s0, s15, $0xb8;
	[tilespmem:$0x12E00] =	vst v63  }
0x55: {  	_ =	swait.ge [sflag:s14], $0x1000  }
0x56: {  	[sflag:s14] =	ssyncset.done $0x0  }
0x57: {  	s0 =	sadd.s32 $0x2880, s31;
	[sflag:s14] =	ssyncadd.s32 $0xFFFFF000  }
0x58: {  	[spmem:s2] =	stream.indirect.scatter.add.f32 [tilespmem:s17], [sflag:$0x5], $0x20, s0, s15, $0xb8;
	[tilespmem:$0x12E00] =	vst v63  }
0x59: {  	_ =	swait.ge [sflag:s12], $0x1000  }
0x5a: {  	[sflag:s12] =	ssyncset.done $0x0  }
0x5b: {  	s0 =	sadd.s32 $0x280, s31;
	[sflag:s12] =	ssyncadd.s32 $0xFFFFF000  }
0x5c: {  	[tilespmem:s17], [sflag:$0x2] =	stream.indirect.gather [hbm4b:s4+s15], $0x20, s0, s15, $0xb8;
	[tilespmem:$0x12E00] =	vst v63  }
0x5d: {  	_ =	swait.ge [sflag:s22], $0x1000  }
0x5e: {  	[sflag:s22] =	ssyncset.done $0x0  }
0x5f: {  	s0 =	sadd.s32 $0x2900, s31;
	[sflag:s22] =	ssyncadd.s32 $0xFFFFF000  }
0x60: {  	[spmem:s2] =	stream.indirect.scatter.add.f32 [tilespmem:s19], [sflag:$0x5], $0x20, s0, s15, $0xb8;
	[tilespmem:$0x12E00] =	vst v63  }
0x61: {  	_ =	swait.ge [sflag:s12], $0x1000  }
0x62: {  	[sflag:s12] =	ssyncset.done $0x0  }
0x63: {  	s0 =	sadd.s32 $0x300, s31;
	[sflag:s12] =	ssyncadd.s32 $0xFFFFF000  }
0x64: {  	[tilespmem:s19], [sflag:$0x3] =	stream.indirect.gather [hbm4b:s4+s15], $0x20, s0, s15, $0xb8;
	[tilespmem:$0x12E00] =	vst v63  }
0x65: {  	_ =	swait.ge [sflag:s23], $0x1000  }
0x66: {  	[sflag:s23] =	ssyncset.done $0x0  }
.Ltmp1:
0x67: {  	s0 =	sadd.s32 $0x2980, s31;
	[sflag:s23] =	ssyncadd.s32 $0xFFFFF000;
	(pc) =	sbr.rel @p0 .LBB2_4-.Ltmp1, $4  }
0x68: {  	[spmem:s2] =	stream.indirect.scatter.add.f32 [tilespmem:s21], [sflag:$0x5], $0x20, s0, s15, $0xb8;
	[tilespmem:$0x12E00] =	vst v63  }
0x69: {  	_ =	swait.ge [sflag:s12], $0x1000  }
0x6a: {  	[sflag:s12] =	ssyncset.done $0x0  }
0x6b: {  	s31 =	sadd.s32 $0x380, s31;
	[sflag:s12] =	ssyncadd.s32 $0xFFFFF000  }
0x6c: {  	[tilespmem:s21], [sflag:$0x4] =	stream.indirect.gather [hbm4b:s4+s15], $0x20, s31, s15, $0xb8;
	[tilespmem:$0x12E00] =	vst v63  }
0x6d: {  	_ =	swait.ge [sflag:s13], $0x1000  }
0x6e: {  	[sflag:s13] =	ssyncset.done $0x0  }
0x6f: {  	[sflag:s13] =	ssyncadd.s32 $0xFFFFF000  }
0x70: {  	[spmem:s2] =	stream.indirect.scatter.add.f32 [tilespmem:s16], [sflag:$0x5], $0x20, s24, s15, $0xb8;
	[tilespmem:$0x12E00] =	vst v63  }
0x71: {  	_ =	swait.ge [sflag:s12], $0x1000  }
0x72: {  	[sflag:s12] =	ssyncset.done $0x0  }
0x73: {  	[sflag:s12] =	ssyncadd.s32 $0xFFFFF000  }
0x74: {  	_ =	swait.ge [sflag:s14], $0x1000  }
0x75: {  	[sflag:s14] =	ssyncset.done $0x0  }
0x76: {  	[sflag:s14] =	ssyncadd.s32 $0xFFFFF000  }
0x77: {  	[spmem:s2] =	stream.indirect.scatter.add.f32 [tilespmem:s17], [sflag:$0x5], $0x20, s25, s15, $0xb8;
	[tilespmem:$0x12E00] =	vst v63  }
0x78: {  	_ =	swait.ge [sflag:s12], $0x1000  }
0x79: {  	[sflag:s12] =	ssyncset.done $0x0  }
0x7a: {  	[sflag:s12] =	ssyncadd.s32 $0xFFFFF000  }
0x7b: {  	_ =	swait.ge [sflag:s22], $0x1000  }
0x7c: {  	[sflag:s22] =	ssyncset.done $0x0  }
0x7d: {  	[sflag:s22] =	ssyncadd.s32 $0xFFFFF000  }
0x7e: {  	[spmem:s2] =	stream.indirect.scatter.add.f32 [tilespmem:s19], [sflag:$0x5], $0x20, s26, s15, $0xb8;
	[tilespmem:$0x12E00] =	vst v63  }
0x7f: {  	_ =	swait.ge [sflag:s12], $0x1000  }
0x80: {  	[sflag:s12] =	ssyncset.done $0x0  }
0x81: {  	[sflag:s12] =	ssyncadd.s32 $0xFFFFF000  }
0x82: {  	_ =	swait.ge [sflag:s23], $0x1000  }
0x83: {  	[sflag:s23] =	ssyncset.done $0x0  }
0x84: {  	[sflag:s23] =	ssyncadd.s32 $0xFFFFF000  }
0x85: {  	[spmem:s2] =	stream.indirect.scatter.add.f32 [tilespmem:s21], [sflag:$0x5], $0x20, s28, s15, $0xb8;
	[tilespmem:$0x12E00] =	vst v63  }
0x86: {  	_ =	swait.ge [sflag:s12], $0x1000  }
0x87: {  	s0 =	sshll.u32 s1, $0x6;
	s29 =	sadd.s32 $0x1, s29;
	[sflag:s12] =	ssyncset.done $0x0  }
0x88: {  	s30 =	sshrl.u32 s7, $0x3;
	p0 =	sne.s32 s29, s9;
	[sflag:s12] =	ssyncadd.s32 $0xFFFFF000  }
.Ltmp2:
0x89: {  	s0 =	sor.u32 $0x1C05, s0;
	[bflag:$0x0] =	sbarrier.arrive $0xFFFF;
	(pc) =	sbr.rel @p0 .LBB2_1-.Ltmp2, $4  }
0x8a: {  	[hbm:s8], [sflag:s0] =	dma.local [spmem:s30], $0x9E0  }
0x8b: {  	_ =	swait.ge [sflag:s12], $0x9E0  }
0x8c: {  	[sflag:s12] =	ssyncset.done $0x0  }
0x8d: {  	[sflag:s12] =	ssyncadd.s32 $0xFFFFF620  }
0x8e: {  	_ =	sfence.sel $0x180000  }
0x8f: {  	[bflag:$0x0] =	sbarrier.arrive $0xFFFF  }
0x90: {  	_ =	strace $0x9000004A  }
0x91: {  	[bflag:$0x2] =	sbarrier.arrive $0xFFFF  }
0x92: {  	p0 =	sne.s32 s1, $0x0;
	s0 =	rddreg [dreg:$0x2]  }
0x93: {  	s0 =	sadd.s32 @!p0 $0x100000, s0  }
0x94: {  	[sflag:s0] =	ssyncadd.tile.s32 @!p0 $0x1;
	_ =	shalt  }
.Lfunc_end2:
_tile_overlayer_lowered:
.L_overlay_start_2:
0x95: {  	(tag) =	ssettag $0x2  }
0x96: {  	s0 =	rddreg [dreg:$0x0];
	s2 =	stileid.u32  }
0x97: {  	s1 =	rddreg [dreg:$0x1];
	p0 =	sne.s32 s2, $0x0  }
0x98: {  	s3 =	rddreg [dreg:$0x2];
	[bflag:$0x3] =	sbarrier.arrive $0xFFFF;
	s2 =	simm.s32 @!p0 $0x1C05  }
0x99: {  	[timem:s3], [sflag:s2] =	dma.local @!p0 [hbm:s0], s1  }
0x9a: {  	s0 =	simm.s32 @!p0 $0x5  }
0x9b: {  	_ =	swait.ge @!p0 [sflag:s0], s1  }
0x9c: {  	s1 =	ssub.s32 @!p0 $0x0, s1;
	[sflag:s0] =	ssyncset.done @!p0 $0x0  }
0x9d: {  	[sflag:s0] =	ssyncadd.s32 @!p0 s1  }
0x9e: {  	[bflag:$0x3] =	sbarrier.arrive $0xFFFF  }
0x9f: {  	_ =	shalt  }

// kernel: kernel.16.cloned.1.call-start
scs
__scs_entry_jumppad:
0x0: {  	(pc) =	sbr.rel $0x88, $3  }
0x1: {  	(tag) =	ssettag $0x0;
	lr =	simm.s32 $0x1  }
0x2: {  	[smem:$0x3F96] =	sst lr;
	_ =	strace $0xD0000000  }
0x3: {  	_ = 	snop  }
0x4: {  	_ = 	snop  }
0x5: {  	_ = 	snop  }
0x6: {  	_ = 	snop  }
0x7: {  	_ = 	snop  }
__scs_overlays_trampoline_lowered:
0x8: {  	[smem:$0x3FA5] =	sst s0  }
0x9: {  	[smem:$0x3FA6] =	sst s1  }
0xa: {  	[smem:$0x3FA7] =	sst s2  }
0xb: {  	[smem:$0x3FA8] =	sst s3  }
0xc: {  	[smem:$0x3FA9] =	sst s4  }
0xd: {  	[smem:$0x3FAA] =	sst s5  }
0xe: {  	[smem:$0x3FAB] =	sst s6  }
0xf: {  	[smem:$0x3FAC] =	sst s7  }
0x10: {  	[smem:$0x3FAD] =	sst s8  }
0x11: {  	[smem:$0x3FAE] =	sst s9;
	s0 =	simm.s32 @!p0 $0x0  }
0x12: {  	s1 =	sld [smem:$0x3F94];
	s0 =	simm.s32 @p0 $0x1  }
0x13: {  	[smem:$0x3FAF] =	sst s0;
	s0 =	simm.s32 @!p1 $0x0  }
0x14: {  	s2 =	sld [smem:$0x3F93];
	s0 =	simm.s32 @p1 $0x1  }
0x15: {  	[smem:$0x3FB0] =	sst s0;
	s0 =	simm.s32 @!p2 $0x0  }
0x16: {  	s3 =	sld [smem:$0x3FDB];
	s0 =	simm.s32 @p2 $0x1  }
0x17: {  	s4 =	simm.s32 $0x1BF5;
	[smem:$0x3FB2] =	sst s0  }
0x18: {  	s0 =	sld [smem:$0x3F95];
	_ =	swait.ge [sflag:s4], $0x0  }
0x19: {  	s7 =	sld [smem:$0x3F96]  }
0x1a: {  	s8 =	sadd.s32 $0xFFFFE003, lr  }
0x1b: {  	s9 =	sadd.s32 $0xFFFFFEF7, lr;
	s5 =	simm.s32 $0xFFFFFFFF;
	p2 =	slt.u32 s8, $0xFFFFF086  }
0x1c: {  	p1 =	slt.u32 s9, $0xF7A;
	s5 =	simm.s32 @!p2 $0x0  }
0x1d: {  	s5 =	simm.s32 @p1 $0x1;
	p0 =	seq.s32 s7, s2  }
0x1e: {  	s7 =	smul.u32 @!p0 $0xF7A, s2;
	p2 =	seq.s32 @!p0 s5, $0x0  }
0x1f: {  	s9 =	smul.u32 $0xF7A, s1;
	s8 =	simm.s32 @!p0 $0x1BF5;
	p2 =	por !p2, p0  }
0x20: {  	[sflag:s8] =	ssyncset.s32 @!p0 $0xFFFFF086;
	s6 =	sadd.s32 @!p0 s3, s7;
	s7 =	simm.s32 @!p0 $0x108  }
0x21: {  	s3 =	sadd.s32 s3, s9;
	s6 =	sadd.s32 @!p0 $0x88, s6;
	s7 =	simm.s32 @p2 $0x1082  }
0x22: {  	[simem:s7], [sflag:s8] =	dma.local @!p0 [hbm:s6], $0xF7A  }
0x23: {  	s9 =	sor.u32 $0xD0000000, s2;
	s6 =	simm.s32 $0x108;
	_ =	swait.ge @!p0 [sflag:s8], $0x0  }
0x24: {  	s3 =	sadd.s32 $0x88, s3;
	s6 =	simm.s32 @!p1 $0x1082;
	[sflag:s4] =	ssyncset.s32 $0xFFFFF086  }
0x25: {  	[simem:s6], [sflag:s4] =	dma.local [hbm:s3], $0xF7A  }
0x26: {  	[smem:$0x3F96] =	sst s1;
	(tag) =	ssettag s2;
	_ =	strace s9  }
0x27: {  	s1 =	sld [smem:$0x3FA6]  }
0x28: {  	s2 =	sld [smem:$0x3FA7]  }
0x29: {  	s4 =	sld [smem:$0x3FA9]  }
0x2a: {  	p0 =	seq.s32 s5, $0x0;
	s5 =	sld [smem:$0x3FAA]  }
0x2b: {  	s6 =	sld [smem:$0x3FAB]  }
0x2c: {  	s7 =	sld [smem:$0x3FAC]  }
0x2d: {  	s3 =	simm.s32 $0x108;
	s8 =	sld [smem:$0x3FAD]  }
0x2e: {  	s3 =	simm.s32 @!p0 $0x1082;
	s9 =	sld [smem:$0x3FAE]  }
0x2f: {  	lr =	sadd.s32 s0, s3;
	s0 =	sld [smem:$0x3FA5]  }
0x30: {  	s3 =	sld [smem:$0x3FA8]  }
0x31: {  	[smem:$0x3FB1] =	sst s10  }
0x32: {  	s10 =	sld [smem:$0x3FAF];
	_ =	sdelay $0x3  }
0x33: {  	p0 =	seq.s32 s10, $0x1;
	s10 =	sld [smem:$0x3FB1];
	_ =	sdelay $0x3  }
0x34: {  	[smem:$0x3FB1] =	sst s10  }
0x35: {  	s10 =	sld [smem:$0x3FB0];
	_ =	sdelay $0x3  }
0x36: {  	p1 =	seq.s32 s10, $0x1;
	s10 =	sld [smem:$0x3FB1];
	_ =	sdelay $0x3  }
0x37: {  	[smem:$0x3FB1] =	sst s10  }
0x38: {  	s10 =	sld [smem:$0x3FB2]  }
0x39: {  	_ = 	snop;
	(pc) =	sbr.ind lr, $3  }
0x3a: {  	_ = 	snop  }
0x3b: {  	_ = 	snop  }
0x3c: {  	p2 =	seq.s32 s10, $0x1;
	s10 =	sld [smem:$0x3FB1]  }
0x3d: {  	_ =	shalt  }
0x3e: {  	_ =	shalt  }
0x3f: {  	_ =	shalt  }
0x40: {  	_ =	shalt  }
0x41: {  	_ =	shalt  }
0x42: {  	_ =	shalt  }
0x43: {  	_ =	shalt  }
0x44: {  	_ =	shalt  }
0x45: {  	_ =	shalt  }
0x46: {  	_ =	shalt  }
0x47: {  	_ =	shalt  }
0x48: {  	_ =	shalt  }
0x49: {  	_ =	shalt  }
0x4a: {  	_ =	shalt  }
0x4b: {  	_ =	shalt  }
0x4c: {  	_ =	shalt  }
0x4d: {  	_ =	shalt  }
0x4e: {  	_ =	shalt  }
0x4f: {  	_ =	shalt  }
0x50: {  	_ =	shalt  }
0x51: {  	_ =	shalt  }
0x52: {  	_ =	shalt  }
0x53: {  	_ =	shalt  }
0x54: {  	_ =	shalt  }
0x55: {  	_ =	shalt  }
0x56: {  	_ =	shalt  }
0x57: {  	_ =	shalt  }
0x58: {  	_ =	shalt  }
0x59: {  	_ =	shalt  }
0x5a: {  	_ =	shalt  }
0x5b: {  	_ =	shalt  }
0x5c: {  	_ =	shalt  }
0x5d: {  	_ =	shalt  }
0x5e: {  	_ =	shalt  }
0x5f: {  	_ =	shalt  }
0x60: {  	_ =	shalt  }
0x61: {  	_ =	shalt  }
0x62: {  	_ =	shalt  }
0x63: {  	_ =	shalt  }
0x64: {  	_ =	shalt  }
0x65: {  	_ =	shalt  }
0x66: {  	_ =	shalt  }
0x67: {  	_ =	shalt  }
0x68: {  	_ =	shalt  }
0x69: {  	_ =	shalt  }
0x6a: {  	_ =	shalt  }
0x6b: {  	_ =	shalt  }
0x6c: {  	_ =	shalt  }
0x6d: {  	_ =	shalt  }
0x6e: {  	_ =	shalt  }
0x6f: {  	_ =	shalt  }
0x70: {  	_ =	shalt  }
0x71: {  	_ =	shalt  }
0x72: {  	_ =	shalt  }
0x73: {  	_ =	shalt  }
0x74: {  	_ =	shalt  }
0x75: {  	_ =	shalt  }
0x76: {  	_ =	shalt  }
0x77: {  	_ =	shalt  }
0x78: {  	_ =	shalt  }
0x79: {  	_ =	shalt  }
0x7a: {  	_ =	shalt  }
0x7b: {  	_ =	shalt  }
0x7c: {  	_ =	shalt  }
0x7d: {  	_ =	shalt  }
0x7e: {  	_ =	shalt  }
0x7f: {  	_ =	shalt  }
0x80: {  	_ =	shalt  }
0x81: {  	_ =	shalt  }
0x82: {  	_ =	shalt  }
0x83: {  	_ =	shalt  }
0x84: {  	_ =	shalt  }
0x85: {  	_ =	shalt  }
0x86: {  	_ =	shalt  }
0x87: {  	_ =	shalt  }
.Lfunc_end0:
.L_simem_size_0:
called_computation.2_lowered:
.L_overlay_start_0:
0x88: {  	s2 =	sld [smem:$0x3FD9]  }
0x89: {  	s3 =	sld [smem:$0x3FFE];
	_ =	sdelay $0x1  }
0x8a: {  	s1 =	srdreg.scid  }
0x8b: {  	s0 =	sand.u32 $0x1, s1  }
0x8c: {  	s16 =	sshll.u32 s0, $0xA;
	s2 =	sadd.s32 s3, s2  }
0x8d: {  	s2 =	sadd.s32 s2, s16  }
0x8e: {  	[smem:$0x3FBD] =	sst s2  }
0x8f: {  	_ = 	snop  }
0x90: {  	(tm) =	ssettm $0x1  }
0x91: {  	s17 =	sld [smem:$0x3FFB];
	_ =	sdelay $0x3  }
0x92: {  	_ =	strace s17  }
0x93: {  	s2 =	sld [smem:$0x3FFC];
	_ =	sdelay $0x3  }
0x94: {  	_ =	strace s2  }
0x95: {  	s2 =	sld [smem:$0x3FFD];
	_ =	sdelay $0x3  }
0x96: {  	_ =	strace s2  }
0x97: {  	_ =	strace $0x8FFFFFFF  }
0x98: {  	s18 =	sld [smem:$0x3FDB];
	_ =	sdelay $0x1  }
0x99: {  	s19 =	simm.s32 $_scs_section_size  }
0x9a: {  	s4 =	simm.s32 $_size__tile_overlayer_lowered;
	s5 =	simm.s32 $_tile_overlayer_lowered  }
0x9b: {  	s22 =	simm.s32 $0x1BFF;
	s21 =	sshll.u32 s5, $0x1;
	s2 =	sadd.s32 s19, s18  }
0x9c: {  	s6 =	simm.s32 $0x0;
	s20 =	sshll.u32 s4, $0x1;
	s4 =	sadd.s32 s21, s2  }
0x9d: {  	[timem:s6], [sflag:s22] =	dma.local [hbm:s4], s20  }
0x9e: {  	_ =	swait.ge [sflag:s22], s20  }
0x9f: {  	s3 =	ssub.s32 $0x0, s20;
	[sflag:s22] =	ssyncset.done $0x0  }
0xa0: {  	[sflag:s22] =	ssyncadd.s32 s3;
	_ =	sdelay $0x1  }
0xa1: {  	s23 =	simm.s32 $0x1B8B  }
0xa2: {  	_ =	swait.ge [sflag:s23], $0x1  }
0xa3: {  	[sflag:s23] =	ssyncset.done $0x0  }
0xa4: {  	s25 =	simm.s32 $0x1B8E;
	s24 =	sld [smem:$0x3FFE];
	[sflag:s23] =	ssyncadd.s32 $0xFFFFFFFF  }
0xa5: {  	s26 =	simm.s32 $execute0_lowered;
	[smem:$0x3FD2] =	sst s25  }
0xa6: {  	s4 =	sshll.u32 s26, $0x1;
	_ =	strace $0x8000004C;
	[dreg:$0x1] =	wrdreg $0xFFFFFFFF  }
0xa7: {  	s28 =	simm.s32 $_size_execute0_lowered;
	s2 =	sadd.s32 s2, s4;
	[dreg:$0x0] =	wrdreg $0x0  }
0xa8: {  	s4 =	sshll.u32 s28, $0x1;
	[dreg:$0x2] =	wrdreg s2  }
0xa9: {  	[dreg:$0x3] =	wrdreg s4  }
0xaa: {  	[dreg:$0x4] =	wrdreg $0xC0  }
0xab: {  	_ =	task [dreg:s6], $0x5FFFF  }
0xac: {  	[dreg:$0x1] =	wrdreg $0xFFFFFFFF  }
0xad: {  	[dreg:$0x0] =	wrdreg $0x60  }
0xae: {  	[dreg:$0x2] =	wrdreg s24  }
0xaf: {  	[dreg:$0x3] =	wrdreg $0xDF000  }
0xb0: {  	[dreg:$0x4] =	wrdreg $0x9  }
0xb1: {  	_ =	task.clear_ibuf [dreg:s6], $0x5FFFF;
	_ =	strace $0x9000004C  }
0xb2: {  	s29 =	simm.s32 $0x9;
	_ =	strace $0x8000004E  }
0xb3: {  	_ =	swait.ge [sflag:s29], $0x1  }
0xb4: {  	[sflag:s29] =	ssyncadd.s32 $0xFFFFFFFF  }
0xb5: {  	_ =	strace $0x9000004E  }
0xb6: {  	_ =	sfence  }
0xb7: {  	s30 =	sld [smem:$0x0];
	_ =	sdelay $0x2  }
0xb8: {  	s31 =	sshll.u32 s1, $0xD;
	s1 =	sshrl.u32 s1, $0x2  }
0xb9: {  	s3 =	sand.u32 $0x4000, s31;
	s1 =	sadd.s32 s1, s30  }
0xba: {  	s0 =	sor.u32 s3, s0;
	s1 =	sshll.u32 s1, $0x11  }
0xbb: {  	s0 =	sor.u32 s1, s0  }
0xbc: {  	s0 =	sadd.s32 $0x8F2B, s0  }
0xbd: {  	[sflag:s0] =	ssyncadd.remote.s32 $0x1  }
0xbe: {  	_ =	sfence.sel $0xFFFF  }
0xbf: {  	[dreg:$0x0] =	wrdreg $0xFFFFFFFF;
	(pc) =	sbr.abs _section_cstart, $3  }
0xc0: {  	[dreg:$0x1] =	wrdreg $0xFFFFFFFF  }
0xc1: {  	_ =	task.clear_ibuf [dreg:s6], $0x2FFFF;
	_ =	strace $0x9FFFFFFF  }
0xc2: {  	(tm) =	ssettm $0x7FFFFFFF  }
0xc3: {  	_ =	shalt  }
tec
execute0_lowered:
.L_overlay_start_1:
0x0: {  	(tag) =	ssettag $0x1  }
0x1: {  	s5 =	rddreg [dreg:$0x0]  }
0x2: {  	s2 =	rddreg [dreg:$0x1];
	s4 =	srdreg.scid  }
0x3: {  	s1 =	stileid.u32;
	s3 =	simm.s32 $0x0;
	s11 =	simm.s32 $0x9000  }
0x4: {  	s12 =	simm.s32 $0x5;
	s13 =	simm.s32 $0x1;
	s14 =	simm.s32 $0x2  }
0x5: {  	s15 =	simm.s32 $0x80;
	s16 =	simm.s32 $0x5000;
	s17 =	simm.s32 $0x6000  }
0x6: {  	s18 =	simm.s32 $0x100;
	s19 =	simm.s32 $0x7000;
	s20 =	simm.s32 $0x180  }
0x7: {  	s21 =	simm.s32 $0x8000;
	s22 =	simm.s32 $0x3;
	s23 =	simm.s32 $0x4  }
0x8: {  	s24 =	simm.s32 $0x4E00;
	s25 =	simm.s32 $0x4E80;
	s26 =	simm.s32 $0x4F00  }
0x9: {  	s28 =	simm.s32 $0x4F80;
	s29 =	simm.s32 $0x0;
	s4 =	sand.u32 $0x1, s4  }
0xa: {  	s7 =	smul.u32 $0x4F00, s1;
	[smem:$0x7FF] =	sst s3;
	s6 =	sshll.u32 s1, $0x1  }
0xb: {  	s8 =	smul.u32 $0x4F000, s4;
	_ =	strace $0x8000004D;
	s9 =	ssub.s32 $0x2, s4  }
0xc: {  	s6 =	sor.u32 s4, s6;
	s4 =	sadd.s32 $0xC600, s5;
	s10 =	sshrl.u32 s9, $0x1  }
0xd: {  	s6 =	smul.u32 $0x500, s6;
	s8 =	sadd.s32 s7, s8;
	s9 =	ssub.s32 s9, s10  }
0xe: {  	s7 =	sadd.s32 s7, s2;
	s10 =	simm.s32 $0x2800;
	s8 =	sshrl.u32 s8, $0x3  }
0xf: {  	s6 =	sadd.s32 s6, s5;
	s9 =	smax.u32 s9, $0x1;
	s8 =	sadd.s32 s8, s5  }
0x10: {  	v0 =	vimm.f32 $0.0e+00;
	s5 =	sadd.s32 $0x16400, s6;
	s6 =	sadd.s32 $0x2600, s6;
	s8 =	sadd.s32 $0x20400, s8  }
.LBB2_1:
0x11: {  	[tilespmem:s3], [sflag:$0x1] =	stream.linear.gather [hbm4b:s5+s3], $0x2800, $0x38;
	[tilespmem:$0x12E00] =	vst v63  }
0x12: {  	s30 =	simm.s32 $0x80;
	s31 =	simm.s32 $0x0  }
0x13: {  	[tilespmem:s10], [sflag:$0x2] =	stream.linear.gather [hbm4b:s6+s3], $0x2800, $0x38;
	[tilespmem:$0x12E00] =	vst v63  }
.LBB2_2:
0x14: {  	p0 =	sne.s32 s30, $0x13B80;
	[tilespmem:s31+$0x9000] =	vst v0;
	s0 =	smov.u32 s30;
	s30 =	sadd.s32 $0x80, s30  }
.Ltmp0:
0x15: {  	[tilespmem:s31+$0x9010] =	vst v0;
	(pc) =	sbr.rel @p0 .LBB2_2-.Ltmp0, $2  }
0x16: {  	_ =	sdelay $0x2  }
0x17: {  	s31 =	sshra.s32 s0, $0x2  }
0x18: {  	[tilespmem:s31+$0x9000] =	vst v0  }
0x19: {  	[tilespmem:s31+$0x9010] =	vst v0  }
0x1a: {  	[spmem:s7] =	stream.linear.scatter [tilespmem:s11], [sflag:$0x5], $0x4F00, $0x38;
	[tilespmem:$0x12E00] =	vst v63  }
0x1b: {  	_ =	swait.ge [sflag:s12], $0x4F00  }
0x1c: {  	[sflag:s12] =	ssyncset.done $0x0  }
0x1d: {  	[sflag:s12] =	ssyncadd.s32 $0xFFFFB100  }
0x1e: {  	_ =	swait.ge [sflag:s13], $0x2800  }
0x1f: {  	[sflag:s13] =	ssyncset.done $0x0  }
0x20: {  	[sflag:s13] =	ssyncadd.s32 $0xFFFFD800  }
0x21: {  	_ =	swait.ge [sflag:s14], $0x2800  }
0x22: {  	[sflag:s14] =	ssyncset.done $0x0  }
0x23: {  	[sflag:s14] =	ssyncadd.s32 $0xFFFFD800  }
0x24: {  	s0 =	simm.s32 $0x0;
	[bflag:$0x0] =	sbarrier.arrive $0xFFFF  }
0x25: {  	[tilespmem:s16], [sflag:$0x1] =	stream.indirect.gather [hbm4b:s4+s15], $0x20, s0, s15, $0xb8;
	[tilespmem:$0x12E00] =	vst v63  }
0x26: {  	_ = 	snop  }
0x27: {  	[tilespmem:s17], [sflag:$0x2] =	stream.indirect.gather [hbm4b:s4+s15], $0x20, s15, s15, $0xb8;
	[tilespmem:$0x12E00] =	vst v63  }
0x28: {  	_ = 	snop  }
0x29: {  	[tilespmem:s19], [sflag:$0x3] =	stream.indirect.gather [hbm4b:s4+s15], $0x20, s18, s15, $0xb8;
	[tilespmem:$0x12E00] =	vst v63  }
0x2a: {  	_ = 	snop  }
0x2b: {  	[tilespmem:s21], [sflag:$0x4] =	stream.indirect.gather [hbm4b:s4+s15], $0x20, s20, s15, $0xb8;
	[tilespmem:$0x12E00] =	vst v63  }
0x2c: {  	_ =	swait.ge [sflag:s13], $0x1000  }
0x2d: {  	[sflag:s13] =	ssyncset.done $0x0  }
0x2e: {  	s0 =	simm.s32 $0x2800;
	[sflag:s13] =	ssyncadd.s32 $0xFFFFF000  }
0x2f: {  	[spmem:s2] =	stream.indirect.scatter.add.f32 [tilespmem:s16], [sflag:$0x5], $0x20, s0, s15, $0xb8;
	[tilespmem:$0x12E00] =	vst v63  }
0x30: {  	_ =	swait.ge [sflag:s12], $0x1000  }
0x31: {  	[sflag:s12] =	ssyncset.done $0x0  }
0x32: {  	s0 =	simm.s32 $0x200;
	[sflag:s12] =	ssyncadd.s32 $0xFFFFF000  }
0x33: {  	[tilespmem:s16], [sflag:$0x1] =	stream.indirect.gather [hbm4b:s4+s15], $0x20, s0, s15, $0xb8;
	[tilespmem:$0x12E00] =	vst v63  }
0x34: {  	_ =	swait.ge [sflag:s14], $0x1000  }
0x35: {  	[sflag:s14] =	ssyncset.done $0x0  }
0x36: {  	s0 =	simm.s32 $0x2880;
	[sflag:s14] =	ssyncadd.s32 $0xFFFFF000  }
0x37: {  	[spmem:s2] =	stream.indirect.scatter.add.f32 [tilespmem:s17], [sflag:$0x5], $0x20, s0, s15, $0xb8;
	[tilespmem:$0x12E00] =	vst v63  }
0x38: {  	_ =	swait.ge [sflag:s12], $0x1000  }
0x39: {  	[sflag:s12] =	ssyncset.done $0x0  }
0x3a: {  	s0 =	simm.s32 $0x280;
	[sflag:s12] =	ssyncadd.s32 $0xFFFFF000  }
0x3b: {  	[tilespmem:s17], [sflag:$0x2] =	stream.indirect.gather [hbm4b:s4+s15], $0x20, s0, s15, $0xb8;
	[tilespmem:$0x12E00] =	vst v63  }
0x3c: {  	_ =	swait.ge [sflag:s22], $0x1000  }
0x3d: {  	[sflag:s22] =	ssyncset.done $0x0  }
0x3e: {  	s0 =	simm.s32 $0x2900;
	[sflag:s22] =	ssyncadd.s32 $0xFFFFF000  }
0x3f: {  	[spmem:s2] =	stream.indirect.scatter.add.f32 [tilespmem:s19], [sflag:$0x5], $0x20, s0, s15, $0xb8;
	[tilespmem:$0x12E00] =	vst v63  }
0x40: {  	_ =	swait.ge [sflag:s12], $0x1000  }
0x41: {  	[sflag:s12] =	ssyncset.done $0x0  }
0x42: {  	s0 =	simm.s32 $0x300;
	[sflag:s12] =	ssyncadd.s32 $0xFFFFF000  }
0x43: {  	[tilespmem:s19], [sflag:$0x3] =	stream.indirect.gather [hbm4b:s4+s15], $0x20, s0, s15, $0xb8;
	[tilespmem:$0x12E00] =	vst v63  }
0x44: {  	_ =	swait.ge [sflag:s23], $0x1000  }
0x45: {  	[sflag:s23] =	ssyncset.done $0x0  }
0x46: {  	s0 =	simm.s32 $0x2980;
	[sflag:s23] =	ssyncadd.s32 $0xFFFFF000  }
0x47: {  	[spmem:s2] =	stream.indirect.scatter.add.f32 [tilespmem:s21], [sflag:$0x5], $0x20, s0, s15, $0xb8;
	[tilespmem:$0x12E00] =	vst v63  }
0x48: {  	_ =	swait.ge [sflag:s12], $0x1000  }
0x49: {  	[sflag:s12] =	ssyncset.done $0x0  }
0x4a: {  	s30 =	simm.s32 $0x800;
	s31 =	simm.s32 $0x380;
	[sflag:s12] =	ssyncadd.s32 $0xFFFFF000  }
.LBB2_4:
0x4b: {  	[tilespmem:s21], [sflag:$0x4] =	stream.indirect.gather [hbm4b:s4+s15], $0x20, s31, s15, $0xb8;
	[tilespmem:$0x12E00] =	vst v63  }
0x4c: {  	s0 =	smov.u32 s30  }
0x4d: {  	p0 =	sne.s32 s30, $0x9000;
	s30 =	sadd.s32 $0x800, s30;
	_ =	swait.ge [sflag:s13], $0x1000  }
0x4e: {  	s31 =	sshra.s32 s0, $0x2;
	[sflag:s13] =	ssyncset.done $0x0  }
0x4f: {  	s0 =	sadd.s32 $0x2800, s31;
	[sflag:s13] =	ssyncadd.s32 $0xFFFFF000  }
0x50: {  	[spmem:s2] =	stream.indirect.scatter.add.f32 [tilespmem:s16], [sflag:$0x5], $0x20, s0, s15, $0xb8;
	[tilespmem:$0x12E00] =	vst v63  }
0x51: {  	_ =	swait.ge [sflag:s12], $0x1000  }
0x52: {  	[sflag:s12] =	ssyncset.done $0x0  }
0x53: {  	s0 =	sadd.s32 $0x200, s31;
	[sflag:s12] =	ssyncadd.s32 $0xFFFFF000  }
0x54: {  	[tilespmem:s16], [sflag:$0x1] =	stream.indirect.gather [hbm4b:s4+s15], $0x20, s0, s15, $0xb8;
	[tilespmem:$0x12E00] =	vst v63  }
0x55: {  	_ =	swait.ge [sflag:s14], $0x1000  }
0x56: {  	[sflag:s14] =	ssyncset.done $0x0  }
0x57: {  	s0 =	sadd.s32 $0x2880, s31;
	[sflag:s14] =	ssyncadd.s32 $0xFFFFF000  }
0x58: {  	[spmem:s2] =	stream.indirect.scatter.add.f32 [tilespmem:s17], [sflag:$0x5], $0x20, s0, s15, $0xb8;
	[tilespmem:$0x12E00] =	vst v63  }
0x59: {  	_ =	swait.ge [sflag:s12], $0x1000  }
0x5a: {  	[sflag:s12] =	ssyncset.done $0x0  }
0x5b: {  	s0 =	sadd.s32 $0x280, s31;
	[sflag:s12] =	ssyncadd.s32 $0xFFFFF000  }
0x5c: {  	[tilespmem:s17], [sflag:$0x2] =	stream.indirect.gather [hbm4b:s4+s15], $0x20, s0, s15, $0xb8;
	[tilespmem:$0x12E00] =	vst v63  }
0x5d: {  	_ =	swait.ge [sflag:s22], $0x1000  }
0x5e: {  	[sflag:s22] =	ssyncset.done $0x0  }
0x5f: {  	s0 =	sadd.s32 $0x2900, s31;
	[sflag:s22] =	ssyncadd.s32 $0xFFFFF000  }
0x60: {  	[spmem:s2] =	stream.indirect.scatter.add.f32 [tilespmem:s19], [sflag:$0x5], $0x20, s0, s15, $0xb8;
	[tilespmem:$0x12E00] =	vst v63  }
0x61: {  	_ =	swait.ge [sflag:s12], $0x1000  }
0x62: {  	[sflag:s12] =	ssyncset.done $0x0  }
0x63: {  	s0 =	sadd.s32 $0x300, s31;
	[sflag:s12] =	ssyncadd.s32 $0xFFFFF000  }
0x64: {  	[tilespmem:s19], [sflag:$0x3] =	stream.indirect.gather [hbm4b:s4+s15], $0x20, s0, s15, $0xb8;
	[tilespmem:$0x12E00] =	vst v63  }
0x65: {  	_ =	swait.ge [sflag:s23], $0x1000  }
0x66: {  	[sflag:s23] =	ssyncset.done $0x0  }
.Ltmp1:
0x67: {  	s0 =	sadd.s32 $0x2980, s31;
	[sflag:s23] =	ssyncadd.s32 $0xFFFFF000;
	(pc) =	sbr.rel @p0 .LBB2_4-.Ltmp1, $4  }
0x68: {  	[spmem:s2] =	stream.indirect.scatter.add.f32 [tilespmem:s21], [sflag:$0x5], $0x20, s0, s15, $0xb8;
	[tilespmem:$0x12E00] =	vst v63  }
0x69: {  	_ =	swait.ge [sflag:s12], $0x1000  }
0x6a: {  	[sflag:s12] =	ssyncset.done $0x0  }
0x6b: {  	s31 =	sadd.s32 $0x380, s31;
	[sflag:s12] =	ssyncadd.s32 $0xFFFFF000  }
0x6c: {  	[tilespmem:s21], [sflag:$0x4] =	stream.indirect.gather [hbm4b:s4+s15], $0x20, s31, s15, $0xb8;
	[tilespmem:$0x12E00] =	vst v63  }
0x6d: {  	_ =	swait.ge [sflag:s13], $0x1000  }
0x6e: {  	[sflag:s13] =	ssyncset.done $0x0  }
0x6f: {  	[sflag:s13] =	ssyncadd.s32 $0xFFFFF000  }
0x70: {  	[spmem:s2] =	stream.indirect.scatter.add.f32 [tilespmem:s16], [sflag:$0x5], $0x20, s24, s15, $0xb8;
	[tilespmem:$0x12E00] =	vst v63  }
0x71: {  	_ =	swait.ge [sflag:s12], $0x1000  }
0x72: {  	[sflag:s12] =	ssyncset.done $0x0  }
0x73: {  	[sflag:s12] =	ssyncadd.s32 $0xFFFFF000  }
0x74: {  	_ =	swait.ge [sflag:s14], $0x1000  }
0x75: {  	[sflag:s14] =	ssyncset.done $0x0  }
0x76: {  	[sflag:s14] =	ssyncadd.s32 $0xFFFFF000  }
0x77: {  	[spmem:s2] =	stream.indirect.scatter.add.f32 [tilespmem:s17], [sflag:$0x5], $0x20, s25, s15, $0xb8;
	[tilespmem:$0x12E00] =	vst v63  }
0x78: {  	_ =	swait.ge [sflag:s12], $0x1000  }
0x79: {  	[sflag:s12] =	ssyncset.done $0x0  }
0x7a: {  	[sflag:s12] =	ssyncadd.s32 $0xFFFFF000  }
0x7b: {  	_ =	swait.ge [sflag:s22], $0x1000  }
0x7c: {  	[sflag:s22] =	ssyncset.done $0x0  }
0x7d: {  	[sflag:s22] =	ssyncadd.s32 $0xFFFFF000  }
0x7e: {  	[spmem:s2] =	stream.indirect.scatter.add.f32 [tilespmem:s19], [sflag:$0x5], $0x20, s26, s15, $0xb8;
	[tilespmem:$0x12E00] =	vst v63  }
0x7f: {  	_ =	swait.ge [sflag:s12], $0x1000  }
0x80: {  	[sflag:s12] =	ssyncset.done $0x0  }
0x81: {  	[sflag:s12] =	ssyncadd.s32 $0xFFFFF000  }
0x82: {  	_ =	swait.ge [sflag:s23], $0x1000  }
0x83: {  	[sflag:s23] =	ssyncset.done $0x0  }
0x84: {  	[sflag:s23] =	ssyncadd.s32 $0xFFFFF000  }
0x85: {  	[spmem:s2] =	stream.indirect.scatter.add.f32 [tilespmem:s21], [sflag:$0x5], $0x20, s28, s15, $0xb8;
	[tilespmem:$0x12E00] =	vst v63  }
0x86: {  	_ =	swait.ge [sflag:s12], $0x1000  }
0x87: {  	s0 =	sshll.u32 s1, $0x6;
	s29 =	sadd.s32 $0x1, s29;
	[sflag:s12] =	ssyncset.done $0x0  }
0x88: {  	s30 =	sshrl.u32 s7, $0x3;
	p0 =	sne.s32 s29, s9;
	[sflag:s12] =	ssyncadd.s32 $0xFFFFF000  }
.Ltmp2:
0x89: {  	s0 =	sor.u32 $0x1C05, s0;
	[bflag:$0x0] =	sbarrier.arrive $0xFFFF;
	(pc) =	sbr.rel @p0 .LBB2_1-.Ltmp2, $4  }
0x8a: {  	[hbm:s8], [sflag:s0] =	dma.local [spmem:s30], $0x9E0  }
0x8b: {  	_ =	swait.ge [sflag:s12], $0x9E0  }
0x8c: {  	[sflag:s12] =	ssyncset.done $0x0  }
0x8d: {  	[sflag:s12] =	ssyncadd.s32 $0xFFFFF620  }
0x8e: {  	_ =	sfence.sel $0x180000  }
0x8f: {  	[bflag:$0x0] =	sbarrier.arrive $0xFFFF  }
0x90: {  	_ =	strace $0x9000004D  }
0x91: {  	[bflag:$0x2] =	sbarrier.arrive $0xFFFF  }
0x92: {  	p0 =	sne.s32 s1, $0x0;
	s0 =	rddreg [dreg:$0x2]  }
0x93: {  	s0 =	sadd.s32 @!p0 $0x100000, s0  }
0x94: {  	[sflag:s0] =	ssyncadd.tile.s32 @!p0 $0x1;
	_ =	shalt  }
.Lfunc_end2:
_tile_overlayer_lowered:
.L_overlay_start_2:
0x95: {  	(tag) =	ssettag $0x2  }
0x96: {  	s0 =	rddreg [dreg:$0x0];
	s2 =	stileid.u32  }
0x97: {  	s1 =	rddreg [dreg:$0x1];
	p0 =	sne.s32 s2, $0x0  }
0x98: {  	s3 =	rddreg [dreg:$0x2];
	[bflag:$0x3] =	sbarrier.arrive $0xFFFF;
	s2 =	simm.s32 @!p0 $0x1C05  }
0x99: {  	[timem:s3], [sflag:s2] =	dma.local @!p0 [hbm:s0], s1  }
0x9a: {  	s0 =	simm.s32 @!p0 $0x5  }
0x9b: {  	_ =	swait.ge @!p0 [sflag:s0], s1  }
0x9c: {  	s1 =	ssub.s32 @!p0 $0x0, s1;
	[sflag:s0] =	ssyncset.done @!p0 $0x0  }
0x9d: {  	[sflag:s0] =	ssyncadd.s32 @!p0 s1  }
0x9e: {  	[bflag:$0x3] =	sbarrier.arrive $0xFFFF  }
0x9f: {  	_ =	shalt  }

// kernel: kernel.19.cloned.1.call-start
scs
__scs_entry_jumppad:
0x0: {  	(pc) =	sbr.rel $0x88, $3  }
0x1: {  	(tag) =	ssettag $0x0;
	lr =	simm.s32 $0x1  }
0x2: {  	[smem:$0x3F96] =	sst lr;
	_ =	strace $0xD0000000  }
0x3: {  	_ = 	snop  }
0x4: {  	_ = 	snop  }
0x5: {  	_ = 	snop  }
0x6: {  	_ = 	snop  }
0x7: {  	_ = 	snop  }
__scs_overlays_trampoline_lowered:
0x8: {  	[smem:$0x3FA5] =	sst s0  }
0x9: {  	[smem:$0x3FA6] =	sst s1  }
0xa: {  	[smem:$0x3FA7] =	sst s2  }
0xb: {  	[smem:$0x3FA8] =	sst s3  }
0xc: {  	[smem:$0x3FA9] =	sst s4  }
0xd: {  	[smem:$0x3FAA] =	sst s5  }
0xe: {  	[smem:$0x3FAB] =	sst s6  }
0xf: {  	[smem:$0x3FAC] =	sst s7  }
0x10: {  	[smem:$0x3FAD] =	sst s8  }
0x11: {  	[smem:$0x3FAE] =	sst s9;
	s0 =	simm.s32 @!p0 $0x0  }
0x12: {  	s1 =	sld [smem:$0x3F94];
	s0 =	simm.s32 @p0 $0x1  }
0x13: {  	[smem:$0x3FAF] =	sst s0;
	s0 =	simm.s32 @!p1 $0x0  }
0x14: {  	s2 =	sld [smem:$0x3F93];
	s0 =	simm.s32 @p1 $0x1  }
0x15: {  	[smem:$0x3FB0] =	sst s0;
	s0 =	simm.s32 @!p2 $0x0  }
0x16: {  	s3 =	sld [smem:$0x3FDB];
	s0 =	simm.s32 @p2 $0x1  }
0x17: {  	s4 =	simm.s32 $0x1BF5;
	[smem:$0x3FB2] =	sst s0  }
0x18: {  	s0 =	sld [smem:$0x3F95];
	_ =	swait.ge [sflag:s4], $0x0  }
0x19: {  	s7 =	sld [smem:$0x3F96]  }
0x1a: {  	s8 =	sadd.s32 $0xFFFFE003, lr  }
0x1b: {  	s9 =	sadd.s32 $0xFFFFFEF7, lr;
	s5 =	simm.s32 $0xFFFFFFFF;
	p2 =	slt.u32 s8, $0xFFFFF086  }
0x1c: {  	p1 =	slt.u32 s9, $0xF7A;
	s5 =	simm.s32 @!p2 $0x0  }
0x1d: {  	s5 =	simm.s32 @p1 $0x1;
	p0 =	seq.s32 s7, s2  }
0x1e: {  	s7 =	smul.u32 @!p0 $0xF7A, s2;
	p2 =	seq.s32 @!p0 s5, $0x0  }
0x1f: {  	s9 =	smul.u32 $0xF7A, s1;
	s8 =	simm.s32 @!p0 $0x1BF5;
	p2 =	por !p2, p0  }
0x20: {  	[sflag:s8] =	ssyncset.s32 @!p0 $0xFFFFF086;
	s6 =	sadd.s32 @!p0 s3, s7;
	s7 =	simm.s32 @!p0 $0x108  }
0x21: {  	s3 =	sadd.s32 s3, s9;
	s6 =	sadd.s32 @!p0 $0x88, s6;
	s7 =	simm.s32 @p2 $0x1082  }
0x22: {  	[simem:s7], [sflag:s8] =	dma.local @!p0 [hbm:s6], $0xF7A  }
0x23: {  	s9 =	sor.u32 $0xD0000000, s2;
	s6 =	simm.s32 $0x108;
	_ =	swait.ge @!p0 [sflag:s8], $0x0  }
0x24: {  	s3 =	sadd.s32 $0x88, s3;
	s6 =	simm.s32 @!p1 $0x1082;
	[sflag:s4] =	ssyncset.s32 $0xFFFFF086  }
0x25: {  	[simem:s6], [sflag:s4] =	dma.local [hbm:s3], $0xF7A  }
0x26: {  	[smem:$0x3F96] =	sst s1;
	(tag) =	ssettag s2;
	_ =	strace s9  }
0x27: {  	s1 =	sld [smem:$0x3FA6]  }
0x28: {  	s2 =	sld [smem:$0x3FA7]  }
0x29: {  	s4 =	sld [smem:$0x3FA9]  }
0x2a: {  	p0 =	seq.s32 s5, $0x0;
	s5 =	sld [smem:$0x3FAA]  }
0x2b: {  	s6 =	sld [smem:$0x3FAB]  }
0x2c: {  	s7 =	sld [smem:$0x3FAC]  }
0x2d: {  	s3 =	simm.s32 $0x108;
	s8 =	sld [smem:$0x3FAD]  }
0x2e: {  	s3 =	simm.s32 @!p0 $0x1082;
	s9 =	sld [smem:$0x3FAE]  }
0x2f: {  	lr =	sadd.s32 s0, s3;
	s0 =	sld [smem:$0x3FA5]  }
0x30: {  	s3 =	sld [smem:$0x3FA8]  }
0x31: {  	[smem:$0x3FB1] =	sst s10  }
0x32: {  	s10 =	sld [smem:$0x3FAF];
	_ =	sdelay $0x3  }
0x33: {  	p0 =	seq.s32 s10, $0x1;
	s10 =	sld [smem:$0x3FB1];
	_ =	sdelay $0x3  }
0x34: {  	[smem:$0x3FB1] =	sst s10  }
0x35: {  	s10 =	sld [smem:$0x3FB0];
	_ =	sdelay $0x3  }
0x36: {  	p1 =	seq.s32 s10, $0x1;
	s10 =	sld [smem:$0x3FB1];
	_ =	sdelay $0x3  }
0x37: {  	[smem:$0x3FB1] =	sst s10  }
0x38: {  	s10 =	sld [smem:$0x3FB2]  }
0x39: {  	_ = 	snop;
	(pc) =	sbr.ind lr, $3  }
0x3a: {  	_ = 	snop  }
0x3b: {  	_ = 	snop  }
0x3c: {  	p2 =	seq.s32 s10, $0x1;
	s10 =	sld [smem:$0x3FB1]  }
0x3d: {  	_ =	shalt  }
0x3e: {  	_ =	shalt  }
0x3f: {  	_ =	shalt  }
0x40: {  	_ =	shalt  }
0x41: {  	_ =	shalt  }
0x42: {  	_ =	shalt  }
0x43: {  	_ =	shalt  }
0x44: {  	_ =	shalt  }
0x45: {  	_ =	shalt  }
0x46: {  	_ =	shalt  }
0x47: {  	_ =	shalt  }
0x48: {  	_ =	shalt  }
0x49: {  	_ =	shalt  }
0x4a: {  	_ =	shalt  }
0x4b: {  	_ =	shalt  }
0x4c: {  	_ =	shalt  }
0x4d: {  	_ =	shalt  }
0x4e: {  	_ =	shalt  }
0x4f: {  	_ =	shalt  }
0x50: {  	_ =	shalt  }
0x51: {  	_ =	shalt  }
0x52: {  	_ =	shalt  }
0x53: {  	_ =	shalt  }
0x54: {  	_ =	shalt  }
0x55: {  	_ =	shalt  }
0x56: {  	_ =	shalt  }
0x57: {  	_ =	shalt  }
0x58: {  	_ =	shalt  }
0x59: {  	_ =	shalt  }
0x5a: {  	_ =	shalt  }
0x5b: {  	_ =	shalt  }
0x5c: {  	_ =	shalt  }
0x5d: {  	_ =	shalt  }
0x5e: {  	_ =	shalt  }
0x5f: {  	_ =	shalt  }
0x60: {  	_ =	shalt  }
0x61: {  	_ =	shalt  }
0x62: {  	_ =	shalt  }
0x63: {  	_ =	shalt  }
0x64: {  	_ =	shalt  }
0x65: {  	_ =	shalt  }
0x66: {  	_ =	shalt  }
0x67: {  	_ =	shalt  }
0x68: {  	_ =	shalt  }
0x69: {  	_ =	shalt  }
0x6a: {  	_ =	shalt  }
0x6b: {  	_ =	shalt  }
0x6c: {  	_ =	shalt  }
0x6d: {  	_ =	shalt  }
0x6e: {  	_ =	shalt  }
0x6f: {  	_ =	shalt  }
0x70: {  	_ =	shalt  }
0x71: {  	_ =	shalt  }
0x72: {  	_ =	shalt  }
0x73: {  	_ =	shalt  }
0x74: {  	_ =	shalt  }
0x75: {  	_ =	shalt  }
0x76: {  	_ =	shalt  }
0x77: {  	_ =	shalt  }
0x78: {  	_ =	shalt  }
0x79: {  	_ =	shalt  }
0x7a: {  	_ =	shalt  }
0x7b: {  	_ =	shalt  }
0x7c: {  	_ =	shalt  }
0x7d: {  	_ =	shalt  }
0x7e: {  	_ =	shalt  }
0x7f: {  	_ =	shalt  }
0x80: {  	_ =	shalt  }
0x81: {  	_ =	shalt  }
0x82: {  	_ =	shalt  }
0x83: {  	_ =	shalt  }
0x84: {  	_ =	shalt  }
0x85: {  	_ =	shalt  }
0x86: {  	_ =	shalt  }
0x87: {  	_ =	shalt  }
.Lfunc_end0:
.L_simem_size_0:
called_computation.3_lowered:
.L_overlay_start_0:
0x88: {  	s2 =	sld [smem:$0x3FD9]  }
0x89: {  	s3 =	sld [smem:$0x3FFE];
	_ =	sdelay $0x1  }
0x8a: {  	s1 =	srdreg.scid  }
0x8b: {  	s0 =	sand.u32 $0x1, s1  }
0x8c: {  	s16 =	sshll.u32 s0, $0xA;
	s2 =	sadd.s32 s3, s2  }
0x8d: {  	s2 =	sadd.s32 s2, s16  }
0x8e: {  	[smem:$0x3FBD] =	sst s2  }
0x8f: {  	_ = 	snop  }
0x90: {  	(tm) =	ssettm $0x1  }
0x91: {  	s17 =	sld [smem:$0x3FFB];
	_ =	sdelay $0x3  }
0x92: {  	_ =	strace s17  }
0x93: {  	s2 =	sld [smem:$0x3FFC];
	_ =	sdelay $0x3  }
0x94: {  	_ =	strace s2  }
0x95: {  	s2 =	sld [smem:$0x3FFD];
	_ =	sdelay $0x3  }
0x96: {  	_ =	strace s2  }
0x97: {  	_ =	strace $0x8FFFFFFF  }
0x98: {  	s18 =	sld [smem:$0x3FDB];
	_ =	sdelay $0x1  }
0x99: {  	s19 =	simm.s32 $_scs_section_size  }
0x9a: {  	s4 =	simm.s32 $_size__tile_overlayer_lowered;
	s5 =	simm.s32 $_tile_overlayer_lowered  }
0x9b: {  	s22 =	simm.s32 $0x1BFF;
	s21 =	sshll.u32 s5, $0x1;
	s2 =	sadd.s32 s19, s18  }
0x9c: {  	s6 =	simm.s32 $0x0;
	s20 =	sshll.u32 s4, $0x1;
	s4 =	sadd.s32 s21, s2  }
0x9d: {  	[timem:s6], [sflag:s22] =	dma.local [hbm:s4], s20  }
0x9e: {  	_ =	swait.ge [sflag:s22], s20  }
0x9f: {  	s3 =	ssub.s32 $0x0, s20;
	[sflag:s22] =	ssyncset.done $0x0  }
0xa0: {  	[sflag:s22] =	ssyncadd.s32 s3;
	_ =	sdelay $0x1  }
0xa1: {  	s23 =	simm.s32 $0x1B8B  }
0xa2: {  	_ =	swait.ge [sflag:s23], $0x1  }
0xa3: {  	[sflag:s23] =	ssyncset.done $0x0  }
0xa4: {  	s25 =	simm.s32 $0x1B8E;
	s24 =	sld [smem:$0x3FFE];
	[sflag:s23] =	ssyncadd.s32 $0xFFFFFFFF  }
0xa5: {  	s26 =	simm.s32 $execute0_lowered;
	[smem:$0x3FD2] =	sst s25  }
0xa6: {  	s4 =	sshll.u32 s26, $0x1;
	_ =	strace $0x8000004F;
	[dreg:$0x1] =	wrdreg $0xFFFFFFFF  }
0xa7: {  	s28 =	simm.s32 $_size_execute0_lowered;
	s2 =	sadd.s32 s2, s4;
	[dreg:$0x0] =	wrdreg $0x0  }
0xa8: {  	s4 =	sshll.u32 s28, $0x1;
	[dreg:$0x2] =	wrdreg s2  }
0xa9: {  	[dreg:$0x3] =	wrdreg s4  }
0xaa: {  	[dreg:$0x4] =	wrdreg $0xC0  }
0xab: {  	_ =	task [dreg:s6], $0x5FFFF  }
0xac: {  	[dreg:$0x1] =	wrdreg $0xFFFFFFFF  }
0xad: {  	[dreg:$0x0] =	wrdreg $0x60  }
0xae: {  	[dreg:$0x2] =	wrdreg s24  }
0xaf: {  	[dreg:$0x3] =	wrdreg $0xDF000  }
0xb0: {  	[dreg:$0x4] =	wrdreg $0x9  }
0xb1: {  	_ =	task.clear_ibuf [dreg:s6], $0x5FFFF;
	_ =	strace $0x9000004F  }
0xb2: {  	s29 =	simm.s32 $0x9;
	_ =	strace $0x80000051  }
0xb3: {  	_ =	swait.ge [sflag:s29], $0x1  }
0xb4: {  	[sflag:s29] =	ssyncadd.s32 $0xFFFFFFFF  }
0xb5: {  	_ =	strace $0x90000051  }
0xb6: {  	_ =	sfence  }
0xb7: {  	s30 =	sld [smem:$0x0];
	_ =	sdelay $0x2  }
0xb8: {  	s31 =	sshll.u32 s1, $0xD;
	s1 =	sshrl.u32 s1, $0x2  }
0xb9: {  	s3 =	sand.u32 $0x4000, s31;
	s1 =	sadd.s32 s1, s30  }
0xba: {  	s0 =	sor.u32 s3, s0;
	s1 =	sshll.u32 s1, $0x11  }
0xbb: {  	s0 =	sor.u32 s1, s0  }
0xbc: {  	s0 =	sadd.s32 $0x8F2B, s0  }
0xbd: {  	[sflag:s0] =	ssyncadd.remote.s32 $0x1  }
0xbe: {  	_ =	sfence.sel $0xFFFF  }
0xbf: {  	[dreg:$0x0] =	wrdreg $0xFFFFFFFF;
	(pc) =	sbr.abs _section_cstart, $3  }
0xc0: {  	[dreg:$0x1] =	wrdreg $0xFFFFFFFF  }
0xc1: {  	_ =	task.clear_ibuf [dreg:s6], $0x2FFFF;
	_ =	strace $0x9FFFFFFF  }
0xc2: {  	(tm) =	ssettm $0x7FFFFFFF  }
0xc3: {  	_ =	shalt  }
tec
execute0_lowered:
.L_overlay_start_1:
0x0: {  	(tag) =	ssettag $0x1  }
0x1: {  	s5 =	rddreg [dreg:$0x0]  }
0x2: {  	s2 =	rddreg [dreg:$0x1];
	s4 =	srdreg.scid  }
0x3: {  	s1 =	stileid.u32;
	s3 =	simm.s32 $0x0;
	s11 =	simm.s32 $0x9000  }
0x4: {  	s12 =	simm.s32 $0x5;
	s13 =	simm.s32 $0x1;
	s14 =	simm.s32 $0x2  }
0x5: {  	s15 =	simm.s32 $0x80;
	s16 =	simm.s32 $0x5000;
	s17 =	simm.s32 $0x6000  }
0x6: {  	s18 =	simm.s32 $0x100;
	s19 =	simm.s32 $0x7000;
	s20 =	simm.s32 $0x180  }
0x7: {  	s21 =	simm.s32 $0x8000;
	s22 =	simm.s32 $0x3;
	s23 =	simm.s32 $0x4  }
0x8: {  	s24 =	simm.s32 $0x4E00;
	s25 =	simm.s32 $0x4E80;
	s26 =	simm.s32 $0x4F00  }
0x9: {  	s28 =	simm.s32 $0x4F80;
	s29 =	simm.s32 $0x0;
	s4 =	sand.u32 $0x1, s4  }
0xa: {  	s7 =	smul.u32 $0x4F00, s1;
	[smem:$0x7FF] =	sst s3;
	s6 =	sshll.u32 s1, $0x1  }
0xb: {  	s8 =	smul.u32 $0x4F000, s4;
	_ =	strace $0x80000050;
	s9 =	ssub.s32 $0x2, s4  }
0xc: {  	s6 =	sor.u32 s4, s6;
	s4 =	sadd.s32 $0xC600, s5;
	s10 =	sshrl.u32 s9, $0x1  }
0xd: {  	s6 =	smul.u32 $0x500, s6;
	s8 =	sadd.s32 s7, s8;
	s9 =	ssub.s32 s9, s10  }
0xe: {  	s7 =	sadd.s32 s7, s2;
	s10 =	simm.s32 $0x2800;
	s8 =	sshrl.u32 s8, $0x3  }
0xf: {  	s6 =	sadd.s32 s6, s5;
	s9 =	smax.u32 s9, $0x1;
	s8 =	sadd.s32 s8, s5  }
0x10: {  	v0 =	vimm.f32 $0.0e+00;
	s5 =	sadd.s32 $0x16400, s6;
	s6 =	sadd.s32 $0x2600, s6;
	s8 =	sadd.s32 $0x20400, s8  }
.LBB2_1:
0x11: {  	[tilespmem:s3], [sflag:$0x1] =	stream.linear.gather [hbm4b:s5+s3], $0x2800, $0x38;
	[tilespmem:$0x12E00] =	vst v63  }
0x12: {  	s30 =	simm.s32 $0x80;
	s31 =	simm.s32 $0x0  }
0x13: {  	[tilespmem:s10], [sflag:$0x2] =	stream.linear.gather [hbm4b:s6+s3], $0x2800, $0x38;
	[tilespmem:$0x12E00] =	vst v63  }
.LBB2_2:
0x14: {  	p0 =	sne.s32 s30, $0x13B80;
	[tilespmem:s31+$0x9000] =	vst v0;
	s0 =	smov.u32 s30;
	s30 =	sadd.s32 $0x80, s30  }
.Ltmp0:
0x15: {  	[tilespmem:s31+$0x9010] =	vst v0;
	(pc) =	sbr.rel @p0 .LBB2_2-.Ltmp0, $2  }
0x16: {  	_ =	sdelay $0x2  }
0x17: {  	s31 =	sshra.s32 s0, $0x2  }
0x18: {  	[tilespmem:s31+$0x9000] =	vst v0  }
0x19: {  	[tilespmem:s31+$0x9010] =	vst v0  }
0x1a: {  	[spmem:s7] =	stream.linear.scatter [tilespmem:s11], [sflag:$0x5], $0x4F00, $0x38;
	[tilespmem:$0x12E00] =	vst v63  }
0x1b: {  	_ =	swait.ge [sflag:s12], $0x4F00  }
0x1c: {  	[sflag:s12] =	ssyncset.done $0x0  }
0x1d: {  	[sflag:s12] =	ssyncadd.s32 $0xFFFFB100  }
0x1e: {  	_ =	swait.ge [sflag:s13], $0x2800  }
0x1f: {  	[sflag:s13] =	ssyncset.done $0x0  }
0x20: {  	[sflag:s13] =	ssyncadd.s32 $0xFFFFD800  }
0x21: {  	_ =	swait.ge [sflag:s14], $0x2800  }
0x22: {  	[sflag:s14] =	ssyncset.done $0x0  }
0x23: {  	[sflag:s14] =	ssyncadd.s32 $0xFFFFD800  }
0x24: {  	s0 =	simm.s32 $0x0;
	[bflag:$0x0] =	sbarrier.arrive $0xFFFF  }
0x25: {  	[tilespmem:s16], [sflag:$0x1] =	stream.indirect.gather [hbm4b:s4+s15], $0x20, s0, s15, $0xb8;
	[tilespmem:$0x12E00] =	vst v63  }
0x26: {  	_ = 	snop  }
0x27: {  	[tilespmem:s17], [sflag:$0x2] =	stream.indirect.gather [hbm4b:s4+s15], $0x20, s15, s15, $0xb8;
	[tilespmem:$0x12E00] =	vst v63  }
0x28: {  	_ = 	snop  }
0x29: {  	[tilespmem:s19], [sflag:$0x3] =	stream.indirect.gather [hbm4b:s4+s15], $0x20, s18, s15, $0xb8;
	[tilespmem:$0x12E00] =	vst v63  }
0x2a: {  	_ = 	snop  }
0x2b: {  	[tilespmem:s21], [sflag:$0x4] =	stream.indirect.gather [hbm4b:s4+s15], $0x20, s20, s15, $0xb8;
	[tilespmem:$0x12E00] =	vst v63  }
0x2c: {  	_ =	swait.ge [sflag:s13], $0x1000  }
0x2d: {  	[sflag:s13] =	ssyncset.done $0x0  }
0x2e: {  	s0 =	simm.s32 $0x2800;
	[sflag:s13] =	ssyncadd.s32 $0xFFFFF000  }
0x2f: {  	[spmem:s2] =	stream.indirect.scatter.add.f32 [tilespmem:s16], [sflag:$0x5], $0x20, s0, s15, $0xb8;
	[tilespmem:$0x12E00] =	vst v63  }
0x30: {  	_ =	swait.ge [sflag:s12], $0x1000  }
0x31: {  	[sflag:s12] =	ssyncset.done $0x0  }
0x32: {  	s0 =	simm.s32 $0x200;
	[sflag:s12] =	ssyncadd.s32 $0xFFFFF000  }
0x33: {  	[tilespmem:s16], [sflag:$0x1] =	stream.indirect.gather [hbm4b:s4+s15], $0x20, s0, s15, $0xb8;
	[tilespmem:$0x12E00] =	vst v63  }
0x34: {  	_ =	swait.ge [sflag:s14], $0x1000  }
0x35: {  	[sflag:s14] =	ssyncset.done $0x0  }
0x36: {  	s0 =	simm.s32 $0x2880;
	[sflag:s14] =	ssyncadd.s32 $0xFFFFF000  }
0x37: {  	[spmem:s2] =	stream.indirect.scatter.add.f32 [tilespmem:s17], [sflag:$0x5], $0x20, s0, s15, $0xb8;
	[tilespmem:$0x12E00] =	vst v63  }
0x38: {  	_ =	swait.ge [sflag:s12], $0x1000  }
0x39: {  	[sflag:s12] =	ssyncset.done $0x0  }
0x3a: {  	s0 =	simm.s32 $0x280;
	[sflag:s12] =	ssyncadd.s32 $0xFFFFF000  }
0x3b: {  	[tilespmem:s17], [sflag:$0x2] =	stream.indirect.gather [hbm4b:s4+s15], $0x20, s0, s15, $0xb8;
	[tilespmem:$0x12E00] =	vst v63  }
0x3c: {  	_ =	swait.ge [sflag:s22], $0x1000  }
0x3d: {  	[sflag:s22] =	ssyncset.done $0x0  }
0x3e: {  	s0 =	simm.s32 $0x2900;
	[sflag:s22] =	ssyncadd.s32 $0xFFFFF000  }
0x3f: {  	[spmem:s2] =	stream.indirect.scatter.add.f32 [tilespmem:s19], [sflag:$0x5], $0x20, s0, s15, $0xb8;
	[tilespmem:$0x12E00] =	vst v63  }
0x40: {  	_ =	swait.ge [sflag:s12], $0x1000  }
0x41: {  	[sflag:s12] =	ssyncset.done $0x0  }
0x42: {  	s0 =	simm.s32 $0x300;
	[sflag:s12] =	ssyncadd.s32 $0xFFFFF000  }
0x43: {  	[tilespmem:s19], [sflag:$0x3] =	stream.indirect.gather [hbm4b:s4+s15], $0x20, s0, s15, $0xb8;
	[tilespmem:$0x12E00] =	vst v63  }
0x44: {  	_ =	swait.ge [sflag:s23], $0x1000  }
0x45: {  	[sflag:s23] =	ssyncset.done $0x0  }
0x46: {  	s0 =	simm.s32 $0x2980;
	[sflag:s23] =	ssyncadd.s32 $0xFFFFF000  }
0x47: {  	[spmem:s2] =	stream.indirect.scatter.add.f32 [tilespmem:s21], [sflag:$0x5], $0x20, s0, s15, $0xb8;
	[tilespmem:$0x12E00] =	vst v63  }
0x48: {  	_ =	swait.ge [sflag:s12], $0x1000  }
0x49: {  	[sflag:s12] =	ssyncset.done $0x0  }
0x4a: {  	s30 =	simm.s32 $0x800;
	s31 =	simm.s32 $0x380;
	[sflag:s12] =	ssyncadd.s32 $0xFFFFF000  }
.LBB2_4:
0x4b: {  	[tilespmem:s21], [sflag:$0x4] =	stream.indirect.gather [hbm4b:s4+s15], $0x20, s31, s15, $0xb8;
	[tilespmem:$0x12E00] =	vst v63  }
0x4c: {  	s0 =	smov.u32 s30  }
0x4d: {  	p0 =	sne.s32 s30, $0x9000;
	s30 =	sadd.s32 $0x800, s30;
	_ =	swait.ge [sflag:s13], $0x1000  }
0x4e: {  	s31 =	sshra.s32 s0, $0x2;
	[sflag:s13] =	ssyncset.done $0x0  }
0x4f: {  	s0 =	sadd.s32 $0x2800, s31;
	[sflag:s13] =	ssyncadd.s32 $0xFFFFF000  }
0x50: {  	[spmem:s2] =	stream.indirect.scatter.add.f32 [tilespmem:s16], [sflag:$0x5], $0x20, s0, s15, $0xb8;
	[tilespmem:$0x12E00] =	vst v63  }
0x51: {  	_ =	swait.ge [sflag:s12], $0x1000  }
0x52: {  	[sflag:s12] =	ssyncset.done $0x0  }
0x53: {  	s0 =	sadd.s32 $0x200, s31;
	[sflag:s12] =	ssyncadd.s32 $0xFFFFF000  }
0x54: {  	[tilespmem:s16], [sflag:$0x1] =	stream.indirect.gather [hbm4b:s4+s15], $0x20, s0, s15, $0xb8;
	[tilespmem:$0x12E00] =	vst v63  }
0x55: {  	_ =	swait.ge [sflag:s14], $0x1000  }
0x56: {  	[sflag:s14] =	ssyncset.done $0x0  }
0x57: {  	s0 =	sadd.s32 $0x2880, s31;
	[sflag:s14] =	ssyncadd.s32 $0xFFFFF000  }
0x58: {  	[spmem:s2] =	stream.indirect.scatter.add.f32 [tilespmem:s17], [sflag:$0x5], $0x20, s0, s15, $0xb8;
	[tilespmem:$0x12E00] =	vst v63  }
0x59: {  	_ =	swait.ge [sflag:s12], $0x1000  }
0x5a: {  	[sflag:s12] =	ssyncset.done $0x0  }
0x5b: {  	s0 =	sadd.s32 $0x280, s31;
	[sflag:s12] =	ssyncadd.s32 $0xFFFFF000  }
0x5c: {  	[tilespmem:s17], [sflag:$0x2] =	stream.indirect.gather [hbm4b:s4+s15], $0x20, s0, s15, $0xb8;
	[tilespmem:$0x12E00] =	vst v63  }
0x5d: {  	_ =	swait.ge [sflag:s22], $0x1000  }
0x5e: {  	[sflag:s22] =	ssyncset.done $0x0  }
0x5f: {  	s0 =	sadd.s32 $0x2900, s31;
	[sflag:s22] =	ssyncadd.s32 $0xFFFFF000  }
0x60: {  	[spmem:s2] =	stream.indirect.scatter.add.f32 [tilespmem:s19], [sflag:$0x5], $0x20, s0, s15, $0xb8;
	[tilespmem:$0x12E00] =	vst v63  }
0x61: {  	_ =	swait.ge [sflag:s12], $0x1000  }
0x62: {  	[sflag:s12] =	ssyncset.done $0x0  }
0x63: {  	s0 =	sadd.s32 $0x300, s31;
	[sflag:s12] =	ssyncadd.s32 $0xFFFFF000  }
0x64: {  	[tilespmem:s19], [sflag:$0x3] =	stream.indirect.gather [hbm4b:s4+s15], $0x20, s0, s15, $0xb8;
	[tilespmem:$0x12E00] =	vst v63  }
0x65: {  	_ =	swait.ge [sflag:s23], $0x1000  }
0x66: {  	[sflag:s23] =	ssyncset.done $0x0  }
.Ltmp1:
0x67: {  	s0 =	sadd.s32 $0x2980, s31;
	[sflag:s23] =	ssyncadd.s32 $0xFFFFF000;
	(pc) =	sbr.rel @p0 .LBB2_4-.Ltmp1, $4  }
0x68: {  	[spmem:s2] =	stream.indirect.scatter.add.f32 [tilespmem:s21], [sflag:$0x5], $0x20, s0, s15, $0xb8;
	[tilespmem:$0x12E00] =	vst v63  }
0x69: {  	_ =	swait.ge [sflag:s12], $0x1000  }
0x6a: {  	[sflag:s12] =	ssyncset.done $0x0  }
0x6b: {  	s31 =	sadd.s32 $0x380, s31;
	[sflag:s12] =	ssyncadd.s32 $0xFFFFF000  }
0x6c: {  	[tilespmem:s21], [sflag:$0x4] =	stream.indirect.gather [hbm4b:s4+s15], $0x20, s31, s15, $0xb8;
	[tilespmem:$0x12E00] =	vst v63  }
0x6d: {  	_ =	swait.ge [sflag:s13], $0x1000  }
0x6e: {  	[sflag:s13] =	ssyncset.done $0x0  }
0x6f: {  	[sflag:s13] =	ssyncadd.s32 $0xFFFFF000  }
0x70: {  	[spmem:s2] =	stream.indirect.scatter.add.f32 [tilespmem:s16], [sflag:$0x5], $0x20, s24, s15, $0xb8;
	[tilespmem:$0x12E00] =	vst v63  }
0x71: {  	_ =	swait.ge [sflag:s12], $0x1000  }
0x72: {  	[sflag:s12] =	ssyncset.done $0x0  }
0x73: {  	[sflag:s12] =	ssyncadd.s32 $0xFFFFF000  }
0x74: {  	_ =	swait.ge [sflag:s14], $0x1000  }
0x75: {  	[sflag:s14] =	ssyncset.done $0x0  }
0x76: {  	[sflag:s14] =	ssyncadd.s32 $0xFFFFF000  }
0x77: {  	[spmem:s2] =	stream.indirect.scatter.add.f32 [tilespmem:s17], [sflag:$0x5], $0x20, s25, s15, $0xb8;
	[tilespmem:$0x12E00] =	vst v63  }
0x78: {  	_ =	swait.ge [sflag:s12], $0x1000  }
0x79: {  	[sflag:s12] =	ssyncset.done $0x0  }
0x7a: {  	[sflag:s12] =	ssyncadd.s32 $0xFFFFF000  }
0x7b: {  	_ =	swait.ge [sflag:s22], $0x1000  }
0x7c: {  	[sflag:s22] =	ssyncset.done $0x0  }
0x7d: {  	[sflag:s22] =	ssyncadd.s32 $0xFFFFF000  }
0x7e: {  	[spmem:s2] =	stream.indirect.scatter.add.f32 [tilespmem:s19], [sflag:$0x5], $0x20, s26, s15, $0xb8;
	[tilespmem:$0x12E00] =	vst v63  }
0x7f: {  	_ =	swait.ge [sflag:s12], $0x1000  }
0x80: {  	[sflag:s12] =	ssyncset.done $0x0  }
0x81: {  	[sflag:s12] =	ssyncadd.s32 $0xFFFFF000  }
0x82: {  	_ =	swait.ge [sflag:s23], $0x1000  }
0x83: {  	[sflag:s23] =	ssyncset.done $0x0  }
0x84: {  	[sflag:s23] =	ssyncadd.s32 $0xFFFFF000  }
0x85: {  	[spmem:s2] =	stream.indirect.scatter.add.f32 [tilespmem:s21], [sflag:$0x5], $0x20, s28, s15, $0xb8;
	[tilespmem:$0x12E00] =	vst v63  }
0x86: {  	_ =	swait.ge [sflag:s12], $0x1000  }
0x87: {  	s0 =	sshll.u32 s1, $0x6;
	s29 =	sadd.s32 $0x1, s29;
	[sflag:s12] =	ssyncset.done $0x0  }
0x88: {  	s30 =	sshrl.u32 s7, $0x3;
	p0 =	sne.s32 s29, s9;
	[sflag:s12] =	ssyncadd.s32 $0xFFFFF000  }
.Ltmp2:
0x89: {  	s0 =	sor.u32 $0x1C05, s0;
	[bflag:$0x0] =	sbarrier.arrive $0xFFFF;
	(pc) =	sbr.rel @p0 .LBB2_1-.Ltmp2, $4  }
0x8a: {  	[hbm:s8], [sflag:s0] =	dma.local [spmem:s30], $0x9E0  }
0x8b: {  	_ =	swait.ge [sflag:s12], $0x9E0  }
0x8c: {  	[sflag:s12] =	ssyncset.done $0x0  }
0x8d: {  	[sflag:s12] =	ssyncadd.s32 $0xFFFFF620  }
0x8e: {  	_ =	sfence.sel $0x180000  }
0x8f: {  	[bflag:$0x0] =	sbarrier.arrive $0xFFFF  }
0x90: {  	_ =	strace $0x90000050  }
0x91: {  	[bflag:$0x2] =	sbarrier.arrive $0xFFFF  }
0x92: {  	p0 =	sne.s32 s1, $0x0;
	s0 =	rddreg [dreg:$0x2]  }
0x93: {  	s0 =	sadd.s32 @!p0 $0x100000, s0  }
0x94: {  	[sflag:s0] =	ssyncadd.tile.s32 @!p0 $0x1;
	_ =	shalt  }
.Lfunc_end2:
_tile_overlayer_lowered:
.L_overlay_start_2:
0x95: {  	(tag) =	ssettag $0x2  }
0x96: {  	s0 =	rddreg [dreg:$0x0];
	s2 =	stileid.u32  }
0x97: {  	s1 =	rddreg [dreg:$0x1];
	p0 =	sne.s32 s2, $0x0  }
0x98: {  	s3 =	rddreg [dreg:$0x2];
	[bflag:$0x3] =	sbarrier.arrive $0xFFFF;
	s2 =	simm.s32 @!p0 $0x1C05  }
0x99: {  	[timem:s3], [sflag:s2] =	dma.local @!p0 [hbm:s0], s1  }
0x9a: {  	s0 =	simm.s32 @!p0 $0x5  }
0x9b: {  	_ =	swait.ge @!p0 [sflag:s0], s1  }
0x9c: {  	s1 =	ssub.s32 @!p0 $0x0, s1;
	[sflag:s0] =	ssyncset.done @!p0 $0x0  }
0x9d: {  	[sflag:s0] =	ssyncadd.s32 @!p0 s1  }
0x9e: {  	[bflag:$0x3] =	sbarrier.arrive $0xFFFF  }
0x9f: {  	_ =	shalt  }

</sc_bundles>
